<compile_context>
chip_gen: v7x
topology: tpu7x:2x2x1
jax: 0.10.2.dev20260603
libtpu: 0.0.44.dev20260713+nightly
codegen_flags: <defaults>
</compile_context>

<pallas_src>
import functools

import jax
import jax.numpy as jnp
from jax import lax
from jax.experimental import pallas as pl
from jax.experimental.pallas import tpu as pltpu
from jax.experimental.pallas import tpu_sc as plsc

_EPS = 1e-5
_CH = 128
_NSUB = 16
_GRP = 16


def _silu(v):
    return v * jax.nn.sigmoid(v)


def _stats_body(n_rows, x_ref, g_ref, b_ref, ab_ref, acc_ref):
    i = pl.program_id(0)
    nb = pl.num_programs(0)
    blk = x_ref[...]

    @pl.when(i == 0)
    def _():
        acc_ref[...] = jnp.zeros_like(acc_ref)

    acc_ref[0:1, :] += jnp.sum(blk, axis=0, keepdims=True)
    acc_ref[1:2, :] += jnp.sum(blk * blk, axis=0, keepdims=True)

    @pl.when(i == nb - 1)
    def _():
        mu = acc_ref[0:1, :] / n_rows
        var = acc_ref[1:2, :] / n_rows - mu * mu
        a = g_ref[...] * lax.rsqrt(var + _EPS)
        ab_ref[0:1, :] = a
        ab_ref[1:2, :] = b_ref[...] - mu * a


def _bn_stats(x, g, b, bn):
    n, f = x.shape
    grid = n // bn
    return pl.pallas_call(
        functools.partial(_stats_body, float(n)),
        grid=(grid,),
        in_specs=[
            pl.BlockSpec((bn, f), lambda i: (i, 0)),
            pl.BlockSpec((1, f), lambda i: (0, 0)),
            pl.BlockSpec((1, f), lambda i: (0, 0)),
        ],
        out_specs=pl.BlockSpec((2, f), lambda i: (0, 0)),
        out_shape=jax.ShapeDtypeStruct((2, f), jnp.float32),
        scratch_shapes=[pltpu.VMEM((2, f), jnp.float32)],
    )(x, g.reshape(1, f), b.reshape(1, f))


def _conv_tab_body(kvol, x_ref, ab_ref, w_ref, o_ref):
    a = ab_ref[0:1, :]
    b = ab_ref[1:2, :]
    h = x_ref[...] * a + b
    h = _silu(h).astype(jnp.bfloat16)
    for k in range(kvol):
        m = jnp.dot(h, w_ref[k], preferred_element_type=jnp.float32)
        o_ref[0, k] = m[:, :128]
        o_ref[1, k] = m[:, 128:]


def _conv_table(x, ab, w, bn):
    n, f = x.shape
    kvol, _, fo = w.shape
    fh = fo // 2
    grid = n // bn
    tab = pl.pallas_call(
        functools.partial(_conv_tab_body, kvol),
        grid=(grid,),
        in_specs=[
            pl.BlockSpec((bn, f), lambda i: (i, 0)),
            pl.BlockSpec((2, f), lambda i: (0, 0)),
            pl.BlockSpec((kvol, f, fo), lambda i: (0, 0, 0)),
        ],
        out_specs=pl.BlockSpec((2, kvol, bn, fh), lambda i: (0, 0, i, 0)),
        out_shape=jax.ShapeDtypeStruct((2, kvol, n, fh), jnp.float32),
    )(x, ab, w.astype(jnp.bfloat16))
    return tab.reshape(2 * kvol * n, fh)


def _sc_gs_body(nch, nacc, n_out, fh,
                tab, gidx4, dst3, zeros,
                out, idx_b, dst_b, rows0, rows1, acc, sem0, sem1):
    c = lax.axis_index("c")
    s = lax.axis_index("s")

    rz = nacc // _NSUB
    pltpu.sync_copy(zeros.at[pl.ds(s * rz, rz)], acc.at[pl.ds(s * rz, rz)])
    plsc.subcore_barrier()

    ngrp = nch // _GRP
    ghalf = _GRP // 2

    def group(g, carry):
        pltpu.sync_copy(gidx4.at[c, s, pl.ds(g * _GRP, _GRP)], idx_b)
        pltpu.sync_copy(dst3.at[s, pl.ds(g * _GRP, _GRP)], dst_b)
        pltpu.async_copy(tab.at[idx_b.at[0]], rows0, sem0)

        def body(i, carry2):
            j0 = 2 * i
            j1 = j0 + 1
            pltpu.make_async_copy(tab.at[idx_b.at[j0]], rows0, sem0).wait()
            pltpu.async_copy(tab.at[idx_b.at[j1]], rows1, sem1)
            pltpu.sync_copy(rows0, acc.at[dst_b.at[j0]], add=True)
            pltpu.make_async_copy(tab.at[idx_b.at[j1]], rows1, sem1).wait()

            @pl.when(i + 1 < ghalf)
            def _():
                pltpu.async_copy(tab.at[idx_b.at[j0 + 2]], rows0, sem0)

            pltpu.sync_copy(rows1, acc.at[dst_b.at[j1]], add=True)
            return carry2

        lax.fori_loop(0, ghalf, body, 0)
        return carry

    lax.fori_loop(0, ngrp, group, 0)
    plsc.subcore_barrier()

    ro = n_out // _NSUB
    pltpu.sync_copy(acc.at[pl.ds(s * ro, ro)],
                    out.at[c, pl.ds(s * ro, ro)])


def _sc_gather_scatter(tab, gidx4, dst3, zeros, n_out):
    fh = tab.shape[1]
    nch = dst3.shape[1]
    nacc = zeros.shape[0]
    mesh = plsc.VectorSubcoreMesh(core_axis_name="c", subcore_axis_name="s")
    body = functools.partial(_sc_gs_body, nch, nacc, n_out, fh)
    out = pl.kernel(
        body,
        out_type=jax.ShapeDtypeStruct((2, n_out, fh), jnp.float32),
        mesh=mesh,
        scratch_types=[
            pltpu.VMEM((_GRP, _CH), jnp.int32),
            pltpu.VMEM((_GRP, _CH), jnp.int32),
            pltpu.VMEM((_CH, fh), jnp.float32),
            pltpu.VMEM((_CH, fh), jnp.float32),
            pltpu.VMEM_SHARED((nacc, fh), jnp.float32),
            pltpu.SemaphoreType.DMA,
            pltpu.SemaphoreType.DMA,
        ],
    )(tab, gidx4, dst3, zeros)
    return out[0], out[1]


def _epi1_body(n_rows, nbatch, acca_ref, accb_ref, b1_ref, t_ref, wt_ref,
               bt_ref, bi_ref, h_ref, ab_ref, sacc_ref, temb_ref):
    i = pl.program_id(0)
    nb = pl.num_programs(0)

    @pl.when(i == 0)
    def _():
        temb_ref[...] = (
            jnp.dot(_silu(t_ref[...]), wt_ref[...],
                    preferred_element_type=jnp.float32) + bt_ref[...])
        sacc_ref[...] = jnp.zeros_like(sacc_ref)

    bi = bi_ref[0, 0, :]
    oh = (bi[:, None] == lax.broadcasted_iota(jnp.int32, (bi.shape[0], nbatch), 1)
          ).astype(jnp.float32)
    tembp = jnp.dot(oh, temb_ref[0:nbatch, :], preferred_element_type=jnp.float32)
    h = (jnp.concatenate([acca_ref[...], accb_ref[...]], axis=1)
         + b1_ref[...] + tembp)
    h_ref[...] = h

    sacc_ref[0:1, :] += jnp.sum(h, axis=0, keepdims=True)
    sacc_ref[1:2, :] += jnp.sum(h * h, axis=0, keepdims=True)

    @pl.when(i == nb - 1)
    def _():
        mu = sacc_ref[0:1, :] / n_rows
        var = sacc_ref[1:2, :] / n_rows - mu * mu
        r = lax.rsqrt(var + _EPS)
        ab_ref[0:1, :] = r
        ab_ref[1:2, :] = -mu * r


def _epilogue1(acca, accb, b1, t, wt, bt, bidx, g2, b2g, bn, n):
    fh = acca.shape[1]
    f = 2 * fh
    nbatch, temb_dim = t.shape
    tpad = jnp.zeros((8, temb_dim), jnp.float32).at[0:nbatch].set(t)
    bidx3 = bidx.reshape(n // bn, 1, bn)
    grid = n // bn
    h, ab = pl.pallas_call(
        functools.partial(_epi1_body, float(n), nbatch),
        grid=(grid,),
        in_specs=[
            pl.BlockSpec((bn, fh), lambda i: (i, 0)),
            pl.BlockSpec((bn, fh), lambda i: (i, 0)),
            pl.BlockSpec((1, f), lambda i: (0, 0)),
            pl.BlockSpec((8, temb_dim), lambda i: (0, 0)),
            pl.BlockSpec((temb_dim, f), lambda i: (0, 0)),
            pl.BlockSpec((1, f), lambda i: (0, 0)),
            pl.BlockSpec((1, 1, bn), lambda i: (i, 0, 0)),
        ],
        out_specs=[
            pl.BlockSpec((bn, f), lambda i: (i, 0)),
            pl.BlockSpec((2, f), lambda i: (0, 0)),
        ],
        out_shape=[
            jax.ShapeDtypeStruct((n, f), jnp.float32),
            jax.ShapeDtypeStruct((2, f), jnp.float32),
        ],
        scratch_shapes=[
            pltpu.VMEM((2, f), jnp.float32),
            pltpu.VMEM((8, f), jnp.float32),
        ],
    )(acca, accb, b1.reshape(1, f), tpad, wt, bt.reshape(1, f), bidx3)
    a = ab[0:1] * g2.reshape(1, f)
    b = ab[1:2] * g2.reshape(1, f) + b2g.reshape(1, f)
    return h, jnp.concatenate([a, b], axis=0)


def _final_body(acca_ref, accb_ref, b2_ref, x_ref, o_ref):
    o_ref[...] = (jnp.concatenate([acca_ref[...], accb_ref[...]], axis=1)
                  + b2_ref[...] + x_ref[...])


def _final(acca, accb, b2, x, bn):
    n, f = x.shape
    fh = acca.shape[1]
    grid = n // bn
    return pl.pallas_call(
        _final_body,
        grid=(grid,),
        in_specs=[
            pl.BlockSpec((bn, fh), lambda i: (i, 0)),
            pl.BlockSpec((bn, fh), lambda i: (i, 0)),
            pl.BlockSpec((1, f), lambda i: (0, 0)),
            pl.BlockSpec((bn, f), lambda i: (i, 0)),
        ],
        out_specs=pl.BlockSpec((bn, f), lambda i: (i, 0)),
        out_shape=jax.ShapeDtypeStruct((n, f), jnp.float32),
    )(acca, accb, b2.reshape(1, f), x)


def kernel(x, t, edge_index, kernel_offset, batch_idx,
           bn1_g, bn1_b, W1, b1, bn2_g, bn2_b, W2, b2, Wt, bt):
    n, f = x.shape
    e = edge_index.shape[1]
    kvol = W1.shape[0]
    bn = 200 if n % 200 == 0 else 8

    src = edge_index[0].astype(jnp.int32)
    dst = edge_index[1].astype(jnp.int32)
    koff = kernel_offset.astype(jnp.int32)
    gidx = koff * n + src
    bidx = batch_idx.astype(jnp.int32)

    step = _NSUB * _CH * _GRP
    e_pad = ((e + step - 1) // step) * step
    nch = e_pad // (_NSUB * _CH)
    n_out = ((n + 127) // 128) * 128
    if n_out > n:
        nacc, dump = n_out, n
    else:
        nacc, dump = n_out + 128, n_out
    gidx_pad = jnp.zeros((e_pad,), jnp.int32).at[:e].set(gidx)
    gidx4 = jnp.stack([gidx_pad, gidx_pad + kvol * n]).reshape(2, _NSUB, nch, _CH)
    dst3 = (jnp.full((e_pad,), dump, jnp.int32).at[:e].set(dst)
            .reshape(_NSUB, nch, _CH))
    zeros = jnp.zeros((nacc, f // 2), jnp.float32)

    ab1 = _bn_stats(x, bn1_g, bn1_b, bn)
    tab1 = _conv_table(x, ab1, W1, bn)
    acc1a, acc1b = _sc_gather_scatter(tab1, gidx4, dst3, zeros, n_out)

    h1, ab2 = _epilogue1(acc1a, acc1b, b1, t, Wt, bt, bidx, bn2_g, bn2_b, bn, n)

    tab2 = _conv_table(h1, ab2, W2, bn)
    acc2a, acc2b = _sc_gather_scatter(tab2, gidx4, dst3, zeros, n_out)

    return _final(acc2a, acc2b, b2, x, bn)

# --- scband reference (transcript-rebuilt; emitter-appended) ---
"""Pipeline reference for scband-sparse-residual-block-31473520345592 (READ-ONLY COPY).

The authoritative reference and input builder live on the scoring server;
editing this copy changes nothing except your own understanding.
"""

import jax, jax.numpy as jnp
import numpy as np

N = 10000
E = 160000
F_IN = 256
F_OUT = 256
T_EMB = 512
B = 4
KVOL = 27  # kernel_size=3 -> 3^3 offsets


def setup_inputs(seed: int = 0) -> dict:
    key = jax.random.key(seed)
    ks = jax.random.split(key, 16)
    x = jax.random.normal(ks[0], (N, F_IN), dtype=jnp.float32)
    t = jax.random.normal(ks[1], (B, T_EMB), dtype=jnp.float32)
    edge_index = jax.random.randint(ks[2], (2, E), 0, N, dtype=jnp.int64)
    kernel_offset = jax.random.randint(ks[3], (E,), 0, KVOL, dtype=jnp.int64)
    batch_idx = jnp.sort(jax.random.randint(ks[4], (N,), 0, B, dtype=jnp.int64))
    # parameters
    bn1_g = jnp.ones((F_IN,), jnp.float32)
    bn1_b = jnp.zeros((F_IN,), jnp.float32)
    W1 = jax.random.normal(ks[5], (KVOL, F_IN, F_OUT), dtype=jnp.float32) * (1.0 / np.sqrt(F_IN * KVOL))
    b1 = jnp.zeros((F_OUT,), jnp.float32)
    bn2_g = jnp.ones((F_OUT,), jnp.float32)
    bn2_b = jnp.zeros((F_OUT,), jnp.float32)
    W2 = jax.random.normal(ks[6], (KVOL, F_OUT, F_OUT), dtype=jnp.float32) * (1.0 / np.sqrt(F_OUT * KVOL))
    b2 = jnp.zeros((F_OUT,), jnp.float32)
    Wt = jax.random.normal(ks[7], (T_EMB, F_OUT), dtype=jnp.float32) * (1.0 / np.sqrt(T_EMB))
    bt = jnp.zeros((F_OUT,), jnp.float32)
    return {"x": x, "t": t, "edge_index": edge_index, "kernel_offset": kernel_offset,
            "batch_idx": batch_idx, "bn1_g": bn1_g, "bn1_b": bn1_b, "W1": W1, "b1": b1,
            "bn2_g": bn2_g, "bn2_b": bn2_b, "W2": W2, "b2": b2, "Wt": Wt, "bt": bt}


def _bn(h, g, b, eps=1e-5):
    mu = jnp.mean(h, axis=0)
    var = jnp.var(h, axis=0)
    return (h - mu) / jnp.sqrt(var + eps) * g + b


def _silu(h):
    return h * jax.nn.sigmoid(h)


def _sparse_conv3d(h, W, b, edge_index, kernel_offset):
    # out[dst] += h[src] @ W[koff]  (sparse 3D conv as kernel-offset message passing)
    xW = jnp.einsum('nf,kfo->nko', h, W)              # [N, KVOL, F_OUT]
    msg = xW[edge_index[0], kernel_offset]            # [E, F_OUT] gather
    out = jnp.zeros((h.shape[0], W.shape[2]), h.dtype).at[edge_index[1]].add(msg)
    return out + b


def reference(x, t, edge_index, kernel_offset, batch_idx,
              bn1_g, bn1_b, W1, b1, bn2_g, bn2_b, W2, b2, Wt, bt):
    # conv1: BN -> SiLU -> SparseConv3d
    h = _sparse_conv3d(_silu(_bn(x, bn1_g, bn1_b)), W1, b1, edge_index, kernel_offset)
    # time embedding added per point via batch index (x.C[:, 0])
    temb = _silu(t) @ Wt + bt                         # [B, F_OUT]
    h = h + temb[batch_idx]
    # conv2: BN -> SiLU -> SparseConv3d
    h = _sparse_conv3d(_silu(_bn(h, bn2_g, bn2_b)), W2, b2, edge_index, kernel_offset)
    # residual (features_in == features_out -> Identity)
    return h + x

if __name__ == "__main__":
    import jax
    _d = setup_inputs()
    print(jax.jit(kernel)(*tuple(_d.values())))

</pallas_src>

<mosaic_0001>
#map = affine_map<(d0, d1) -> (0, 0)>
#map1 = affine_map<(d0, d1) -> (0, 0, 0, 0)>
#map2 = affine_map<(d0, d1) -> (0, 0, 0)>
module attributes {stable_mosaic.version = 14 : i64} {
  func.func @_sc_gs_body(%arg0: i32, %arg1: i32, %arg2: memref<540000x128xf32, #tpu.memory_space<hbm>>, %arg3: memref<2x16x80x128xi32, #tpu.memory_space<hbm>>, %arg4: memref<16x80x128xi32, #tpu.memory_space<hbm>>, %arg5: memref<10112x128xf32, #tpu.memory_space<hbm>>, %arg6: memref<2x10112x128xf32, #tpu.memory_space<hbm>>, %arg7: memref<16x128xi32, #tpu.memory_space<vmem>>, %arg8: memref<16x128xi32, #tpu.memory_space<vmem>>, %arg9: memref<128x128xf32, #tpu.memory_space<vmem>>, %arg10: memref<128x128xf32, #tpu.memory_space<vmem>>, %arg11: memref<10112x128xf32, #tpu.memory_space<vmem_shared>>, %arg12: memref<!tpu.dma_semaphore, #tpu.memory_space<semaphore_mem>>, %arg13: memref<!tpu.dma_semaphore, #tpu.memory_space<semaphore_mem>>) attributes {dimension_semantics = [#tpu.dimension_semantics<core_parallel>, #tpu.dimension_semantics<subcore_parallel>], iteration_bounds = array<i64: 2, 16>, scalar_prefetch = 0 : i64, scratch_operands = 7 : i64, tpu.core_type = #tpu.core_type<sc_vector_subcore>, window_params = [{transform_indices = #map}, {transform_indices = #map1}, {transform_indices = #map2}, {transform_indices = #map}, {transform_indices = #map2}]} {
    %mul3A = arith.constant 632 : i32
    %mul3A_0 = arith.muli %arg1, %mul3A : i32
    %mul3A_1 = arith.constant 632 : i32
    %mul3A_2 = arith.muli %arg1, %mul3A_1 : i32
    "tpu.region"() ({
      %run_scoped3A = tpu.sem_alloc : memref<!tpu.dma_semaphore, #tpu.memory_space<semaphore_mem>>
      %dma_start3A = arith.constant 0 : i32
      %dma_start3A_13 = tpu.memref_slice %arg11[%mul3A_2, %dma_start3A] : memref<10112x128xf32, #tpu.memory_space<vmem_shared>> -> memref<632x128xf32, #tpu.memory_space<vmem_shared>>
      %dma_start3A_14 = arith.constant 0 : i32
      %dma_start3A_15 = tpu.memref_slice %arg5[%mul3A_0, %dma_start3A_14] : memref<10112x128xf32, #tpu.memory_space<hbm>> -> memref<632x128xf32, #tpu.memory_space<hbm>>
      tpu.enqueue_dma source(%dma_start3A_15 : memref<632x128xf32, #tpu.memory_space<hbm>>) target(%dma_start3A_13 : memref<632x128xf32, #tpu.memory_space<vmem_shared>>) target_semaphore(%run_scoped3A : memref<!tpu.dma_semaphore, #tpu.memory_space<semaphore_mem>>)
      %dma_wait3A = arith.constant 0 : i32
      %dma_wait3A_16 = tpu.memref_slice %arg11[%mul3A_2, %dma_wait3A] : memref<10112x128xf32, #tpu.memory_space<vmem_shared>> -> memref<632x128xf32, #tpu.memory_space<vmem_shared>>
      %dma_wait3A_17 = arith.constant 0 : i32
      %dma_wait3A_18 = tpu.memref_slice %arg5[%mul3A_0, %dma_wait3A_17] : memref<10112x128xf32, #tpu.memory_space<hbm>> -> memref<632x128xf32, #tpu.memory_space<hbm>>
      tpu.wait_dma2 semaphore(%run_scoped3A : memref<!tpu.dma_semaphore, #tpu.memory_space<semaphore_mem>>) src(%dma_wait3A_18 : memref<632x128xf32, #tpu.memory_space<hbm>>) dst(%dma_wait3A_16 : memref<632x128xf32, #tpu.memory_space<vmem_shared>>)
      tpu.yield
    }) : () -> ()
    %barrier3A = arith.constant 0 : index
    tpu.barrier barrier_id(%barrier3A)
    %scan3A = arith.constant 0 : i32
    %scan3A_3 = arith.constant 0 : i32
    %scan3A_4 = arith.constant 5 : i32
    %scan3A_5 = arith.addi %scan3A_3, %scan3A_4 : i32
    %scan3A_6 = arith.constant 1 : i32
    scf.for %scan3A_13 = %scan3A_3 to %scan3A_5 step %scan3A_6  : i32 {
      %mul3A_14 = arith.constant 16 : i32
      %mul3A_15 = arith.muli %scan3A_13, %mul3A_14 : i32
      "tpu.region"() ({
        %run_scoped3A = tpu.sem_alloc : memref<!tpu.dma_semaphore, #tpu.memory_space<semaphore_mem>>
        %dma_start3A_30 = arith.constant 0 : i32
        %dma_start3A_31 = tpu.memref_slice %arg3[%arg0, %arg1, %mul3A_15, %dma_start3A_30] : memref<2x16x80x128xi32, #tpu.memory_space<hbm>> -> memref<1x1x16x128xi32, #tpu.memory_space<hbm>>
        %dma_start3A_32 = tpu.memref_squeeze %dma_start3A_31 : memref<1x1x16x128xi32, #tpu.memory_space<hbm>> -> memref<16x128xi32, #tpu.memory_space<hbm>>
        %dma_start3A_33 = arith.constant 0 : i32
        %dma_start3A_34 = tpu.memref_slice %arg3[%arg0, %arg1, %mul3A_15, %dma_start3A_33] : memref<2x16x80x128xi32, #tpu.memory_space<hbm>> -> memref<1x1x16x128xi32, #tpu.memory_space<hbm>>
        %dma_start3A_35 = tpu.memref_squeeze %dma_start3A_34 : memref<1x1x16x128xi32, #tpu.memory_space<hbm>> -> memref<16x128xi32, #tpu.memory_space<hbm>>
        tpu.enqueue_dma source(%dma_start3A_35 : memref<16x128xi32, #tpu.memory_space<hbm>>) target(%arg7 : memref<16x128xi32, #tpu.memory_space<vmem>>) target_semaphore(%run_scoped3A : memref<!tpu.dma_semaphore, #tpu.memory_space<semaphore_mem>>)
        %dma_wait3A = arith.constant 0 : i32
        %dma_wait3A_36 = tpu.memref_slice %arg3[%arg0, %arg1, %mul3A_15, %dma_wait3A] : memref<2x16x80x128xi32, #tpu.memory_space<hbm>> -> memref<1x1x16x128xi32, #tpu.memory_space<hbm>>
        %dma_wait3A_37 = tpu.memref_squeeze %dma_wait3A_36 : memref<1x1x16x128xi32, #tpu.memory_space<hbm>> -> memref<16x128xi32, #tpu.memory_space<hbm>>
        %dma_wait3A_38 = arith.constant 0 : i32
        %dma_wait3A_39 = tpu.memref_slice %arg3[%arg0, %arg1, %mul3A_15, %dma_wait3A_38] : memref<2x16x80x128xi32, #tpu.memory_space<hbm>> -> memref<1x1x16x128xi32, #tpu.memory_space<hbm>>
        %dma_wait3A_40 = tpu.memref_squeeze %dma_wait3A_39 : memref<1x1x16x128xi32, #tpu.memory_space<hbm>> -> memref<16x128xi32, #tpu.memory_space<hbm>>
        tpu.wait_dma2 semaphore(%run_scoped3A : memref<!tpu.dma_semaphore, #tpu.memory_space<semaphore_mem>>) src(%dma_wait3A_40 : memref<16x128xi32, #tpu.memory_space<hbm>>) dst(%arg7 : memref<16x128xi32, #tpu.memory_space<vmem>>)
        tpu.yield
      }) : () -> ()
      %mul3A_16 = arith.constant 16 : i32
      %mul3A_17 = arith.muli %scan3A_13, %mul3A_16 : i32
      "tpu.region"() ({
        %run_scoped3A = tpu.sem_alloc : memref<!tpu.dma_semaphore, #tpu.memory_space<semaphore_mem>>
        %dma_start3A_30 = arith.constant 0 : i32
        %dma_start3A_31 = tpu.memref_slice %arg4[%arg1, %mul3A_17, %dma_start3A_30] : memref<16x80x128xi32, #tpu.memory_space<hbm>> -> memref<1x16x128xi32, #tpu.memory_space<hbm>>
        %dma_start3A_32 = tpu.memref_squeeze %dma_start3A_31 : memref<1x16x128xi32, #tpu.memory_space<hbm>> -> memref<16x128xi32, #tpu.memory_space<hbm>>
        %dma_start3A_33 = arith.constant 0 : i32
        %dma_start3A_34 = tpu.memref_slice %arg4[%arg1, %mul3A_17, %dma_start3A_33] : memref<16x80x128xi32, #tpu.memory_space<hbm>> -> memref<1x16x128xi32, #tpu.memory_space<hbm>>
        %dma_start3A_35 = tpu.memref_squeeze %dma_start3A_34 : memref<1x16x128xi32, #tpu.memory_space<hbm>> -> memref<16x128xi32, #tpu.memory_space<hbm>>
        tpu.enqueue_dma source(%dma_start3A_35 : memref<16x128xi32, #tpu.memory_space<hbm>>) target(%arg8 : memref<16x128xi32, #tpu.memory_space<vmem>>) target_semaphore(%run_scoped3A : memref<!tpu.dma_semaphore, #tpu.memory_space<semaphore_mem>>)
        %dma_wait3A = arith.constant 0 : i32
        %dma_wait3A_36 = tpu.memref_slice %arg4[%arg1, %mul3A_17, %dma_wait3A] : memref<16x80x128xi32, #tpu.memory_space<hbm>> -> memref<1x16x128xi32, #tpu.memory_space<hbm>>
        %dma_wait3A_37 = tpu.memref_squeeze %dma_wait3A_36 : memref<1x16x128xi32, #tpu.memory_space<hbm>> -> memref<16x128xi32, #tpu.memory_space<hbm>>
        %dma_wait3A_38 = arith.constant 0 : i32
        %dma_wait3A_39 = tpu.memref_slice %arg4[%arg1, %mul3A_17, %dma_wait3A_38] : memref<16x80x128xi32, #tpu.memory_space<hbm>> -> memref<1x16x128xi32, #tpu.memory_space<hbm>>
        %dma_wait3A_40 = tpu.memref_squeeze %dma_wait3A_39 : memref<1x16x128xi32, #tpu.memory_space<hbm>> -> memref<16x128xi32, #tpu.memory_space<hbm>>
        tpu.wait_dma2 semaphore(%run_scoped3A : memref<!tpu.dma_semaphore, #tpu.memory_space<semaphore_mem>>) src(%dma_wait3A_40 : memref<16x128xi32, #tpu.memory_space<hbm>>) dst(%arg8 : memref<16x128xi32, #tpu.memory_space<vmem>>)
        tpu.yield
      }) : () -> ()
      %dma_start3A = arith.constant 0 : i32
      %dma_start3A_18 = arith.constant 0 : i32
      %dma_start3A_19 = tpu.memref_slice %arg7[%dma_start3A, %dma_start3A_18] : memref<16x128xi32, #tpu.memory_space<vmem>> -> memref<1x128xi32, #tpu.memory_space<vmem>>
      %dma_start3A_20 = tpu.memref_squeeze %dma_start3A_19 : memref<1x128xi32, #tpu.memory_space<vmem>> -> memref<128xi32, #tpu.memory_space<vmem>>
      %dma_start3A_21 = arith.constant 0 : i32
      %dma_start3A_22 = arith.constant 0 : i32
      %dma_start3A_23 = tpu.memref_slice %arg2[%dma_start3A_21, %dma_start3A_22] : memref<540000x128xf32, #tpu.memory_space<hbm>> -> memref<540000x128xf32, #tpu.memory_space<hbm>>
      tpu.enqueue_indirect_dma source(%dma_start3A_23 : memref<540000x128xf32, #tpu.memory_space<hbm>>) target(%arg9 : memref<128x128xf32, #tpu.memory_space<vmem>>) offsets(%dma_start3A_20 : memref<128xi32, #tpu.memory_space<vmem>>) semaphore(%arg12 : memref<!tpu.dma_semaphore, #tpu.memory_space<semaphore_mem>>)
      %scan3A_24 = arith.constant 0 : i32
      %scan3A_25 = arith.constant 0 : i32
      %scan3A_26 = arith.constant 8 : i32
      %scan3A_27 = arith.addi %scan3A_25, %scan3A_26 : i32
      %scan3A_28 = arith.constant 1 : i32
      scf.for %scan3A_30 = %scan3A_25 to %scan3A_27 step %scan3A_28  : i32 {
        %mul3A_31 = arith.constant 2 : i32
        %mul3A_32 = arith.muli %mul3A_31, %scan3A_30 : i32
        %add3A = arith.constant 1 : i32
        %add3A_33 = arith.addi %mul3A_32, %add3A : i32
        %dma_wait3A = arith.constant 0 : i32
        %dma_wait3A_34 = tpu.memref_slice %arg7[%mul3A_32, %dma_wait3A] : memref<16x128xi32, #tpu.memory_space<vmem>> -> memref<1x128xi32, #tpu.memory_space<vmem>>
        %dma_wait3A_35 = tpu.memref_squeeze %dma_wait3A_34 : memref<1x128xi32, #tpu.memory_space<vmem>> -> memref<128xi32, #tpu.memory_space<vmem>>
        %dma_wait3A_36 = arith.constant 0 : i32
        %dma_wait3A_37 = arith.constant 0 : i32
        %dma_wait3A_38 = tpu.memref_slice %arg2[%dma_wait3A_36, %dma_wait3A_37] : memref<540000x128xf32, #tpu.memory_space<hbm>> -> memref<540000x128xf32, #tpu.memory_space<hbm>>
        tpu.wait_indirect_dma semaphore(%arg12 : memref<!tpu.dma_semaphore, #tpu.memory_space<semaphore_mem>>) src(%dma_wait3A_38 : memref<540000x128xf32, #tpu.memory_space<hbm>>) dst(%arg9 : memref<128x128xf32, #tpu.memory_space<vmem>>)
        %dma_start3A_39 = arith.constant 0 : i32
        %dma_start3A_40 = tpu.memref_slice %arg7[%add3A_33, %dma_start3A_39] : memref<16x128xi32, #tpu.memory_space<vmem>> -> memref<1x128xi32, #tpu.memory_space<vmem>>
        %dma_start3A_41 = tpu.memref_squeeze %dma_start3A_40 : memref<1x128xi32, #tpu.memory_space<vmem>> -> memref<128xi32, #tpu.memory_space<vmem>>
        %dma_start3A_42 = arith.constant 0 : i32
        %dma_start3A_43 = arith.constant 0 : i32
        %dma_start3A_44 = tpu.memref_slice %arg2[%dma_start3A_42, %dma_start3A_43] : memref<540000x128xf32, #tpu.memory_space<hbm>> -> memref<540000x128xf32, #tpu.memory_space<hbm>>
        tpu.enqueue_indirect_dma source(%dma_start3A_44 : memref<540000x128xf32, #tpu.memory_space<hbm>>) target(%arg10 : memref<128x128xf32, #tpu.memory_space<vmem>>) offsets(%dma_start3A_41 : memref<128xi32, #tpu.memory_space<vmem>>) semaphore(%arg13 : memref<!tpu.dma_semaphore, #tpu.memory_space<semaphore_mem>>)
        "tpu.region"() ({
          %run_scoped3A = tpu.sem_alloc : memref<!tpu.dma_semaphore, #tpu.memory_space<semaphore_mem>>
          %dma_start3A_55 = arith.constant 0 : i32
          %dma_start3A_56 = tpu.memref_slice %arg8[%mul3A_32, %dma_start3A_55] : memref<16x128xi32, #tpu.memory_space<vmem>> -> memref<1x128xi32, #tpu.memory_space<vmem>>
          %dma_start3A_57 = tpu.memref_squeeze %dma_start3A_56 : memref<1x128xi32, #tpu.memory_space<vmem>> -> memref<128xi32, #tpu.memory_space<vmem>>
          %dma_start3A_58 = arith.constant 0 : i32
          %dma_start3A_59 = arith.constant 0 : i32
          %dma_start3A_60 = tpu.memref_slice %arg11[%dma_start3A_58, %dma_start3A_59] : memref<10112x128xf32, #tpu.memory_space<vmem_shared>> -> memref<10112x128xf32, #tpu.memory_space<vmem_shared>>
          tpu.enqueue_indirect_dma source(%arg9 : memref<128x128xf32, #tpu.memory_space<vmem>>) target(%dma_start3A_60 : memref<10112x128xf32, #tpu.memory_space<vmem_shared>>) offsets(%dma_start3A_57 : memref<128xi32, #tpu.memory_space<vmem>>) semaphore(%run_scoped3A : memref<!tpu.dma_semaphore, #tpu.memory_space<semaphore_mem>>) {add = true}
          %dma_wait3A_61 = arith.constant 0 : i32
          %dma_wait3A_62 = tpu.memref_slice %arg8[%mul3A_32, %dma_wait3A_61] : memref<16x128xi32, #tpu.memory_space<vmem>> -> memref<1x128xi32, #tpu.memory_space<vmem>>
          %dma_wait3A_63 = tpu.memref_squeeze %dma_wait3A_62 : memref<1x128xi32, #tpu.memory_space<vmem>> -> memref<128xi32, #tpu.memory_space<vmem>>
          %dma_wait3A_64 = arith.constant 0 : i32
          %dma_wait3A_65 = arith.constant 0 : i32
          %dma_wait3A_66 = tpu.memref_slice %arg11[%dma_wait3A_64, %dma_wait3A_65] : memref<10112x128xf32, #tpu.memory_space<vmem_shared>> -> memref<10112x128xf32, #tpu.memory_space<vmem_shared>>
          tpu.wait_indirect_dma semaphore(%run_scoped3A : memref<!tpu.dma_semaphore, #tpu.memory_space<semaphore_mem>>) src(%arg9 : memref<128x128xf32, #tpu.memory_space<vmem>>) dst(%dma_wait3A_66 : memref<10112x128xf32, #tpu.memory_space<vmem_shared>>)
          tpu.yield
        }) : () -> ()
        %dma_wait3A_45 = arith.constant 0 : i32
        %dma_wait3A_46 = tpu.memref_slice %arg7[%add3A_33, %dma_wait3A_45] : memref<16x128xi32, #tpu.memory_space<vmem>> -> memref<1x128xi32, #tpu.memory_space<vmem>>
        %dma_wait3A_47 = tpu.memref_squeeze %dma_wait3A_46 : memref<1x128xi32, #tpu.memory_space<vmem>> -> memref<128xi32, #tpu.memory_space<vmem>>
        %dma_wait3A_48 = arith.constant 0 : i32
        %dma_wait3A_49 = arith.constant 0 : i32
        %dma_wait3A_50 = tpu.memref_slice %arg2[%dma_wait3A_48, %dma_wait3A_49] : memref<540000x128xf32, #tpu.memory_space<hbm>> -> memref<540000x128xf32, #tpu.memory_space<hbm>>
        tpu.wait_indirect_dma semaphore(%arg13 : memref<!tpu.dma_semaphore, #tpu.memory_space<semaphore_mem>>) src(%dma_wait3A_50 : memref<540000x128xf32, #tpu.memory_space<hbm>>) dst(%arg10 : memref<128x128xf32, #tpu.memory_space<vmem>>)
        %add3A_51 = arith.constant 1 : i32
        %add3A_52 = arith.addi %scan3A_30, %add3A_51 : i32
        %lt3A = arith.constant 8 : i32
        %lt3A_53 = arith.cmpi slt, %add3A_52, %lt3A : i32
        %convert_element_type3A = arith.extui %lt3A_53 : i1 to i32
        %cond3A = arith.constant 0 : i32
        %cond3A_54 = arith.cmpi ne, %convert_element_type3A, %cond3A : i32
        scf.if %cond3A_54 {
          %add3A_55 = arith.constant 2 : i32
          %add3A_56 = arith.addi %mul3A_32, %add3A_55 : i32
          %dma_start3A_57 = arith.constant 0 : i32
          %dma_start3A_58 = tpu.memref_slice %arg7[%add3A_56, %dma_start3A_57] : memref<16x128xi32, #tpu.memory_space<vmem>> -> memref<1x128xi32, #tpu.memory_space<vmem>>
          %dma_start3A_59 = tpu.memref_squeeze %dma_start3A_58 : memref<1x128xi32, #tpu.memory_space<vmem>> -> memref<128xi32, #tpu.memory_space<vmem>>
          %dma_start3A_60 = arith.constant 0 : i32
          %dma_start3A_61 = arith.constant 0 : i32
          %dma_start3A_62 = tpu.memref_slice %arg2[%dma_start3A_60, %dma_start3A_61] : memref<540000x128xf32, #tpu.memory_space<hbm>> -> memref<540000x128xf32, #tpu.memory_space<hbm>>
          tpu.enqueue_indirect_dma source(%dma_start3A_62 : memref<540000x128xf32, #tpu.memory_space<hbm>>) target(%arg9 : memref<128x128xf32, #tpu.memory_space<vmem>>) offsets(%dma_start3A_59 : memref<128xi32, #tpu.memory_space<vmem>>) semaphore(%arg12 : memref<!tpu.dma_semaphore, #tpu.memory_space<semaphore_mem>>)
        } else {
        }
        "tpu.region"() ({
          %run_scoped3A = tpu.sem_alloc : memref<!tpu.dma_semaphore, #tpu.memory_space<semaphore_mem>>
          %dma_start3A_55 = arith.constant 0 : i32
          %dma_start3A_56 = tpu.memref_slice %arg8[%add3A_33, %dma_start3A_55] : memref<16x128xi32, #tpu.memory_space<vmem>> -> memref<1x128xi32, #tpu.memory_space<vmem>>
          %dma_start3A_57 = tpu.memref_squeeze %dma_start3A_56 : memref<1x128xi32, #tpu.memory_space<vmem>> -> memref<128xi32, #tpu.memory_space<vmem>>
          %dma_start3A_58 = arith.constant 0 : i32
          %dma_start3A_59 = arith.constant 0 : i32
          %dma_start3A_60 = tpu.memref_slice %arg11[%dma_start3A_58, %dma_start3A_59] : memref<10112x128xf32, #tpu.memory_space<vmem_shared>> -> memref<10112x128xf32, #tpu.memory_space<vmem_shared>>
          tpu.enqueue_indirect_dma source(%arg10 : memref<128x128xf32, #tpu.memory_space<vmem>>) target(%dma_start3A_60 : memref<10112x128xf32, #tpu.memory_space<vmem_shared>>) offsets(%dma_start3A_57 : memref<128xi32, #tpu.memory_space<vmem>>) semaphore(%run_scoped3A : memref<!tpu.dma_semaphore, #tpu.memory_space<semaphore_mem>>) {add = true}
          %dma_wait3A_61 = arith.constant 0 : i32
          %dma_wait3A_62 = tpu.memref_slice %arg8[%add3A_33, %dma_wait3A_61] : memref<16x128xi32, #tpu.memory_space<vmem>> -> memref<1x128xi32, #tpu.memory_space<vmem>>
          %dma_wait3A_63 = tpu.memref_squeeze %dma_wait3A_62 : memref<1x128xi32, #tpu.memory_space<vmem>> -> memref<128xi32, #tpu.memory_space<vmem>>
          %dma_wait3A_64 = arith.constant 0 : i32
          %dma_wait3A_65 = arith.constant 0 : i32
          %dma_wait3A_66 = tpu.memref_slice %arg11[%dma_wait3A_64, %dma_wait3A_65] : memref<10112x128xf32, #tpu.memory_space<vmem_shared>> -> memref<10112x128xf32, #tpu.memory_space<vmem_shared>>
          tpu.wait_indirect_dma semaphore(%run_scoped3A : memref<!tpu.dma_semaphore, #tpu.memory_space<semaphore_mem>>) src(%arg10 : memref<128x128xf32, #tpu.memory_space<vmem>>) dst(%dma_wait3A_66 : memref<10112x128xf32, #tpu.memory_space<vmem_shared>>)
          tpu.yield
        }) : () -> ()
      }
      %scan3A_29 = arith.constant 8 : i32
    }
    %scan3A_7 = arith.constant 5 : i32
    %barrier3A_8 = arith.constant 0 : index
    tpu.barrier barrier_id(%barrier3A_8)
    %mul3A_9 = arith.constant 632 : i32
    %mul3A_10 = arith.muli %arg1, %mul3A_9 : i32
    %mul3A_11 = arith.constant 632 : i32
    %mul3A_12 = arith.muli %arg1, %mul3A_11 : i32
    "tpu.region"() ({
      %run_scoped3A = tpu.sem_alloc : memref<!tpu.dma_semaphore, #tpu.memory_space<semaphore_mem>>
      %dma_start3A = arith.constant 0 : i32
      %dma_start3A_13 = tpu.memref_slice %arg6[%arg0, %mul3A_12, %dma_start3A] : memref<2x10112x128xf32, #tpu.memory_space<hbm>> -> memref<1x632x128xf32, #tpu.memory_space<hbm>>
      %dma_start3A_14 = tpu.memref_squeeze %dma_start3A_13 : memref<1x632x128xf32, #tpu.memory_space<hbm>> -> memref<632x128xf32, #tpu.memory_space<hbm>>
      %dma_start3A_15 = arith.constant 0 : i32
      %dma_start3A_16 = tpu.memref_slice %arg11[%mul3A_10, %dma_start3A_15] : memref<10112x128xf32, #tpu.memory_space<vmem_shared>> -> memref<632x128xf32, #tpu.memory_space<vmem_shared>>
      tpu.enqueue_dma source(%dma_start3A_16 : memref<632x128xf32, #tpu.memory_space<vmem_shared>>) target(%dma_start3A_14 : memref<632x128xf32, #tpu.memory_space<hbm>>) target_semaphore(%run_scoped3A : memref<!tpu.dma_semaphore, #tpu.memory_space<semaphore_mem>>)
      %dma_wait3A = arith.constant 0 : i32
      %dma_wait3A_17 = tpu.memref_slice %arg6[%arg0, %mul3A_12, %dma_wait3A] : memref<2x10112x128xf32, #tpu.memory_space<hbm>> -> memref<1x632x128xf32, #tpu.memory_space<hbm>>
      %dma_wait3A_18 = tpu.memref_squeeze %dma_wait3A_17 : memref<1x632x128xf32, #tpu.memory_space<hbm>> -> memref<632x128xf32, #tpu.memory_space<hbm>>
      %dma_wait3A_19 = arith.constant 0 : i32
      %dma_wait3A_20 = tpu.memref_slice %arg11[%mul3A_10, %dma_wait3A_19] : memref<10112x128xf32, #tpu.memory_space<vmem_shared>> -> memref<632x128xf32, #tpu.memory_space<vmem_shared>>
      tpu.wait_dma2 semaphore(%run_scoped3A : memref<!tpu.dma_semaphore, #tpu.memory_space<semaphore_mem>>) src(%dma_wait3A_20 : memref<632x128xf32, #tpu.memory_space<vmem_shared>>) dst(%dma_wait3A_18 : memref<632x128xf32, #tpu.memory_space<hbm>>)
      tpu.yield
    }) : () -> ()
    return
  }
}

#map = affine_map<(d0, d1) -> (0, 0)>
#map1 = affine_map<(d0, d1) -> (0, 0, 0, 0)>
#map2 = affine_map<(d0, d1) -> (0, 0, 0)>
module attributes {stable_mosaic.version = 14 : i64} {
  func.func @_sc_gs_body(%arg0: i32, %arg1: i32, %arg2: memref<540000x128xf32, #tpu.memory_space<hbm>>, %arg3: memref<2x16x80x128xi32, #tpu.memory_space<hbm>>, %arg4: memref<16x80x128xi32, #tpu.memory_space<hbm>>, %arg5: memref<10112x128xf32, #tpu.memory_space<hbm>>, %arg6: memref<2x10112x128xf32, #tpu.memory_space<hbm>>, %arg7: memref<16x128xi32, #tpu.memory_space<vmem>>, %arg8: memref<16x128xi32, #tpu.memory_space<vmem>>, %arg9: memref<128x128xf32, #tpu.memory_space<vmem>>, %arg10: memref<128x128xf32, #tpu.memory_space<vmem>>, %arg11: memref<10112x128xf32, #tpu.memory_space<vmem_shared>>, %arg12: memref<!tpu.dma_semaphore, #tpu.memory_space<semaphore_mem>>, %arg13: memref<!tpu.dma_semaphore, #tpu.memory_space<semaphore_mem>>) attributes {dimension_semantics = [#tpu.dimension_semantics<core_parallel>, #tpu.dimension_semantics<subcore_parallel>], iteration_bounds = array<i64: 2, 16>, scalar_prefetch = 0 : i64, scratch_operands = 7 : i64, tpu.core_type = #tpu.core_type<sc_vector_subcore>, window_params = [{transform_indices = #map}, {transform_indices = #map1}, {transform_indices = #map2}, {transform_indices = #map}, {transform_indices = #map2}]} {
    %mul3A = arith.constant 632 : i32
    %mul3A_0 = arith.muli %arg1, %mul3A : i32
    %mul3A_1 = arith.constant 632 : i32
    %mul3A_2 = arith.muli %arg1, %mul3A_1 : i32
    "tpu.region"() ({
      %run_scoped3A = tpu.sem_alloc : memref<!tpu.dma_semaphore, #tpu.memory_space<semaphore_mem>>
      %dma_start3A = arith.constant 0 : i32
      %dma_start3A_13 = tpu.memref_slice %arg11[%mul3A_2, %dma_start3A] : memref<10112x128xf32, #tpu.memory_space<vmem_shared>> -> memref<632x128xf32, #tpu.memory_space<vmem_shared>>
      %dma_start3A_14 = arith.constant 0 : i32
      %dma_start3A_15 = tpu.memref_slice %arg5[%mul3A_0, %dma_start3A_14] : memref<10112x128xf32, #tpu.memory_space<hbm>> -> memref<632x128xf32, #tpu.memory_space<hbm>>
      tpu.enqueue_dma source(%dma_start3A_15 : memref<632x128xf32, #tpu.memory_space<hbm>>) target(%dma_start3A_13 : memref<632x128xf32, #tpu.memory_space<vmem_shared>>) target_semaphore(%run_scoped3A : memref<!tpu.dma_semaphore, #tpu.memory_space<semaphore_mem>>)
      %dma_wait3A = arith.constant 0 : i32
      %dma_wait3A_16 = tpu.memref_slice %arg11[%mul3A_2, %dma_wait3A] : memref<10112x128xf32, #tpu.memory_space<vmem_shared>> -> memref<632x128xf32, #tpu.memory_space<vmem_shared>>
      %dma_wait3A_17 = arith.constant 0 : i32
      %dma_wait3A_18 = tpu.memref_slice %arg5[%mul3A_0, %dma_wait3A_17] : memref<10112x128xf32, #tpu.memory_space<hbm>> -> memref<632x128xf32, #tpu.memory_space<hbm>>
      tpu.wait_dma2 semaphore(%run_scoped3A : memref<!tpu.dma_semaphore, #tpu.memory_space<semaphore_mem>>) src(%dma_wait3A_18 : memref<632x128xf32, #tpu.memory_space<hbm>>) dst(%dma_wait3A_16 : memref<632x128xf32, #tpu.memory_space<vmem_shared>>)
      tpu.yield
    }) : () -> ()
    %barrier3A = arith.constant 0 : index
    tpu.barrier barrier_id(%barrier3A)
    %scan3A = arith.constant 0 : i32
    %scan3A_3 = arith.constant 0 : i32
    %scan3A_4 = arith.constant 5 : i32
    %scan3A_5 = arith.addi %scan3A_3, %scan3A_4 : i32
    %scan3A_6 = arith.constant 1 : i32
    scf.for %scan3A_13 = %scan3A_3 to %scan3A_5 step %scan3A_6  : i32 {
      %mul3A_14 = arith.constant 16 : i32
      %mul3A_15 = arith.muli %scan3A_13, %mul3A_14 : i32
      "tpu.region"() ({
        %run_scoped3A = tpu.sem_alloc : memref<!tpu.dma_semaphore, #tpu.memory_space<semaphore_mem>>
        %dma_start3A_30 = arith.constant 0 : i32
        %dma_start3A_31 = tpu.memref_slice %arg3[%arg0, %arg1, %mul3A_15, %dma_start3A_30] : memref<2x16x80x128xi32, #tpu.memory_space<hbm>> -> memref<1x1x16x128xi32, #tpu.memory_space<hbm>>
        %dma_start3A_32 = tpu.memref_squeeze %dma_start3A_31 : memref<1x1x16x128xi32, #tpu.memory_space<hbm>> -> memref<16x128xi32, #tpu.memory_space<hbm>>
        %dma_start3A_33 = arith.constant 0 : i32
        %dma_start3A_34 = tpu.memref_slice %arg3[%arg0, %arg1, %mul3A_15, %dma_start3A_33] : memref<2x16x80x128xi32, #tpu.memory_space<hbm>> -> memref<1x1x16x128xi32, #tpu.memory_space<hbm>>
        %dma_start3A_35 = tpu.memref_squeeze %dma_start3A_34 : memref<1x1x16x128xi32, #tpu.memory_space<hbm>> -> memref<16x128xi32, #tpu.memory_space<hbm>>
        tpu.enqueue_dma source(%dma_start3A_35 : memref<16x128xi32, #tpu.memory_space<hbm>>) target(%arg7 : memref<16x128xi32, #tpu.memory_space<vmem>>) target_semaphore(%run_scoped3A : memref<!tpu.dma_semaphore, #tpu.memory_space<semaphore_mem>>)
        %dma_wait3A = arith.constant 0 : i32
        %dma_wait3A_36 = tpu.memref_slice %arg3[%arg0, %arg1, %mul3A_15, %dma_wait3A] : memref<2x16x80x128xi32, #tpu.memory_space<hbm>> -> memref<1x1x16x128xi32, #tpu.memory_space<hbm>>
        %dma_wait3A_37 = tpu.memref_squeeze %dma_wait3A_36 : memref<1x1x16x128xi32, #tpu.memory_space<hbm>> -> memref<16x128xi32, #tpu.memory_space<hbm>>
        %dma_wait3A_38 = arith.constant 0 : i32
        %dma_wait3A_39 = tpu.memref_slice %arg3[%arg0, %arg1, %mul3A_15, %dma_wait3A_38] : memref<2x16x80x128xi32, #tpu.memory_space<hbm>> -> memref<1x1x16x128xi32, #tpu.memory_space<hbm>>
        %dma_wait3A_40 = tpu.memref_squeeze %dma_wait3A_39 : memref<1x1x16x128xi32, #tpu.memory_space<hbm>> -> memref<16x128xi32, #tpu.memory_space<hbm>>
        tpu.wait_dma2 semaphore(%run_scoped3A : memref<!tpu.dma_semaphore, #tpu.memory_space<semaphore_mem>>) src(%dma_wait3A_40 : memref<16x128xi32, #tpu.memory_space<hbm>>) dst(%arg7 : memref<16x128xi32, #tpu.memory_space<vmem>>)
        tpu.yield
      }) : () -> ()
      %mul3A_16 = arith.constant 16 : i32
      %mul3A_17 = arith.muli %scan3A_13, %mul3A_16 : i32
      "tpu.region"() ({
        %run_scoped3A = tpu.sem_alloc : memref<!tpu.dma_semaphore, #tpu.memory_space<semaphore_mem>>
        %dma_start3A_30 = arith.constant 0 : i32
        %dma_start3A_31 = tpu.memref_slice %arg4[%arg1, %mul3A_17, %dma_start3A_30] : memref<16x80x128xi32, #tpu.memory_space<hbm>> -> memref<1x16x128xi32, #tpu.memory_space<hbm>>
        %dma_start3A_32 = tpu.memref_squeeze %dma_start3A_31 : memref<1x16x128xi32, #tpu.memory_space<hbm>> -> memref<16x128xi32, #tpu.memory_space<hbm>>
        %dma_start3A_33 = arith.constant 0 : i32
        %dma_start3A_34 = tpu.memref_slice %arg4[%arg1, %mul3A_17, %dma_start3A_33] : memref<16x80x128xi32, #tpu.memory_space<hbm>> -> memref<1x16x128xi32, #tpu.memory_space<hbm>>
        %dma_start3A_35 = tpu.memref_squeeze %dma_start3A_34 : memref<1x16x128xi32, #tpu.memory_space<hbm>> -> memref<16x128xi32, #tpu.memory_space<hbm>>
        tpu.enqueue_dma source(%dma_start3A_35 : memref<16x128xi32, #tpu.memory_space<hbm>>) target(%arg8 : memref<16x128xi32, #tpu.memory_space<vmem>>) target_semaphore(%run_scoped3A : memref<!tpu.dma_semaphore, #tpu.memory_space<semaphore_mem>>)
        %dma_wait3A = arith.constant 0 : i32
        %dma_wait3A_36 = tpu.memref_slice %arg4[%arg1, %mul3A_17, %dma_wait3A] : memref<16x80x128xi32, #tpu.memory_space<hbm>> -> memref<1x16x128xi32, #tpu.memory_space<hbm>>
        %dma_wait3A_37 = tpu.memref_squeeze %dma_wait3A_36 : memref<1x16x128xi32, #tpu.memory_space<hbm>> -> memref<16x128xi32, #tpu.memory_space<hbm>>
        %dma_wait3A_38 = arith.constant 0 : i32
        %dma_wait3A_39 = tpu.memref_slice %arg4[%arg1, %mul3A_17, %dma_wait3A_38] : memref<16x80x128xi32, #tpu.memory_space<hbm>> -> memref<1x16x128xi32, #tpu.memory_space<hbm>>
        %dma_wait3A_40 = tpu.memref_squeeze %dma_wait3A_39 : memref<1x16x128xi32, #tpu.memory_space<hbm>> -> memref<16x128xi32, #tpu.memory_space<hbm>>
        tpu.wait_dma2 semaphore(%run_scoped3A : memref<!tpu.dma_semaphore, #tpu.memory_space<semaphore_mem>>) src(%dma_wait3A_40 : memref<16x128xi32, #tpu.memory_space<hbm>>) dst(%arg8 : memref<16x128xi32, #tpu.memory_space<vmem>>)
        tpu.yield
      }) : () -> ()
      %dma_start3A = arith.constant 0 : i32
      %dma_start3A_18 = arith.constant 0 : i32
      %dma_start3A_19 = tpu.memref_slice %arg7[%dma_start3A, %dma_start3A_18] : memref<16x128xi32, #tpu.memory_space<vmem>> -> memref<1x128xi32, #tpu.memory_space<vmem>>
      %dma_start3A_20 = tpu.memref_squeeze %dma_start3A_19 : memref<1x128xi32, #tpu.memory_space<vmem>> -> memref<128xi32, #tpu.memory_space<vmem>>
      %dma_start3A_21 = arith.constant 0 : i32
      %dma_start3A_22 = arith.constant 0 : i32
      %dma_start3A_23 = tpu.memref_slice %arg2[%dma_start3A_21, %dma_start3A_22] : memref<540000x128xf32, #tpu.memory_space<hbm>> -> memref<540000x128xf32, #tpu.memory_space<hbm>>
      tpu.enqueue_indirect_dma source(%dma_start3A_23 : memref<540000x128xf32, #tpu.memory_space<hbm>>) target(%arg9 : memref<128x128xf32, #tpu.memory_space<vmem>>) offsets(%dma_start3A_20 : memref<128xi32, #tpu.memory_space<vmem>>) semaphore(%arg12 : memref<!tpu.dma_semaphore, #tpu.memory_space<semaphore_mem>>)
      %scan3A_24 = arith.constant 0 : i32
      %scan3A_25 = arith.constant 0 : i32
      %scan3A_26 = arith.constant 8 : i32
      %scan3A_27 = arith.addi %scan3A_25, %scan3A_26 : i32
      %scan3A_28 = arith.constant 1 : i32
      scf.for %scan3A_30 = %scan3A_25 to %scan3A_27 step %scan3A_28  : i32 {
        %mul3A_31 = arith.constant 2 : i32
        %mul3A_32 = arith.muli %mul3A_31, %scan3A_30 : i32
        %add3A = arith.constant 1 : i32
        %add3A_33 = arith.addi %mul3A_32, %add3A : i32
        %dma_wait3A = arith.constant 0 : i32
        %dma_wait3A_34 = tpu.memref_slice %arg7[%mul3A_32, %dma_wait3A] : memref<16x128xi32, #tpu.memory_space<vmem>> -> memref<1x128xi32, #tpu.memory_space<vmem>>
        %dma_wait3A_35 = tpu.memref_squeeze %dma_wait3A_34 : memref<1x128xi32, #tpu.memory_space<vmem>> -> memref<128xi32, #tpu.memory_space<vmem>>
        %dma_wait3A_36 = arith.constant 0 : i32
        %dma_wait3A_37 = arith.constant 0 : i32
        %dma_wait3A_38 = tpu.memref_slice %arg2[%dma_wait3A_36, %dma_wait3A_37] : memref<540000x128xf32, #tpu.memory_space<hbm>> -> memref<540000x128xf32, #tpu.memory_space<hbm>>
        tpu.wait_indirect_dma semaphore(%arg12 : memref<!tpu.dma_semaphore, #tpu.memory_space<semaphore_mem>>) src(%dma_wait3A_38 : memref<540000x128xf32, #tpu.memory_space<hbm>>) dst(%arg9 : memref<128x128xf32, #tpu.memory_space<vmem>>)
        %dma_start3A_39 = arith.constant 0 : i32
        %dma_start3A_40 = tpu.memref_slice %arg7[%add3A_33, %dma_start3A_39] : memref<16x128xi32, #tpu.memory_space<vmem>> -> memref<1x128xi32, #tpu.memory_space<vmem>>
        %dma_start3A_41 = tpu.memref_squeeze %dma_start3A_40 : memref<1x128xi32, #tpu.memory_space<vmem>> -> memref<128xi32, #tpu.memory_space<vmem>>
        %dma_start3A_42 = arith.constant 0 : i32
        %dma_start3A_43 = arith.constant 0 : i32
        %dma_start3A_44 = tpu.memref_slice %arg2[%dma_start3A_42, %dma_start3A_43] : memref<540000x128xf32, #tpu.memory_space<hbm>> -> memref<540000x128xf32, #tpu.memory_space<hbm>>
        tpu.enqueue_indirect_dma source(%dma_start3A_44 : memref<540000x128xf32, #tpu.memory_space<hbm>>) target(%arg10 : memref<128x128xf32, #tpu.memory_space<vmem>>) offsets(%dma_start3A_41 : memref<128xi32, #tpu.memory_space<vmem>>) semaphore(%arg13 : memref<!tpu.dma_semaphore, #tpu.memory_space<semaphore_mem>>)
        "tpu.region"() ({
          %run_scoped3A = tpu.sem_alloc : memref<!tpu.dma_semaphore, #tpu.memory_space<semaphore_mem>>
          %dma_start3A_55 = arith.constant 0 : i32
          %dma_start3A_56 = tpu.memref_slice %arg8[%mul3A_32, %dma_start3A_55] : memref<16x128xi32, #tpu.memory_space<vmem>> -> memref<1x128xi32, #tpu.memory_space<vmem>>
          %dma_start3A_57 = tpu.memref_squeeze %dma_start3A_56 : memref<1x128xi32, #tpu.memory_space<vmem>> -> memref<128xi32, #tpu.memory_space<vmem>>
          %dma_start3A_58 = arith.constant 0 : i32
          %dma_start3A_59 = arith.constant 0 : i32
          %dma_start3A_60 = tpu.memref_slice %arg11[%dma_start3A_58, %dma_start3A_59] : memref<10112x128xf32, #tpu.memory_space<vmem_shared>> -> memref<10112x128xf32, #tpu.memory_space<vmem_shared>>
          tpu.enqueue_indirect_dma source(%arg9 : memref<128x128xf32, #tpu.memory_space<vmem>>) target(%dma_start3A_60 : memref<10112x128xf32, #tpu.memory_space<vmem_shared>>) offsets(%dma_start3A_57 : memref<128xi32, #tpu.memory_space<vmem>>) semaphore(%run_scoped3A : memref<!tpu.dma_semaphore, #tpu.memory_space<semaphore_mem>>) {add = true}
          %dma_wait3A_61 = arith.constant 0 : i32
          %dma_wait3A_62 = tpu.memref_slice %arg8[%mul3A_32, %dma_wait3A_61] : memref<16x128xi32, #tpu.memory_space<vmem>> -> memref<1x128xi32, #tpu.memory_space<vmem>>
          %dma_wait3A_63 = tpu.memref_squeeze %dma_wait3A_62 : memref<1x128xi32, #tpu.memory_space<vmem>> -> memref<128xi32, #tpu.memory_space<vmem>>
          %dma_wait3A_64 = arith.constant 0 : i32
          %dma_wait3A_65 = arith.constant 0 : i32
          %dma_wait3A_66 = tpu.memref_slice %arg11[%dma_wait3A_64, %dma_wait3A_65] : memref<10112x128xf32, #tpu.memory_space<vmem_shared>> -> memref<10112x128xf32, #tpu.memory_space<vmem_shared>>
          tpu.wait_indirect_dma semaphore(%run_scoped3A : memref<!tpu.dma_semaphore, #tpu.memory_space<semaphore_mem>>) src(%arg9 : memref<128x128xf32, #tpu.memory_space<vmem>>) dst(%dma_wait3A_66 : memref<10112x128xf32, #tpu.memory_space<vmem_shared>>)
          tpu.yield
        }) : () -> ()
        %dma_wait3A_45 = arith.constant 0 : i32
        %dma_wait3A_46 = tpu.memref_slice %arg7[%add3A_33, %dma_wait3A_45] : memref<16x128xi32, #tpu.memory_space<vmem>> -> memref<1x128xi32, #tpu.memory_space<vmem>>
        %dma_wait3A_47 = tpu.memref_squeeze %dma_wait3A_46 : memref<1x128xi32, #tpu.memory_space<vmem>> -> memref<128xi32, #tpu.memory_space<vmem>>
        %dma_wait3A_48 = arith.constant 0 : i32
        %dma_wait3A_49 = arith.constant 0 : i32
        %dma_wait3A_50 = tpu.memref_slice %arg2[%dma_wait3A_48, %dma_wait3A_49] : memref<540000x128xf32, #tpu.memory_space<hbm>> -> memref<540000x128xf32, #tpu.memory_space<hbm>>
        tpu.wait_indirect_dma semaphore(%arg13 : memref<!tpu.dma_semaphore, #tpu.memory_space<semaphore_mem>>) src(%dma_wait3A_50 : memref<540000x128xf32, #tpu.memory_space<hbm>>) dst(%arg10 : memref<128x128xf32, #tpu.memory_space<vmem>>)
        %add3A_51 = arith.constant 1 : i32
        %add3A_52 = arith.addi %scan3A_30, %add3A_51 : i32
        %lt3A = arith.constant 8 : i32
        %lt3A_53 = arith.cmpi slt, %add3A_52, %lt3A : i32
        %convert_element_type3A = arith.extui %lt3A_53 : i1 to i32
        %cond3A = arith.constant 0 : i32
        %cond3A_54 = arith.cmpi ne, %convert_element_type3A, %cond3A : i32
        scf.if %cond3A_54 {
          %add3A_55 = arith.constant 2 : i32
          %add3A_56 = arith.addi %mul3A_32, %add3A_55 : i32
          %dma_start3A_57 = arith.constant 0 : i32
          %dma_start3A_58 = tpu.memref_slice %arg7[%add3A_56, %dma_start3A_57] : memref<16x128xi32, #tpu.memory_space<vmem>> -> memref<1x128xi32, #tpu.memory_space<vmem>>
          %dma_start3A_59 = tpu.memref_squeeze %dma_start3A_58 : memref<1x128xi32, #tpu.memory_space<vmem>> -> memref<128xi32, #tpu.memory_space<vmem>>
          %dma_start3A_60 = arith.constant 0 : i32
          %dma_start3A_61 = arith.constant 0 : i32
          %dma_start3A_62 = tpu.memref_slice %arg2[%dma_start3A_60, %dma_start3A_61] : memref<540000x128xf32, #tpu.memory_space<hbm>> -> memref<540000x128xf32, #tpu.memory_space<hbm>>
          tpu.enqueue_indirect_dma source(%dma_start3A_62 : memref<540000x128xf32, #tpu.memory_space<hbm>>) target(%arg9 : memref<128x128xf32, #tpu.memory_space<vmem>>) offsets(%dma_start3A_59 : memref<128xi32, #tpu.memory_space<vmem>>) semaphore(%arg12 : memref<!tpu.dma_semaphore, #tpu.memory_space<semaphore_mem>>)
        } else {
        }
        "tpu.region"() ({
          %run_scoped3A = tpu.sem_alloc : memref<!tpu.dma_semaphore, #tpu.memory_space<semaphore_mem>>
          %dma_start3A_55 = arith.constant 0 : i32
          %dma_start3A_56 = tpu.memref_slice %arg8[%add3A_33, %dma_start3A_55] : memref<16x128xi32, #tpu.memory_space<vmem>> -> memref<1x128xi32, #tpu.memory_space<vmem>>
          %dma_start3A_57 = tpu.memref_squeeze %dma_start3A_56 : memref<1x128xi32, #tpu.memory_space<vmem>> -> memref<128xi32, #tpu.memory_space<vmem>>
          %dma_start3A_58 = arith.constant 0 : i32
          %dma_start3A_59 = arith.constant 0 : i32
          %dma_start3A_60 = tpu.memref_slice %arg11[%dma_start3A_58, %dma_start3A_59] : memref<10112x128xf32, #tpu.memory_space<vmem_shared>> -> memref<10112x128xf32, #tpu.memory_space<vmem_shared>>
          tpu.enqueue_indirect_dma source(%arg10 : memref<128x128xf32, #tpu.memory_space<vmem>>) target(%dma_start3A_60 : memref<10112x128xf32, #tpu.memory_space<vmem_shared>>) offsets(%dma_start3A_57 : memref<128xi32, #tpu.memory_space<vmem>>) semaphore(%run_scoped3A : memref<!tpu.dma_semaphore, #tpu.memory_space<semaphore_mem>>) {add = true}
          %dma_wait3A_61 = arith.constant 0 : i32
          %dma_wait3A_62 = tpu.memref_slice %arg8[%add3A_33, %dma_wait3A_61] : memref<16x128xi32, #tpu.memory_space<vmem>> -> memref<1x128xi32, #tpu.memory_space<vmem>>
          %dma_wait3A_63 = tpu.memref_squeeze %dma_wait3A_62 : memref<1x128xi32, #tpu.memory_space<vmem>> -> memref<128xi32, #tpu.memory_space<vmem>>
          %dma_wait3A_64 = arith.constant 0 : i32
          %dma_wait3A_65 = arith.constant 0 : i32
          %dma_wait3A_66 = tpu.memref_slice %arg11[%dma_wait3A_64, %dma_wait3A_65] : memref<10112x128xf32, #tpu.memory_space<vmem_shared>> -> memref<10112x128xf32, #tpu.memory_space<vmem_shared>>
          tpu.wait_indirect_dma semaphore(%run_scoped3A : memref<!tpu.dma_semaphore, #tpu.memory_space<semaphore_mem>>) src(%arg10 : memref<128x128xf32, #tpu.memory_space<vmem>>) dst(%dma_wait3A_66 : memref<10112x128xf32, #tpu.memory_space<vmem_shared>>)
          tpu.yield
        }) : () -> ()
      }
      %scan3A_29 = arith.constant 8 : i32
    }
    %scan3A_7 = arith.constant 5 : i32
    %barrier3A_8 = arith.constant 0 : index
    tpu.barrier barrier_id(%barrier3A_8)
    %mul3A_9 = arith.constant 632 : i32
    %mul3A_10 = arith.muli %arg1, %mul3A_9 : i32
    %mul3A_11 = arith.constant 632 : i32
    %mul3A_12 = arith.muli %arg1, %mul3A_11 : i32
    "tpu.region"() ({
      %run_scoped3A = tpu.sem_alloc : memref<!tpu.dma_semaphore, #tpu.memory_space<semaphore_mem>>
      %dma_start3A = arith.constant 0 : i32
      %dma_start3A_13 = tpu.memref_slice %arg6[%arg0, %mul3A_12, %dma_start3A] : memref<2x10112x128xf32, #tpu.memory_space<hbm>> -> memref<1x632x128xf32, #tpu.memory_space<hbm>>
      %dma_start3A_14 = tpu.memref_squeeze %dma_start3A_13 : memref<1x632x128xf32, #tpu.memory_space<hbm>> -> memref<632x128xf32, #tpu.memory_space<hbm>>
      %dma_start3A_15 = arith.constant 0 : i32
      %dma_start3A_16 = tpu.memref_slice %arg11[%mul3A_10, %dma_start3A_15] : memref<10112x128xf32, #tpu.memory_space<vmem_shared>> -> memref<632x128xf32, #tpu.memory_space<vmem_shared>>
      tpu.enqueue_dma source(%dma_start3A_16 : memref<632x128xf32, #tpu.memory_space<vmem_shared>>) target(%dma_start3A_14 : memref<632x128xf32, #tpu.memory_space<hbm>>) target_semaphore(%run_scoped3A : memref<!tpu.dma_semaphore, #tpu.memory_space<semaphore_mem>>)
      %dma_wait3A = arith.constant 0 : i32
      %dma_wait3A_17 = tpu.memref_slice %arg6[%arg0, %mul3A_12, %dma_wait3A] : memref<2x10112x128xf32, #tpu.memory_space<hbm>> -> memref<1x632x128xf32, #tpu.memory_space<hbm>>
      %dma_wait3A_18 = tpu.memref_squeeze %dma_wait3A_17 : memref<1x632x128xf32, #tpu.memory_space<hbm>> -> memref<632x128xf32, #tpu.memory_space<hbm>>
      %dma_wait3A_19 = arith.constant 0 : i32
      %dma_wait3A_20 = tpu.memref_slice %arg11[%mul3A_10, %dma_wait3A_19] : memref<10112x128xf32, #tpu.memory_space<vmem_shared>> -> memref<632x128xf32, #tpu.memory_space<vmem_shared>>
      tpu.wait_dma2 semaphore(%run_scoped3A : memref<!tpu.dma_semaphore, #tpu.memory_space<semaphore_mem>>) src(%dma_wait3A_20 : memref<632x128xf32, #tpu.memory_space<vmem_shared>>) dst(%dma_wait3A_18 : memref<632x128xf32, #tpu.memory_space<hbm>>)
      tpu.yield
    }) : () -> ()
    return
  }
}

module attributes {stable_mosaic.version = 14 : i64} {
  func.func @_stats_body(%arg0: i32, %arg1: memref<200x256xf32, #tpu.memory_space<vmem>>, %arg2: memref<1x256xf32, #tpu.memory_space<vmem>>, %arg3: memref<1x256xf32, #tpu.memory_space<vmem>>, %arg4: memref<2x256xf32, #tpu.memory_space<vmem>>, %arg5: memref<2x256xf32, #tpu.memory_space<vmem>>) attributes {dimension_semantics = [#tpu.dimension_semantics<arbitrary>], iteration_bounds = array<i64: 50>, scalar_prefetch = 0 : i64, scratch_operands = 1 : i64, tpu.core_type = #tpu.core_type<tc>, window_params = [{transform_indices = @transform_0, window_bounds = array<i64: 200, 256>}, {pipeline_mode = #tpu.pipeline_mode<synchronous>, transform_indices = @transform_1, window_bounds = array<i64: 1, 256>}, {pipeline_mode = #tpu.pipeline_mode<synchronous>, transform_indices = @transform_2, window_bounds = array<i64: 1, 256>}, {pipeline_mode = #tpu.pipeline_mode<synchronous>, transform_indices = @transform_3, window_bounds = array<i64: 2, 256>}]} {
    %get3A = arith.constant 0 : index
    %get3A_0 = arith.constant 0 : index
    %get3A_1 = vector.load %arg1[%get3A, %get3A_0] : memref<200x256xf32, #tpu.memory_space<vmem>>, vector<200x256xf32>
    %eq3A = arith.constant 0 : i32
    %eq3A_2 = arith.cmpi eq, %arg0, %eq3A : i32
    %convert_element_type3A = arith.extui %eq3A_2 : i1 to i32
    %cond3A = arith.constant 0 : i32
    %cond3A_3 = arith.cmpi ne, %convert_element_type3A, %cond3A : i32
    scf.if %cond3A_3 {
      %broadcast_in_dim3A_25 = arith.constant 0.000000e+00 : f32
      %broadcast_in_dim3A_26 = vector.broadcast %broadcast_in_dim3A_25 : f32 to vector<2x256xf32>
      %swap3A_27 = arith.constant 0 : index
      %swap3A_28 = arith.constant 0 : index
      %swap3A_29 = vector.load %arg5[%swap3A_27, %swap3A_28] : memref<2x256xf32, #tpu.memory_space<vmem>>, vector<2x256xf32>
      tpu.vector_store %arg5[%swap3A_27, %swap3A_28], %broadcast_in_dim3A_26 {strides = array<i32>} : memref<2x256xf32, #tpu.memory_space<vmem>>, vector<2x256xf32>,
    } else {
    }
    %get3A_4 = arith.constant 0 : index
    %get3A_5 = arith.constant 0 : index
    %get3A_6 = vector.load %arg5[%get3A_4, %get3A_5] : memref<2x256xf32, #tpu.memory_space<vmem>>, vector<1x256xf32>
    %reduce_sum3A = arith.constant dense<0.000000e+00> : vector<256xf32>
    %reduce_sum3A_7 = vector.multi_reduction <add>, %get3A_1, %reduce_sum3A [0] : vector<200x256xf32> to vector<256xf32>
    %broadcast_in_dim3A = vector.shape_cast %reduce_sum3A_7 : vector<256xf32> to vector<1x256xf32>
    %add3A = arith.addf %get3A_6, %broadcast_in_dim3A : vector<1x256xf32>
    %swap3A = arith.constant 0 : index
    %swap3A_8 = arith.constant 0 : index
    %swap3A_9 = vector.load %arg5[%swap3A, %swap3A_8] : memref<2x256xf32, #tpu.memory_space<vmem>>, vector<1x256xf32>
    tpu.vector_store %arg5[%swap3A, %swap3A_8], %add3A {strides = array<i32>} : memref<2x256xf32, #tpu.memory_space<vmem>>, vector<1x256xf32>,
    %get3A_10 = arith.constant 1 : index
    %get3A_11 = arith.constant 0 : index
    %get3A_12 = vector.load %arg5[%get3A_10, %get3A_11] : memref<2x256xf32, #tpu.memory_space<vmem>>, vector<1x256xf32>
    %mul3A = arith.mulf %get3A_1, %get3A_1 : vector<200x256xf32>
    %reduce_sum3A_13 = arith.constant dense<0.000000e+00> : vector<256xf32>
    %reduce_sum3A_14 = vector.multi_reduction <add>, %mul3A, %reduce_sum3A_13 [0] : vector<200x256xf32> to vector<256xf32>
    %broadcast_in_dim3A_15 = vector.shape_cast %reduce_sum3A_14 : vector<256xf32> to vector<1x256xf32>
    %add3A_16 = arith.addf %get3A_12, %broadcast_in_dim3A_15 : vector<1x256xf32>
    %swap3A_17 = arith.constant 1 : index
    %swap3A_18 = arith.constant 0 : index
    %swap3A_19 = vector.load %arg5[%swap3A_17, %swap3A_18] : memref<2x256xf32, #tpu.memory_space<vmem>>, vector<1x256xf32>
    tpu.vector_store %arg5[%swap3A_17, %swap3A_18], %add3A_16 {strides = array<i32>} : memref<2x256xf32, #tpu.memory_space<vmem>>, vector<1x256xf32>,
    %eq3A_20 = arith.constant 49 : i32
    %eq3A_21 = arith.cmpi eq, %arg0, %eq3A_20 : i32
    %convert_element_type3A_22 = arith.extui %eq3A_21 : i1 to i32
    %cond3A_23 = arith.constant 0 : i32
    %cond3A_24 = arith.cmpi ne, %convert_element_type3A_22, %cond3A_23 : i32
    scf.if %cond3A_24 {
      %get3A_25 = arith.constant 0 : index
      %get3A_26 = arith.constant 0 : index
      %get3A_27 = vector.load %arg5[%get3A_25, %get3A_26] : memref<2x256xf32, #tpu.memory_space<vmem>>, vector<1x256xf32>
      %div3A = arith.constant 1.000000e+04 : f32
      %div3A_28 = vector.broadcast %div3A : f32 to vector<1x256xf32>
      %div3A_29 = arith.divf %get3A_27, %div3A_28 : vector<1x256xf32>
      %get3A_30 = arith.constant 1 : index
      %get3A_31 = arith.constant 0 : index
      %get3A_32 = vector.load %arg5[%get3A_30, %get3A_31] : memref<2x256xf32, #tpu.memory_space<vmem>>, vector<1x256xf32>
      %div3A_33 = arith.constant 1.000000e+04 : f32
      %div3A_34 = vector.broadcast %div3A_33 : f32 to vector<1x256xf32>
      %div3A_35 = arith.divf %get3A_32, %div3A_34 : vector<1x256xf32>
      %mul3A_36 = arith.mulf %div3A_29, %div3A_29 : vector<1x256xf32>
      %sub3A = arith.subf %div3A_35, %mul3A_36 : vector<1x256xf32>
      %get3A_37 = arith.constant 0 : index
      %get3A_38 = arith.constant 0 : index
      %get3A_39 = vector.load %arg2[%get3A_37, %get3A_38] : memref<1x256xf32, #tpu.memory_space<vmem>>, vector<1x256xf32>
      %add3A_40 = arith.constant 9.99999974E-6 : f32
      %add3A_41 = vector.broadcast %add3A_40 : f32 to vector<1x256xf32>
      %add3A_42 = arith.addf %sub3A, %add3A_41 : vector<1x256xf32>
      %rsqrt3A = math.rsqrt %add3A_42 : vector<1x256xf32>
      %mul3A_43 = arith.mulf %get3A_39, %rsqrt3A : vector<1x256xf32>
      %swap3A_44 = arith.constant 0 : index
      %swap3A_45 = arith.constant 0 : index
      %swap3A_46 = vector.load %arg4[%swap3A_44, %swap3A_45] : memref<2x256xf32, #tpu.memory_space<vmem>>, vector<1x256xf32>
      tpu.vector_store %arg4[%swap3A_44, %swap3A_45], %mul3A_43 {strides = array<i32>} : memref<2x256xf32, #tpu.memory_space<vmem>>, vector<1x256xf32>,
      %get3A_47 = arith.constant 0 : index
      %get3A_48 = arith.constant 0 : index
      %get3A_49 = vector.load %arg3[%get3A_47, %get3A_48] : memref<1x256xf32, #tpu.memory_space<vmem>>, vector<1x256xf32>
      %mul3A_50 = arith.mulf %div3A_29, %mul3A_43 : vector<1x256xf32>
      %sub3A_51 = arith.subf %get3A_49, %mul3A_50 : vector<1x256xf32>
      %swap3A_52 = arith.constant 1 : index
      %swap3A_53 = arith.constant 0 : index
      %swap3A_54 = vector.load %arg4[%swap3A_52, %swap3A_53] : memref<2x256xf32, #tpu.memory_space<vmem>>, vector<1x256xf32>
      tpu.vector_store %arg4[%swap3A_52, %swap3A_53], %sub3A_51 {strides = array<i32>} : memref<2x256xf32, #tpu.memory_space<vmem>>, vector<1x256xf32>,
    } else {
    }
    return
  }
  func.func @transform_0(%arg0: i32) -> (i32, i32) {
    %c0_i32 = arith.constant 0 : i32
    %c0_i32_0 = arith.constant 0 : i32
    return %arg0, %c0_i32 : i32, i32
  }
  func.func @transform_1(%arg0: i32) -> (i32, i32) {
    %c0_i32 = arith.constant 0 : i32
    %c0_i32_0 = arith.constant 0 : i32
    %c0_i32_1 = arith.constant 0 : i32
    return %c0_i32, %c0_i32_0 : i32, i32
  }
  func.func @transform_2(%arg0: i32) -> (i32, i32) {
    %c0_i32 = arith.constant 0 : i32
    %c0_i32_0 = arith.constant 0 : i32
    %c0_i32_1 = arith.constant 0 : i32
    return %c0_i32, %c0_i32_0 : i32, i32
  }
  func.func @transform_3(%arg0: i32) -> (i32, i32) {
    %c0_i32 = arith.constant 0 : i32
    %c0_i32_0 = arith.constant 0 : i32
    %c0_i32_1 = arith.constant 0 : i32
    return %c0_i32, %c0_i32_0 : i32, i32
  }
}

module attributes {stable_mosaic.version = 14 : i64} {
  func.func @_conv_tab_body(%arg0: i32, %arg1: memref<200x256xf32, #tpu.memory_space<vmem>>, %arg2: memref<2x256xf32, #tpu.memory_space<vmem>>, %arg3: memref<27x256x256xbf16, #tpu.memory_space<vmem>>, %arg4: memref<2x27x200x128xf32, #tpu.memory_space<vmem>>) attributes {dimension_semantics = [#tpu.dimension_semantics<arbitrary>], iteration_bounds = array<i64: 50>, scalar_prefetch = 0 : i64, scratch_operands = 0 : i64, tpu.core_type = #tpu.core_type<tc>, window_params = [{transform_indices = @transform_0, window_bounds = array<i64: 200, 256>}, {pipeline_mode = #tpu.pipeline_mode<synchronous>, transform_indices = @transform_1, window_bounds = array<i64: 2, 256>}, {pipeline_mode = #tpu.pipeline_mode<synchronous>, transform_indices = @transform_2, window_bounds = array<i64: 27, 256, 256>}, {transform_indices = @transform_3, window_bounds = array<i64: 2, 27, 200, 128>}]} {
    %get3A = arith.constant 0 : index
    %get3A_0 = arith.constant 0 : index
    %get3A_1 = vector.load %arg2[%get3A, %get3A_0] : memref<2x256xf32, #tpu.memory_space<vmem>>, vector<1x256xf32>
    %get3A_2 = arith.constant 1 : index
    %get3A_3 = arith.constant 0 : index
    %get3A_4 = vector.load %arg2[%get3A_2, %get3A_3] : memref<2x256xf32, #tpu.memory_space<vmem>>, vector<1x256xf32>
    %get3A_5 = arith.constant 0 : index
    %get3A_6 = arith.constant 0 : index
    %get3A_7 = vector.load %arg1[%get3A_5, %get3A_6] : memref<200x256xf32, #tpu.memory_space<vmem>>, vector<200x256xf32>
    %mul3A = vector.broadcast %get3A_1 : vector<1x256xf32> to vector<200x256xf32>
    %mul3A_8 = arith.mulf %get3A_7, %mul3A : vector<200x256xf32>
    %add3A = vector.broadcast %get3A_4 : vector<1x256xf32> to vector<200x256xf32>
    %add3A_9 = arith.addf %mul3A_8, %add3A : vector<200x256xf32>
    %logistic3A = arith.negf %add3A_9 : vector<200x256xf32>
    %logistic3A_10 = math.exp %logistic3A : vector<200x256xf32>
    %logistic3A_11 = arith.constant 1.000000e+00 : f32
    %logistic3A_12 = vector.broadcast %logistic3A_11 : f32 to vector<200x256xf32>
    %logistic3A_13 = arith.addf %logistic3A_12, %logistic3A_10 : vector<200x256xf32>
    %logistic3A_14 = arith.divf %logistic3A_12, %logistic3A_13 : vector<200x256xf32>
    %mul3A_15 = arith.mulf %add3A_9, %logistic3A_14 : vector<200x256xf32>
    %convert_element_type3A = arith.truncf %mul3A_15 : vector<200x256xf32> to vector<200x256xbf16>
    %get3A_16 = arith.constant 0 : index
    %get3A_17 = arith.constant 0 : index
    %get3A_18 = arith.constant 0 : index
    %get3A_19 = vector.load %arg3[%get3A_16, %get3A_17, %get3A_18] : memref<27x256x256xbf16, #tpu.memory_space<vmem>>, vector<1x256x256xbf16>
    %get3A_20 = vector.shape_cast %get3A_19 : vector<1x256x256xbf16> to vector<256x256xbf16>
    %dot_general3A = arith.constant dense<0.000000e+00> : vector<200x256xf32>
    %dot_general3A_21 = tpu.matmul %convert_element_type3A, %get3A_20, %dot_general3A {dimension_numbers = #tpu.dot_dimension_numbers<[1], [0], [0], [1], [0, 0, 1, 1], [], []>, transpose_lhs_hint = false} : vector<200x256xbf16>, vector<256x256xbf16>, vector<200x256xf32> -> vector<200x256xf32>
    %slice3A = vector.extract_strided_slice %dot_general3A_21 {offsets = [0, 0], sizes = [200, 128], strides = [1, 1]} : vector<200x256xf32> to vector<200x128xf32>
    %swap3A = arith.constant 0 : index
    %swap3A_22 = arith.constant 0 : index
    %swap3A_23 = arith.constant 0 : index
    %swap3A_24 = arith.constant 0 : index
    %swap3A_25 = vector.load %arg4[%swap3A, %swap3A_22, %swap3A_23, %swap3A_24] : memref<2x27x200x128xf32, #tpu.memory_space<vmem>>, vector<1x1x200x128xf32>
    %swap3A_26 = vector.shape_cast %swap3A_25 : vector<1x1x200x128xf32> to vector<200x128xf32>
    %swap3A_27 = vector.shape_cast %slice3A : vector<200x128xf32> to vector<1x1x200x128xf32>
    tpu.vector_store %arg4[%swap3A, %swap3A_22, %swap3A_23, %swap3A_24], %swap3A_27 {strides = array<i32>} : memref<2x27x200x128xf32, #tpu.memory_space<vmem>>, vector<1x1x200x128xf32>,
    %slice3A_28 = vector.extract_strided_slice %dot_general3A_21 {offsets = [0, 128], sizes = [200, 128], strides = [1, 1]} : vector<200x256xf32> to vector<200x128xf32>
    %swap3A_29 = arith.constant 1 : index
    %swap3A_30 = arith.constant 0 : index
    %swap3A_31 = arith.constant 0 : index
    %swap3A_32 = arith.constant 0 : index
    %swap3A_33 = vector.load %arg4[%swap3A_29, %swap3A_30, %swap3A_31, %swap3A_32] : memref<2x27x200x128xf32, #tpu.memory_space<vmem>>, vector<1x1x200x128xf32>
    %swap3A_34 = vector.shape_cast %swap3A_33 : vector<1x1x200x128xf32> to vector<200x128xf32>
    %swap3A_35 = vector.shape_cast %slice3A_28 : vector<200x128xf32> to vector<1x1x200x128xf32>
    tpu.vector_store %arg4[%swap3A_29, %swap3A_30, %swap3A_31, %swap3A_32], %swap3A_35 {strides = array<i32>} : memref<2x27x200x128xf32, #tpu.memory_space<vmem>>, vector<1x1x200x128xf32>,
    %get3A_36 = arith.constant 1 : index
    %get3A_37 = arith.constant 0 : index
    %get3A_38 = arith.constant 0 : index
    %get3A_39 = vector.load %arg3[%get3A_36, %get3A_37, %get3A_38] : memref<27x256x256xbf16, #tpu.memory_space<vmem>>, vector<1x256x256xbf16>
    %get3A_40 = vector.shape_cast %get3A_39 : vector<1x256x256xbf16> to vector<256x256xbf16>
    %dot_general3A_41 = arith.constant dense<0.000000e+00> : vector<200x256xf32>
    %dot_general3A_42 = tpu.matmul %convert_element_type3A, %get3A_40, %dot_general3A_41 {dimension_numbers = #tpu.dot_dimension_numbers<[1], [0], [0], [1], [0, 0, 1, 1], [], []>, transpose_lhs_hint = false} : vector<200x256xbf16>, vector<256x256xbf16>, vector<200x256xf32> -> vector<200x256xf32>
    %slice3A_43 = vector.extract_strided_slice %dot_general3A_42 {offsets = [0, 0], sizes = [200, 128], strides = [1, 1]} : vector<200x256xf32> to vector<200x128xf32>
    %swap3A_44 = arith.constant 0 : index
    %swap3A_45 = arith.constant 1 : index
    %swap3A_46 = arith.constant 0 : index
    %swap3A_47 = arith.constant 0 : index
    %swap3A_48 = vector.load %arg4[%swap3A_44, %swap3A_45, %swap3A_46, %swap3A_47] : memref<2x27x200x128xf32, #tpu.memory_space<vmem>>, vector<1x1x200x128xf32>
    %swap3A_49 = vector.shape_cast %swap3A_48 : vector<1x1x200x128xf32> to vector<200x128xf32>
    %swap3A_50 = vector.shape_cast %slice3A_43 : vector<200x128xf32> to vector<1x1x200x128xf32>
    tpu.vector_store %arg4[%swap3A_44, %swap3A_45, %swap3A_46, %swap3A_47], %swap3A_50 {strides = array<i32>} : memref<2x27x200x128xf32, #tpu.memory_space<vmem>>, vector<1x1x200x128xf32>,
    %slice3A_51 = vector.extract_strided_slice %dot_general3A_42 {offsets = [0, 128], sizes = [200, 128], strides = [1, 1]} : vector<200x256xf32> to vector<200x128xf32>
    %swap3A_52 = arith.constant 1 : index
    %swap3A_53 = arith.constant 1 : index
    %swap3A_54 = arith.constant 0 : index
    %swap3A_55 = arith.constant 0 : index
    %swap3A_56 = vector.load %arg4[%swap3A_52, %swap3A_53, %swap3A_54, %swap3A_55] : memref<2x27x200x128xf32, #tpu.memory_space<vmem>>, vector<1x1x200x128xf32>
    %swap3A_57 = vector.shape_cast %swap3A_56 : vector<1x1x200x128xf32> to vector<200x128xf32>
    %swap3A_58 = vector.shape_cast %slice3A_51 : vector<200x128xf32> to vector<1x1x200x128xf32>
    tpu.vector_store %arg4[%swap3A_52, %swap3A_53, %swap3A_54, %swap3A_55], %swap3A_58 {strides = array<i32>} : memref<2x27x200x128xf32, #tpu.memory_space<vmem>>, vector<1x1x200x128xf32>,
    %get3A_59 = arith.constant 2 : index
    %get3A_60 = arith.constant 0 : index
    %get3A_61 = arith.constant 0 : index
    %get3A_62 = vector.load %arg3[%get3A_59, %get3A_60, %get3A_61] : memref<27x256x256xbf16, #tpu.memory_space<vmem>>, vector<1x256x256xbf16>
    %get3A_63 = vector.shape_cast %get3A_62 : vector<1x256x256xbf16> to vector<256x256xbf16>
    %dot_general3A_64 = arith.constant dense<0.000000e+00> : vector<200x256xf32>
    %dot_general3A_65 = tpu.matmul %convert_element_type3A, %get3A_63, %dot_general3A_64 {dimension_numbers = #tpu.dot_dimension_numbers<[1], [0], [0], [1], [0, 0, 1, 1], [], []>, transpose_lhs_hint = false} : vector<200x256xbf16>, vector<256x256xbf16>, vector<200x256xf32> -> vector<200x256xf32>
    %slice3A_66 = vector.extract_strided_slice %dot_general3A_65 {offsets = [0, 0], sizes = [200, 128], strides = [1, 1]} : vector<200x256xf32> to vector<200x128xf32>
    %swap3A_67 = arith.constant 0 : index
    %swap3A_68 = arith.constant 2 : index
    %swap3A_69 = arith.constant 0 : index
    %swap3A_70 = arith.constant 0 : index
    %swap3A_71 = vector.load %arg4[%swap3A_67, %swap3A_68, %swap3A_69, %swap3A_70] : memref<2x27x200x128xf32, #tpu.memory_space<vmem>>, vector<1x1x200x128xf32>
    %swap3A_72 = vector.shape_cast %swap3A_71 : vector<1x1x200x128xf32> to vector<200x128xf32>
    %swap3A_73 = vector.shape_cast %slice3A_66 : vector<200x128xf32> to vector<1x1x200x128xf32>
    tpu.vector_store %arg4[%swap3A_67, %swap3A_68, %swap3A_69, %swap3A_70], %swap3A_73 {strides = array<i32>} : memref<2x27x200x128xf32, #tpu.memory_space<vmem>>, vector<1x1x200x128xf32>,
    %slice3A_74 = vector.extract_strided_slice %dot_general3A_65 {offsets = [0, 128], sizes = [200, 128], strides = [1, 1]} : vector<200x256xf32> to vector<200x128xf32>
    %swap3A_75 = arith.constant 1 : index
    %swap3A_76 = arith.constant 2 : index
    %swap3A_77 = arith.constant 0 : index
    %swap3A_78 = arith.constant 0 : index
    %swap3A_79 = vector.load %arg4[%swap3A_75, %swap3A_76, %swap3A_77, %swap3A_78] : memref<2x27x200x128xf32, #tpu.memory_space<vmem>>, vector<1x1x200x128xf32>
    %swap3A_80 = vector.shape_cast %swap3A_79 : vector<1x1x200x128xf32> to vector<200x128xf32>
    %swap3A_81 = vector.shape_cast %slice3A_74 : vector<200x128xf32> to vector<1x1x200x128xf32>
    tpu.vector_store %arg4[%swap3A_75, %swap3A_76, %swap3A_77, %swap3A_78], %swap3A_81 {strides = array<i32>} : memref<2x27x200x128xf32, #tpu.memory_space<vmem>>, vector<1x1x200x128xf32>,
    %get3A_82 = arith.constant 3 : index
    %get3A_83 = arith.constant 0 : index
    %get3A_84 = arith.constant 0 : index
    %get3A_85 = vector.load %arg3[%get3A_82, %get3A_83, %get3A_84] : memref<27x256x256xbf16, #tpu.memory_space<vmem>>, vector<1x256x256xbf16>
    %get3A_86 = vector.shape_cast %get3A_85 : vector<1x256x256xbf16> to vector<256x256xbf16>
    %dot_general3A_87 = arith.constant dense<0.000000e+00> : vector<200x256xf32>
    %dot_general3A_88 = tpu.matmul %convert_element_type3A, %get3A_86, %dot_general3A_87 {dimension_numbers = #tpu.dot_dimension_numbers<[1], [0], [0], [1], [0, 0, 1, 1], [], []>, transpose_lhs_hint = false} : vector<200x256xbf16>, vector<256x256xbf16>, vector<200x256xf32> -> vector<200x256xf32>
    %slice3A_89 = vector.extract_strided_slice %dot_general3A_88 {offsets = [0, 0], sizes = [200, 128], strides = [1, 1]} : vector<200x256xf32> to vector<200x128xf32>
    %swap3A_90 = arith.constant 0 : index
    %swap3A_91 = arith.constant 3 : index
    %swap3A_92 = arith.constant 0 : index
    %swap3A_93 = arith.constant 0 : index
    %swap3A_94 = vector.load %arg4[%swap3A_90, %swap3A_91, %swap3A_92, %swap3A_93] : memref<2x27x200x128xf32, #tpu.memory_space<vmem>>, vector<1x1x200x128xf32>
    %swap3A_95 = vector.shape_cast %swap3A_94 : vector<1x1x200x128xf32> to vector<200x128xf32>
    %swap3A_96 = vector.shape_cast %slice3A_89 : vector<200x128xf32> to vector<1x1x200x128xf32>
    tpu.vector_store %arg4[%swap3A_90, %swap3A_91, %swap3A_92, %swap3A_93], %swap3A_96 {strides = array<i32>} : memref<2x27x200x128xf32, #tpu.memory_space<vmem>>, vector<1x1x200x128xf32>,
    %slice3A_97 = vector.extract_strided_slice %dot_general3A_88 {offsets = [0, 128], sizes = [200, 128], strides = [1, 1]} : vector<200x256xf32> to vector<200x128xf32>
    %swap3A_98 = arith.constant 1 : index
    %swap3A_99 = arith.constant 3 : index
    %swap3A_100 = arith.constant 0 : index
    %swap3A_101 = arith.constant 0 : index
    %swap3A_102 = vector.load %arg4[%swap3A_98, %swap3A_99, %swap3A_100, %swap3A_101] : memref<2x27x200x128xf32, #tpu.memory_space<vmem>>, vector<1x1x200x128xf32>
    %swap3A_103 = vector.shape_cast %swap3A_102 : vector<1x1x200x128xf32> to vector<200x128xf32>
    %swap3A_104 = vector.shape_cast %slice3A_97 : vector<200x128xf32> to vector<1x1x200x128xf32>
    tpu.vector_store %arg4[%swap3A_98, %swap3A_99, %swap3A_100, %swap3A_101], %swap3A_104 {strides = array<i32>} : memref<2x27x200x128xf32, #tpu.memory_space<vmem>>, vector<1x1x200x128xf32>,
    %get3A_105 = arith.constant 4 : index
    %get3A_106 = arith.constant 0 : index
    %get3A_107 = arith.constant 0 : index
    %get3A_108 = vector.load %arg3[%get3A_105, %get3A_106, %get3A_107] : memref<27x256x256xbf16, #tpu.memory_space<vmem>>, vector<1x256x256xbf16>
    %get3A_109 = vector.shape_cast %get3A_108 : vector<1x256x256xbf16> to vector<256x256xbf16>
    %dot_general3A_110 = arith.constant dense<0.000000e+00> : vector<200x256xf32>
    %dot_general3A_111 = tpu.matmul %convert_element_type3A, %get3A_109, %dot_general3A_110 {dimension_numbers = #tpu.dot_dimension_numbers<[1], [0], [0], [1], [0, 0, 1, 1], [], []>, transpose_lhs_hint = false} : vector<200x256xbf16>, vector<256x256xbf16>, vector<200x256xf32> -> vector<200x256xf32>
    %slice3A_112 = vector.extract_strided_slice %dot_general3A_111 {offsets = [0, 0], sizes = [200, 128], strides = [1, 1]} : vector<200x256xf32> to vector<200x128xf32>
    %swap3A_113 = arith.constant 0 : index
    %swap3A_114 = arith.constant 4 : index
    %swap3A_115 = arith.constant 0 : index
    %swap3A_116 = arith.constant 0 : index
    %swap3A_117 = vector.load %arg4[%swap3A_113, %swap3A_114, %swap3A_115, %swap3A_116] : memref<2x27x200x128xf32, #tpu.memory_space<vmem>>, vector<1x1x200x128xf32>
    %swap3A_118 = vector.shape_cast %swap3A_117 : vector<1x1x200x128xf32> to vector<200x128xf32>
    %swap3A_119 = vector.shape_cast %slice3A_112 : vector<200x128xf32> to vector<1x1x200x128xf32>
    tpu.vector_store %arg4[%swap3A_113, %swap3A_114, %swap3A_115, %swap3A_116], %swap3A_119 {strides = array<i32>} : memref<2x27x200x128xf32, #tpu.memory_space<vmem>>, vector<1x1x200x128xf32>,
    %slice3A_120 = vector.extract_strided_slice %dot_general3A_111 {offsets = [0, 128], sizes = [200, 128], strides = [1, 1]} : vector<200x256xf32> to vector<200x128xf32>
    %swap3A_121 = arith.constant 1 : index
    %swap3A_122 = arith.constant 4 : index
    %swap3A_123 = arith.constant 0 : index
    %swap3A_124 = arith.constant 0 : index
    %swap3A_125 = vector.load %arg4[%swap3A_121, %swap3A_122, %swap3A_123, %swap3A_124] : memref<2x27x200x128xf32, #tpu.memory_space<vmem>>, vector<1x1x200x128xf32>
    %swap3A_126 = vector.shape_cast %swap3A_125 : vector<1x1x200x128xf32> to vector<200x128xf32>
    %swap3A_127 = vector.shape_cast %slice3A_120 : vector<200x128xf32> to vector<1x1x200x128xf32>
    tpu.vector_store %arg4[%swap3A_121, %swap3A_122, %swap3A_123, %swap3A_124], %swap3A_127 {strides = array<i32>} : memref<2x27x200x128xf32, #tpu.memory_space<vmem>>, vector<1x1x200x128xf32>,
    %get3A_128 = arith.constant 5 : index
    %get3A_129 = arith.constant 0 : index
    %get3A_130 = arith.constant 0 : index
    %get3A_131 = vector.load %arg3[%get3A_128, %get3A_129, %get3A_130] : memref<27x256x256xbf16, #tpu.memory_space<vmem>>, vector<1x256x256xbf16>
    %get3A_132 = vector.shape_cast %get3A_131 : vector<1x256x256xbf16> to vector<256x256xbf16>
    %dot_general3A_133 = arith.constant dense<0.000000e+00> : vector<200x256xf32>
    %dot_general3A_134 = tpu.matmul %convert_element_type3A, %get3A_132, %dot_general3A_133 {dimension_numbers = #tpu.dot_dimension_numbers<[1], [0], [0], [1], [0, 0, 1, 1], [], []>, transpose_lhs_hint = false} : vector<200x256xbf16>, vector<256x256xbf16>, vector<200x256xf32> -> vector<200x256xf32>
    %slice3A_135 = vector.extract_strided_slice %dot_general3A_134 {offsets = [0, 0], sizes = [200, 128], strides = [1, 1]} : vector<200x256xf32> to vector<200x128xf32>
    %swap3A_136 = arith.constant 0 : index
    %swap3A_137 = arith.constant 5 : index
    %swap3A_138 = arith.constant 0 : index
    %swap3A_139 = arith.constant 0 : index
    %swap3A_140 = vector.load %arg4[%swap3A_136, %swap3A_137, %swap3A_138, %swap3A_139] : memref<2x27x200x128xf32, #tpu.memory_space<vmem>>, vector<1x1x200x128xf32>
    %swap3A_141 = vector.shape_cast %swap3A_140 : vector<1x1x200x128xf32> to vector<200x128xf32>
    %swap3A_142 = vector.shape_cast %slice3A_135 : vector<200x128xf32> to vector<1x1x200x128xf32>
    tpu.vector_store %arg4[%swap3A_136, %swap3A_137, %swap3A_138, %swap3A_139], %swap3A_142 {strides = array<i32>} : memref<2x27x200x128xf32, #tpu.memory_space<vmem>>, vector<1x1x200x128xf32>,
    %slice3A_143 = vector.extract_strided_slice %dot_general3A_134 {offsets = [0, 128], sizes = [200, 128], strides = [1, 1]} : vector<200x256xf32> to vector<200x128xf32>
    %swap3A_144 = arith.constant 1 : index
    %swap3A_145 = arith.constant 5 : index
    %swap3A_146 = arith.constant 0 : index
    %swap3A_147 = arith.constant 0 : index
    %swap3A_148 = vector.load %arg4[%swap3A_144, %swap3A_145, %swap3A_146, %swap3A_147] : memref<2x27x200x128xf32, #tpu.memory_space<vmem>>, vector<1x1x200x128xf32>
    %swap3A_149 = vector.shape_cast %swap3A_148 : vector<1x1x200x128xf32> to vector<200x128xf32>
    %swap3A_150 = vector.shape_cast %slice3A_143 : vector<200x128xf32> to vector<1x1x200x128xf32>
    tpu.vector_store %arg4[%swap3A_144, %swap3A_145, %swap3A_146, %swap3A_147], %swap3A_150 {strides = array<i32>} : memref<2x27x200x128xf32, #tpu.memory_space<vmem>>, vector<1x1x200x128xf32>,
    %get3A_151 = arith.constant 6 : index
    %get3A_152 = arith.constant 0 : index
    %get3A_153 = arith.constant 0 : index
    %get3A_154 = vector.load %arg3[%get3A_151, %get3A_152, %get3A_153] : memref<27x256x256xbf16, #tpu.memory_space<vmem>>, vector<1x256x256xbf16>
    %get3A_155 = vector.shape_cast %get3A_154 : vector<1x256x256xbf16> to vector<256x256xbf16>
    %dot_general3A_156 = arith.constant dense<0.000000e+00> : vector<200x256xf32>
    %dot_general3A_157 = tpu.matmul %convert_element_type3A, %get3A_155, %dot_general3A_156 {dimension_numbers = #tpu.dot_dimension_numbers<[1], [0], [0], [1], [0, 0, 1, 1], [], []>, transpose_lhs_hint = false} : vector<200x256xbf16>, vector<256x256xbf16>, vector<200x256xf32> -> vector<200x256xf32>
    %slice3A_158 = vector.extract_strided_slice %dot_general3A_157 {offsets = [0, 0], sizes = [200, 128], strides = [1, 1]} : vector<200x256xf32> to vector<200x128xf32>
    %swap3A_159 = arith.constant 0 : index
    %swap3A_160 = arith.constant 6 : index
    %swap3A_161 = arith.constant 0 : index
    %swap3A_162 = arith.constant 0 : index
    %swap3A_163 = vector.load %arg4[%swap3A_159, %swap3A_160, %swap3A_161, %swap3A_162] : memref<2x27x200x128xf32, #tpu.memory_space<vmem>>, vector<1x1x200x128xf32>
    %swap3A_164 = vector.shape_cast %swap3A_163 : vector<1x1x200x128xf32> to vector<200x128xf32>
    %swap3A_165 = vector.shape_cast %slice3A_158 : vector<200x128xf32> to vector<1x1x200x128xf32>
    tpu.vector_store %arg4[%swap3A_159, %swap3A_160, %swap3A_161, %swap3A_162], %swap3A_165 {strides = array<i32>} : memref<2x27x200x128xf32, #tpu.memory_space<vmem>>, vector<1x1x200x128xf32>,
    %slice3A_166 = vector.extract_strided_slice %dot_general3A_157 {offsets = [0, 128], sizes = [200, 128], strides = [1, 1]} : vector<200x256xf32> to vector<200x128xf32>
    %swap3A_167 = arith.constant 1 : index
    %swap3A_168 = arith.constant 6 : index
    %swap3A_169 = arith.constant 0 : index
    %swap3A_170 = arith.constant 0 : index
    %swap3A_171 = vector.load %arg4[%swap3A_167, %swap3A_168, %swap3A_169, %swap3A_170] : memref<2x27x200x128xf32, #tpu.memory_space<vmem>>, vector<1x1x200x128xf32>
    %swap3A_172 = vector.shape_cast %swap3A_171 : vector<1x1x200x128xf32> to vector<200x128xf32>
    %swap3A_173 = vector.shape_cast %slice3A_166 : vector<200x128xf32> to vector<1x1x200x128xf32>
    tpu.vector_store %arg4[%swap3A_167, %swap3A_168, %swap3A_169, %swap3A_170], %swap3A_173 {strides = array<i32>} : memref<2x27x200x128xf32, #tpu.memory_space<vmem>>, vector<1x1x200x128xf32>,
    %get3A_174 = arith.constant 7 : index
    %get3A_175 = arith.constant 0 : index
    %get3A_176 = arith.constant 0 : index
    %get3A_177 = vector.load %arg3[%get3A_174, %get3A_175, %get3A_176] : memref<27x256x256xbf16, #tpu.memory_space<vmem>>, vector<1x256x256xbf16>
    %get3A_178 = vector.shape_cast %get3A_177 : vector<1x256x256xbf16> to vector<256x256xbf16>
    %dot_general3A_179 = arith.constant dense<0.000000e+00> : vector<200x256xf32>
    %dot_general3A_180 = tpu.matmul %convert_element_type3A, %get3A_178, %dot_general3A_179 {dimension_numbers = #tpu.dot_dimension_numbers<[1], [0], [0], [1], [0, 0, 1, 1], [], []>, transpose_lhs_hint = false} : vector<200x256xbf16>, vector<256x256xbf16>, vector<200x256xf32> -> vector<200x256xf32>
    %slice3A_181 = vector.extract_strided_slice %dot_general3A_180 {offsets = [0, 0], sizes = [200, 128], strides = [1, 1]} : vector<200x256xf32> to vector<200x128xf32>
    %swap3A_182 = arith.constant 0 : index
    %swap3A_183 = arith.constant 7 : index
    %swap3A_184 = arith.constant 0 : index
    %swap3A_185 = arith.constant 0 : index
    %swap3A_186 = vector.load %arg4[%swap3A_182, %swap3A_183, %swap3A_184, %swap3A_185] : memref<2x27x200x128xf32, #tpu.memory_space<vmem>>, vector<1x1x200x128xf32>
    %swap3A_187 = vector.shape_cast %swap3A_186 : vector<1x1x200x128xf32> to vector<200x128xf32>
    %swap3A_188 = vector.shape_cast %slice3A_181 : vector<200x128xf32> to vector<1x1x200x128xf32>
    tpu.vector_store %arg4[%swap3A_182, %swap3A_183, %swap3A_184, %swap3A_185], %swap3A_188 {strides = array<i32>} : memref<2x27x200x128xf32, #tpu.memory_space<vmem>>, vector<1x1x200x128xf32>,
    %slice3A_189 = vector.extract_strided_slice %dot_general3A_180 {offsets = [0, 128], sizes = [200, 128], strides = [1, 1]} : vector<200x256xf32> to vector<200x128xf32>
    %swap3A_190 = arith.constant 1 : index
    %swap3A_191 = arith.constant 7 : index
    %swap3A_192 = arith.constant 0 : index
    %swap3A_193 = arith.constant 0 : index
    %swap3A_194 = vector.load %arg4[%swap3A_190, %swap3A_191, %swap3A_192, %swap3A_193] : memref<2x27x200x128xf32, #tpu.memory_space<vmem>>, vector<1x1x200x128xf32>
    %swap3A_195 = vector.shape_cast %swap3A_194 : vector<1x1x200x128xf32> to vector<200x128xf32>
    %swap3A_196 = vector.shape_cast %slice3A_189 : vector<200x128xf32> to vector<1x1x200x128xf32>
    tpu.vector_store %arg4[%swap3A_190, %swap3A_191, %swap3A_192, %swap3A_193], %swap3A_196 {strides = array<i32>} : memref<2x27x200x128xf32, #tpu.memory_space<vmem>>, vector<1x1x200x128xf32>,
    %get3A_197 = arith.constant 8 : index
    %get3A_198 = arith.constant 0 : index
    %get3A_199 = arith.constant 0 : index
    %get3A_200 = vector.load %arg3[%get3A_197, %get3A_198, %get3A_199] : memref<27x256x256xbf16, #tpu.memory_space<vmem>>, vector<1x256x256xbf16>
    %get3A_201 = vector.shape_cast %get3A_200 : vector<1x256x256xbf16> to vector<256x256xbf16>
    %dot_general3A_202 = arith.constant dense<0.000000e+00> : vector<200x256xf32>
    %dot_general3A_203 = tpu.matmul %convert_element_type3A, %get3A_201, %dot_general3A_202 {dimension_numbers = #tpu.dot_dimension_numbers<[1], [0], [0], [1], [0, 0, 1, 1], [], []>, transpose_lhs_hint = false} : vector<200x256xbf16>, vector<256x256xbf16>, vector<200x256xf32> -> vector<200x256xf32>
    %slice3A_204 = vector.extract_strided_slice %dot_general3A_203 {offsets = [0, 0], sizes = [200, 128], strides = [1, 1]} : vector<200x256xf32> to vector<200x128xf32>
    %swap3A_205 = arith.constant 0 : index
    %swap3A_206 = arith.constant 8 : index
    %swap3A_207 = arith.constant 0 : index
    %swap3A_208 = arith.constant 0 : index
    %swap3A_209 = vector.load %arg4[%swap3A_205, %swap3A_206, %swap3A_207, %swap3A_208] : memref<2x27x200x128xf32, #tpu.memory_space<vmem>>, vector<1x1x200x128xf32>
    %swap3A_210 = vector.shape_cast %swap3A_209 : vector<1x1x200x128xf32> to vector<200x128xf32>
    %swap3A_211 = vector.shape_cast %slice3A_204 : vector<200x128xf32> to vector<1x1x200x128xf32>
    tpu.vector_store %arg4[%swap3A_205, %swap3A_206, %swap3A_207, %swap3A_208], %swap3A_211 {strides = array<i32>} : memref<2x27x200x128xf32, #tpu.memory_space<vmem>>, vector<1x1x200x128xf32>,
    %slice3A_212 = vector.extract_strided_slice %dot_general3A_203 {offsets = [0, 128], sizes = [200, 128], strides = [1, 1]} : vector<200x256xf32> to vector<200x128xf32>
    %swap3A_213 = arith.constant 1 : index
    %swap3A_214 = arith.constant 8 : index
    %swap3A_215 = arith.constant 0 : index
    %swap3A_216 = arith.constant 0 : index
    %swap3A_217 = vector.load %arg4[%swap3A_213, %swap3A_214, %swap3A_215, %swap3A_216] : memref<2x27x200x128xf32, #tpu.memory_space<vmem>>, vector<1x1x200x128xf32>
    %swap3A_218 = vector.shape_cast %swap3A_217 : vector<1x1x200x128xf32> to vector<200x128xf32>
    %swap3A_219 = vector.shape_cast %slice3A_212 : vector<200x128xf32> to vector<1x1x200x128xf32>
    tpu.vector_store %arg4[%swap3A_213, %swap3A_214, %swap3A_215, %swap3A_216], %swap3A_219 {strides = array<i32>} : memref<2x27x200x128xf32, #tpu.memory_space<vmem>>, vector<1x1x200x128xf32>,
    %get3A_220 = arith.constant 9 : index
    %get3A_221 = arith.constant 0 : index
    %get3A_222 = arith.constant 0 : index
    %get3A_223 = vector.load %arg3[%get3A_220, %get3A_221, %get3A_222] : memref<27x256x256xbf16, #tpu.memory_space<vmem>>, vector<1x256x256xbf16>
    %get3A_224 = vector.shape_cast %get3A_223 : vector<1x256x256xbf16> to vector<256x256xbf16>
    %dot_general3A_225 = arith.constant dense<0.000000e+00> : vector<200x256xf32>
    %dot_general3A_226 = tpu.matmul %convert_element_type3A, %get3A_224, %dot_general3A_225 {dimension_numbers = #tpu.dot_dimension_numbers<[1], [0], [0], [1], [0, 0, 1, 1], [], []>, transpose_lhs_hint = false} : vector<200x256xbf16>, vector<256x256xbf16>, vector<200x256xf32> -> vector<200x256xf32>
    %slice3A_227 = vector.extract_strided_slice %dot_general3A_226 {offsets = [0, 0], sizes = [200, 128], strides = [1, 1]} : vector<200x256xf32> to vector<200x128xf32>
    %swap3A_228 = arith.constant 0 : index
    %swap3A_229 = arith.constant 9 : index
    %swap3A_230 = arith.constant 0 : index
    %swap3A_231 = arith.constant 0 : index
    %swap3A_232 = vector.load %arg4[%swap3A_228, %swap3A_229, %swap3A_230, %swap3A_231] : memref<2x27x200x128xf32, #tpu.memory_space<vmem>>, vector<1x1x200x128xf32>
    %swap3A_233 = vector.shape_cast %swap3A_232 : vector<1x1x200x128xf32> to vector<200x128xf32>
    %swap3A_234 = vector.shape_cast %slice3A_227 : vector<200x128xf32> to vector<1x1x200x128xf32>
    tpu.vector_store %arg4[%swap3A_228, %swap3A_229, %swap3A_230, %swap3A_231], %swap3A_234 {strides = array<i32>} : memref<2x27x200x128xf32, #tpu.memory_space<vmem>>, vector<1x1x200x128xf32>,
    %slice3A_235 = vector.extract_strided_slice %dot_general3A_226 {offsets = [0, 128], sizes = [200, 128], strides = [1, 1]} : vector<200x256xf32> to vector<200x128xf32>
    %swap3A_236 = arith.constant 1 : index
    %swap3A_237 = arith.constant 9 : index
    %swap3A_238 = arith.constant 0 : index
    %swap3A_239 = arith.constant 0 : index
    %swap3A_240 = vector.load %arg4[%swap3A_236, %swap3A_237, %swap3A_238, %swap3A_239] : memref<2x27x200x128xf32, #tpu.memory_space<vmem>>, vector<1x1x200x128xf32>
    %swap3A_241 = vector.shape_cast %swap3A_240 : vector<1x1x200x128xf32> to vector<200x128xf32>
    %swap3A_242 = vector.shape_cast %slice3A_235 : vector<200x128xf32> to vector<1x1x200x128xf32>
    tpu.vector_store %arg4[%swap3A_236, %swap3A_237, %swap3A_238, %swap3A_239], %swap3A_242 {strides = array<i32>} : memref<2x27x200x128xf32, #tpu.memory_space<vmem>>, vector<1x1x200x128xf32>,
    %get3A_243 = arith.constant 10 : index
    %get3A_244 = arith.constant 0 : index
    %get3A_245 = arith.constant 0 : index
    %get3A_246 = vector.load %arg3[%get3A_243, %get3A_244, %get3A_245] : memref<27x256x256xbf16, #tpu.memory_space<vmem>>, vector<1x256x256xbf16>
    %get3A_247 = vector.shape_cast %get3A_246 : vector<1x256x256xbf16> to vector<256x256xbf16>
    %dot_general3A_248 = arith.constant dense<0.000000e+00> : vector<200x256xf32>
    %dot_general3A_249 = tpu.matmul %convert_element_type3A, %get3A_247, %dot_general3A_248 {dimension_numbers = #tpu.dot_dimension_numbers<[1], [0], [0], [1], [0, 0, 1, 1], [], []>, transpose_lhs_hint = false} : vector<200x256xbf16>, vector<256x256xbf16>, vector<200x256xf32> -> vector<200x256xf32>
    %slice3A_250 = vector.extract_strided_slice %dot_general3A_249 {offsets = [0, 0], sizes = [200, 128], strides = [1, 1]} : vector<200x256xf32> to vector<200x128xf32>
    %swap3A_251 = arith.constant 0 : index
    %swap3A_252 = arith.constant 10 : index
    %swap3A_253 = arith.constant 0 : index
    %swap3A_254 = arith.constant 0 : index
    %swap3A_255 = vector.load %arg4[%swap3A_251, %swap3A_252, %swap3A_253, %swap3A_254] : memref<2x27x200x128xf32, #tpu.memory_space<vmem>>, vector<1x1x200x128xf32>
    %swap3A_256 = vector.shape_cast %swap3A_255 : vector<1x1x200x128xf32> to vector<200x128xf32>
    %swap3A_257 = vector.shape_cast %slice3A_250 : vector<200x128xf32> to vector<1x1x200x128xf32>
    tpu.vector_store %arg4[%swap3A_251, %swap3A_252, %swap3A_253, %swap3A_254], %swap3A_257 {strides = array<i32>} : memref<2x27x200x128xf32, #tpu.memory_space<vmem>>, vector<1x1x200x128xf32>,
    %slice3A_258 = vector.extract_strided_slice %dot_general3A_249 {offsets = [0, 128], sizes = [200, 128], strides = [1, 1]} : vector<200x256xf32> to vector<200x128xf32>
    %swap3A_259 = arith.constant 1 : index
    %swap3A_260 = arith.constant 10 : index
    %swap3A_261 = arith.constant 0 : index
    %swap3A_262 = arith.constant 0 : index
    %swap3A_263 = vector.load %arg4[%swap3A_259, %swap3A_260, %swap3A_261, %swap3A_262] : memref<2x27x200x128xf32, #tpu.memory_space<vmem>>, vector<1x1x200x128xf32>
    %swap3A_264 = vector.shape_cast %swap3A_263 : vector<1x1x200x128xf32> to vector<200x128xf32>
    %swap3A_265 = vector.shape_cast %slice3A_258 : vector<200x128xf32> to vector<1x1x200x128xf32>
    tpu.vector_store %arg4[%swap3A_259, %swap3A_260, %swap3A_261, %swap3A_262], %swap3A_265 {strides = array<i32>} : memref<2x27x200x128xf32, #tpu.memory_space<vmem>>, vector<1x1x200x128xf32>,
    %get3A_266 = arith.constant 11 : index
    %get3A_267 = arith.constant 0 : index
    %get3A_268 = arith.constant 0 : index
    %get3A_269 = vector.load %arg3[%get3A_266, %get3A_267, %get3A_268] : memref<27x256x256xbf16, #tpu.memory_space<vmem>>, vector<1x256x256xbf16>
    %get3A_270 = vector.shape_cast %get3A_269 : vector<1x256x256xbf16> to vector<256x256xbf16>
    %dot_general3A_271 = arith.constant dense<0.000000e+00> : vector<200x256xf32>
    %dot_general3A_272 = tpu.matmul %convert_element_type3A, %get3A_270, %dot_general3A_271 {dimension_numbers = #tpu.dot_dimension_numbers<[1], [0], [0], [1], [0, 0, 1, 1], [], []>, transpose_lhs_hint = false} : vector<200x256xbf16>, vector<256x256xbf16>, vector<200x256xf32> -> vector<200x256xf32>
    %slice3A_273 = vector.extract_strided_slice %dot_general3A_272 {offsets = [0, 0], sizes = [200, 128], strides = [1, 1]} : vector<200x256xf32> to vector<200x128xf32>
    %swap3A_274 = arith.constant 0 : index
    %swap3A_275 = arith.constant 11 : index
    %swap3A_276 = arith.constant 0 : index
    %swap3A_277 = arith.constant 0 : index
    %swap3A_278 = vector.load %arg4[%swap3A_274, %swap3A_275, %swap3A_276, %swap3A_277] : memref<2x27x200x128xf32, #tpu.memory_space<vmem>>, vector<1x1x200x128xf32>
    %swap3A_279 = vector.shape_cast %swap3A_278 : vector<1x1x200x128xf32> to vector<200x128xf32>
    %swap3A_280 = vector.shape_cast %slice3A_273 : vector<200x128xf32> to vector<1x1x200x128xf32>
    tpu.vector_store %arg4[%swap3A_274, %swap3A_275, %swap3A_276, %swap3A_277], %swap3A_280 {strides = array<i32>} : memref<2x27x200x128xf32, #tpu.memory_space<vmem>>, vector<1x1x200x128xf32>,
    %slice3A_281 = vector.extract_strided_slice %dot_general3A_272 {offsets = [0, 128], sizes = [200, 128], strides = [1, 1]} : vector<200x256xf32> to vector<200x128xf32>
    %swap3A_282 = arith.constant 1 : index
    %swap3A_283 = arith.constant 11 : index
    %swap3A_284 = arith.constant 0 : index
    %swap3A_285 = arith.constant 0 : index
    %swap3A_286 = vector.load %arg4[%swap3A_282, %swap3A_283, %swap3A_284, %swap3A_285] : memref<2x27x200x128xf32, #tpu.memory_space<vmem>>, vector<1x1x200x128xf32>
    %swap3A_287 = vector.shape_cast %swap3A_286 : vector<1x1x200x128xf32> to vector<200x128xf32>
    %swap3A_288 = vector.shape_cast %slice3A_281 : vector<200x128xf32> to vector<1x1x200x128xf32>
    tpu.vector_store %arg4[%swap3A_282, %swap3A_283, %swap3A_284, %swap3A_285], %swap3A_288 {strides = array<i32>} : memref<2x27x200x128xf32, #tpu.memory_space<vmem>>, vector<1x1x200x128xf32>,
    %get3A_289 = arith.constant 12 : index
    %get3A_290 = arith.constant 0 : index
    %get3A_291 = arith.constant 0 : index
    %get3A_292 = vector.load %arg3[%get3A_289, %get3A_290, %get3A_291] : memref<27x256x256xbf16, #tpu.memory_space<vmem>>, vector<1x256x256xbf16>
    %get3A_293 = vector.shape_cast %get3A_292 : vector<1x256x256xbf16> to vector<256x256xbf16>
    %dot_general3A_294 = arith.constant dense<0.000000e+00> : vector<200x256xf32>
    %dot_general3A_295 = tpu.matmul %convert_element_type3A, %get3A_293, %dot_general3A_294 {dimension_numbers = #tpu.dot_dimension_numbers<[1], [0], [0], [1], [0, 0, 1, 1], [], []>, transpose_lhs_hint = false} : vector<200x256xbf16>, vector<256x256xbf16>, vector<200x256xf32> -> vector<200x256xf32>
    %slice3A_296 = vector.extract_strided_slice %dot_general3A_295 {offsets = [0, 0], sizes = [200, 128], strides = [1, 1]} : vector<200x256xf32> to vector<200x128xf32>
    %swap3A_297 = arith.constant 0 : index
    %swap3A_298 = arith.constant 12 : index
    %swap3A_299 = arith.constant 0 : index
    %swap3A_300 = arith.constant 0 : index
    %swap3A_301 = vector.load %arg4[%swap3A_297, %swap3A_298, %swap3A_299, %swap3A_300] : memref<2x27x200x128xf32, #tpu.memory_space<vmem>>, vector<1x1x200x128xf32>
    %swap3A_302 = vector.shape_cast %swap3A_301 : vector<1x1x200x128xf32> to vector<200x128xf32>
    %swap3A_303 = vector.shape_cast %slice3A_296 : vector<200x128xf32> to vector<1x1x200x128xf32>
    tpu.vector_store %arg4[%swap3A_297, %swap3A_298, %swap3A_299, %swap3A_300], %swap3A_303 {strides = array<i32>} : memref<2x27x200x128xf32, #tpu.memory_space<vmem>>, vector<1x1x200x128xf32>,
    %slice3A_304 = vector.extract_strided_slice %dot_general3A_295 {offsets = [0, 128], sizes = [200, 128], strides = [1, 1]} : vector<200x256xf32> to vector<200x128xf32>
    %swap3A_305 = arith.constant 1 : index
    %swap3A_306 = arith.constant 12 : index
    %swap3A_307 = arith.constant 0 : index
    %swap3A_308 = arith.constant 0 : index
    %swap3A_309 = vector.load %arg4[%swap3A_305, %swap3A_306, %swap3A_307, %swap3A_308] : memref<2x27x200x128xf32, #tpu.memory_space<vmem>>, vector<1x1x200x128xf32>
    %swap3A_310 = vector.shape_cast %swap3A_309 : vector<1x1x200x128xf32> to vector<200x128xf32>
    %swap3A_311 = vector.shape_cast %slice3A_304 : vector<200x128xf32> to vector<1x1x200x128xf32>
    tpu.vector_store %arg4[%swap3A_305, %swap3A_306, %swap3A_307, %swap3A_308], %swap3A_311 {strides = array<i32>} : memref<2x27x200x128xf32, #tpu.memory_space<vmem>>, vector<1x1x200x128xf32>,
    %get3A_312 = arith.constant 13 : index
    %get3A_313 = arith.constant 0 : index
    %get3A_314 = arith.constant 0 : index
    %get3A_315 = vector.load %arg3[%get3A_312, %get3A_313, %get3A_314] : memref<27x256x256xbf16, #tpu.memory_space<vmem>>, vector<1x256x256xbf16>
    %get3A_316 = vector.shape_cast %get3A_315 : vector<1x256x256xbf16> to vector<256x256xbf16>
    %dot_general3A_317 = arith.constant dense<0.000000e+00> : vector<200x256xf32>
    %dot_general3A_318 = tpu.matmul %convert_element_type3A, %get3A_316, %dot_general3A_317 {dimension_numbers = #tpu.dot_dimension_numbers<[1], [0], [0], [1], [0, 0, 1, 1], [], []>, transpose_lhs_hint = false} : vector<200x256xbf16>, vector<256x256xbf16>, vector<200x256xf32> -> vector<200x256xf32>
    %slice3A_319 = vector.extract_strided_slice %dot_general3A_318 {offsets = [0, 0], sizes = [200, 128], strides = [1, 1]} : vector<200x256xf32> to vector<200x128xf32>
    %swap3A_320 = arith.constant 0 : index
    %swap3A_321 = arith.constant 13 : index
    %swap3A_322 = arith.constant 0 : index
    %swap3A_323 = arith.constant 0 : index
    %swap3A_324 = vector.load %arg4[%swap3A_320, %swap3A_321, %swap3A_322, %swap3A_323] : memref<2x27x200x128xf32, #tpu.memory_space<vmem>>, vector<1x1x200x128xf32>
    %swap3A_325 = vector.shape_cast %swap3A_324 : vector<1x1x200x128xf32> to vector<200x128xf32>
    %swap3A_326 = vector.shape_cast %slice3A_319 : vector<200x128xf32> to vector<1x1x200x128xf32>
    tpu.vector_store %arg4[%swap3A_320, %swap3A_321, %swap3A_322, %swap3A_323], %swap3A_326 {strides = array<i32>} : memref<2x27x200x128xf32, #tpu.memory_space<vmem>>, vector<1x1x200x128xf32>,
    %slice3A_327 = vector.extract_strided_slice %dot_general3A_318 {offsets = [0, 128], sizes = [200, 128], strides = [1, 1]} : vector<200x256xf32> to vector<200x128xf32>
    %swap3A_328 = arith.constant 1 : index
    %swap3A_329 = arith.constant 13 : index
    %swap3A_330 = arith.constant 0 : index
    %swap3A_331 = arith.constant 0 : index
    %swap3A_332 = vector.load %arg4[%swap3A_328, %swap3A_329, %swap3A_330, %swap3A_331] : memref<2x27x200x128xf32, #tpu.memory_space<vmem>>, vector<1x1x200x128xf32>
    %swap3A_333 = vector.shape_cast %swap3A_332 : vector<1x1x200x128xf32> to vector<200x128xf32>
    %swap3A_334 = vector.shape_cast %slice3A_327 : vector<200x128xf32> to vector<1x1x200x128xf32>
    tpu.vector_store %arg4[%swap3A_328, %swap3A_329, %swap3A_330, %swap3A_331], %swap3A_334 {strides = array<i32>} : memref<2x27x200x128xf32, #tpu.memory_space<vmem>>, vector<1x1x200x128xf32>,
    %get3A_335 = arith.constant 14 : index
    %get3A_336 = arith.constant 0 : index
    %get3A_337 = arith.constant 0 : index
    %get3A_338 = vector.load %arg3[%get3A_335, %get3A_336, %get3A_337] : memref<27x256x256xbf16, #tpu.memory_space<vmem>>, vector<1x256x256xbf16>
    %get3A_339 = vector.shape_cast %get3A_338 : vector<1x256x256xbf16> to vector<256x256xbf16>
    %dot_general3A_340 = arith.constant dense<0.000000e+00> : vector<200x256xf32>
    %dot_general3A_341 = tpu.matmul %convert_element_type3A, %get3A_339, %dot_general3A_340 {dimension_numbers = #tpu.dot_dimension_numbers<[1], [0], [0], [1], [0, 0, 1, 1], [], []>, transpose_lhs_hint = false} : vector<200x256xbf16>, vector<256x256xbf16>, vector<200x256xf32> -> vector<200x256xf32>
    %slice3A_342 = vector.extract_strided_slice %dot_general3A_341 {offsets = [0, 0], sizes = [200, 128], strides = [1, 1]} : vector<200x256xf32> to vector<200x128xf32>
    %swap3A_343 = arith.constant 0 : index
    %swap3A_344 = arith.constant 14 : index
    %swap3A_345 = arith.constant 0 : index
    %swap3A_346 = arith.constant 0 : index
    %swap3A_347 = vector.load %arg4[%swap3A_343, %swap3A_344, %swap3A_345, %swap3A_346] : memref<2x27x200x128xf32, #tpu.memory_space<vmem>>, vector<1x1x200x128xf32>
    %swap3A_348 = vector.shape_cast %swap3A_347 : vector<1x1x200x128xf32> to vector<200x128xf32>
    %swap3A_349 = vector.shape_cast %slice3A_342 : vector<200x128xf32> to vector<1x1x200x128xf32>
    tpu.vector_store %arg4[%swap3A_343, %swap3A_344, %swap3A_345, %swap3A_346], %swap3A_349 {strides = array<i32>} : memref<2x27x200x128xf32, #tpu.memory_space<vmem>>, vector<1x1x200x128xf32>,
    %slice3A_350 = vector.extract_strided_slice %dot_general3A_341 {offsets = [0, 128], sizes = [200, 128], strides = [1, 1]} : vector<200x256xf32> to vector<200x128xf32>
    %swap3A_351 = arith.constant 1 : index
    %swap3A_352 = arith.constant 14 : index
    %swap3A_353 = arith.constant 0 : index
    %swap3A_354 = arith.constant 0 : index
    %swap3A_355 = vector.load %arg4[%swap3A_351, %swap3A_352, %swap3A_353, %swap3A_354] : memref<2x27x200x128xf32, #tpu.memory_space<vmem>>, vector<1x1x200x128xf32>
    %swap3A_356 = vector.shape_cast %swap3A_355 : vector<1x1x200x128xf32> to vector<200x128xf32>
    %swap3A_357 = vector.shape_cast %slice3A_350 : vector<200x128xf32> to vector<1x1x200x128xf32>
    tpu.vector_store %arg4[%swap3A_351, %swap3A_352, %swap3A_353, %swap3A_354], %swap3A_357 {strides = array<i32>} : memref<2x27x200x128xf32, #tpu.memory_space<vmem>>, vector<1x1x200x128xf32>,
    %get3A_358 = arith.constant 15 : index
    %get3A_359 = arith.constant 0 : index
    %get3A_360 = arith.constant 0 : index
    %get3A_361 = vector.load %arg3[%get3A_358, %get3A_359, %get3A_360] : memref<27x256x256xbf16, #tpu.memory_space<vmem>>, vector<1x256x256xbf16>
    %get3A_362 = vector.shape_cast %get3A_361 : vector<1x256x256xbf16> to vector<256x256xbf16>
    %dot_general3A_363 = arith.constant dense<0.000000e+00> : vector<200x256xf32>
    %dot_general3A_364 = tpu.matmul %convert_element_type3A, %get3A_362, %dot_general3A_363 {dimension_numbers = #tpu.dot_dimension_numbers<[1], [0], [0], [1], [0, 0, 1, 1], [], []>, transpose_lhs_hint = false} : vector<200x256xbf16>, vector<256x256xbf16>, vector<200x256xf32> -> vector<200x256xf32>
    %slice3A_365 = vector.extract_strided_slice %dot_general3A_364 {offsets = [0, 0], sizes = [200, 128], strides = [1, 1]} : vector<200x256xf32> to vector<200x128xf32>
    %swap3A_366 = arith.constant 0 : index
    %swap3A_367 = arith.constant 15 : index
    %swap3A_368 = arith.constant 0 : index
    %swap3A_369 = arith.constant 0 : index
    %swap3A_370 = vector.load %arg4[%swap3A_366, %swap3A_367, %swap3A_368, %swap3A_369] : memref<2x27x200x128xf32, #tpu.memory_space<vmem>>, vector<1x1x200x128xf32>
    %swap3A_371 = vector.shape_cast %swap3A_370 : vector<1x1x200x128xf32> to vector<200x128xf32>
    %swap3A_372 = vector.shape_cast %slice3A_365 : vector<200x128xf32> to vector<1x1x200x128xf32>
    tpu.vector_store %arg4[%swap3A_366, %swap3A_367, %swap3A_368, %swap3A_369], %swap3A_372 {strides = array<i32>} : memref<2x27x200x128xf32, #tpu.memory_space<vmem>>, vector<1x1x200x128xf32>,
    %slice3A_373 = vector.extract_strided_slice %dot_general3A_364 {offsets = [0, 128], sizes = [200, 128], strides = [1, 1]} : vector<200x256xf32> to vector<200x128xf32>
    %swap3A_374 = arith.constant 1 : index
    %swap3A_375 = arith.constant 15 : index
    %swap3A_376 = arith.constant 0 : index
    %swap3A_377 = arith.constant 0 : index
    %swap3A_378 = vector.load %arg4[%swap3A_374, %swap3A_375, %swap3A_376, %swap3A_377] : memref<2x27x200x128xf32, #tpu.memory_space<vmem>>, vector<1x1x200x128xf32>
    %swap3A_379 = vector.shape_cast %swap3A_378 : vector<1x1x200x128xf32> to vector<200x128xf32>
    %swap3A_380 = vector.shape_cast %slice3A_373 : vector<200x128xf32> to vector<1x1x200x128xf32>
    tpu.vector_store %arg4[%swap3A_374, %swap3A_375, %swap3A_376, %swap3A_377], %swap3A_380 {strides = array<i32>} : memref<2x27x200x128xf32, #tpu.memory_space<vmem>>, vector<1x1x200x128xf32>,
    %get3A_381 = arith.constant 16 : index
    %get3A_382 = arith.constant 0 : index
    %get3A_383 = arith.constant 0 : index
    %get3A_384 = vector.load %arg3[%get3A_381, %get3A_382, %get3A_383] : memref<27x256x256xbf16, #tpu.memory_space<vmem>>, vector<1x256x256xbf16>
    %get3A_385 = vector.shape_cast %get3A_384 : vector<1x256x256xbf16> to vector<256x256xbf16>
    %dot_general3A_386 = arith.constant dense<0.000000e+00> : vector<200x256xf32>
    %dot_general3A_387 = tpu.matmul %convert_element_type3A, %get3A_385, %dot_general3A_386 {dimension_numbers = #tpu.dot_dimension_numbers<[1], [0], [0], [1], [0, 0, 1, 1], [], []>, transpose_lhs_hint = false} : vector<200x256xbf16>, vector<256x256xbf16>, vector<200x256xf32> -> vector<200x256xf32>
    %slice3A_388 = vector.extract_strided_slice %dot_general3A_387 {offsets = [0, 0], sizes = [200, 128], strides = [1, 1]} : vector<200x256xf32> to vector<200x128xf32>
    %swap3A_389 = arith.constant 0 : index
    %swap3A_390 = arith.constant 16 : index
    %swap3A_391 = arith.constant 0 : index
    %swap3A_392 = arith.constant 0 : index
    %swap3A_393 = vector.load %arg4[%swap3A_389, %swap3A_390, %swap3A_391, %swap3A_392] : memref<2x27x200x128xf32, #tpu.memory_space<vmem>>, vector<1x1x200x128xf32>
    %swap3A_394 = vector.shape_cast %swap3A_393 : vector<1x1x200x128xf32> to vector<200x128xf32>
    %swap3A_395 = vector.shape_cast %slice3A_388 : vector<200x128xf32> to vector<1x1x200x128xf32>
    tpu.vector_store %arg4[%swap3A_389, %swap3A_390, %swap3A_391, %swap3A_392], %swap3A_395 {strides = array<i32>} : memref<2x27x200x128xf32, #tpu.memory_space<vmem>>, vector<1x1x200x128xf32>,
    %slice3A_396 = vector.extract_strided_slice %dot_general3A_387 {offsets = [0, 128], sizes = [200, 128], strides = [1, 1]} : vector<200x256xf32> to vector<200x128xf32>
    %swap3A_397 = arith.constant 1 : index
    %swap3A_398 = arith.constant 16 : index
    %swap3A_399 = arith.constant 0 : index
    %swap3A_400 = arith.constant 0 : index
    %swap3A_401 = vector.load %arg4[%swap3A_397, %swap3A_398, %swap3A_399, %swap3A_400] : memref<2x27x200x128xf32, #tpu.memory_space<vmem>>, vector<1x1x200x128xf32>
    %swap3A_402 = vector.shape_cast %swap3A_401 : vector<1x1x200x128xf32> to vector<200x128xf32>
    %swap3A_403 = vector.shape_cast %slice3A_396 : vector<200x128xf32> to vector<1x1x200x128xf32>
    tpu.vector_store %arg4[%swap3A_397, %swap3A_398, %swap3A_399, %swap3A_400], %swap3A_403 {strides = array<i32>} : memref<2x27x200x128xf32, #tpu.memory_space<vmem>>, vector<1x1x200x128xf32>,
    %get3A_404 = arith.constant 17 : index
    %get3A_405 = arith.constant 0 : index
    %get3A_406 = arith.constant 0 : index
    %get3A_407 = vector.load %arg3[%get3A_404, %get3A_405, %get3A_406] : memref<27x256x256xbf16, #tpu.memory_space<vmem>>, vector<1x256x256xbf16>
    %get3A_408 = vector.shape_cast %get3A_407 : vector<1x256x256xbf16> to vector<256x256xbf16>
    %dot_general3A_409 = arith.constant dense<0.000000e+00> : vector<200x256xf32>
    %dot_general3A_410 = tpu.matmul %convert_element_type3A, %get3A_408, %dot_general3A_409 {dimension_numbers = #tpu.dot_dimension_numbers<[1], [0], [0], [1], [0, 0, 1, 1], [], []>, transpose_lhs_hint = false} : vector<200x256xbf16>, vector<256x256xbf16>, vector<200x256xf32> -> vector<200x256xf32>
    %slice3A_411 = vector.extract_strided_slice %dot_general3A_410 {offsets = [0, 0], sizes = [200, 128], strides = [1, 1]} : vector<200x256xf32> to vector<200x128xf32>
    %swap3A_412 = arith.constant 0 : index
    %swap3A_413 = arith.constant 17 : index
    %swap3A_414 = arith.constant 0 : index
    %swap3A_415 = arith.constant 0 : index
    %swap3A_416 = vector.load %arg4[%swap3A_412, %swap3A_413, %swap3A_414, %swap3A_415] : memref<2x27x200x128xf32, #tpu.memory_space<vmem>>, vector<1x1x200x128xf32>
    %swap3A_417 = vector.shape_cast %swap3A_416 : vector<1x1x200x128xf32> to vector<200x128xf32>
    %swap3A_418 = vector.shape_cast %slice3A_411 : vector<200x128xf32> to vector<1x1x200x128xf32>
    tpu.vector_store %arg4[%swap3A_412, %swap3A_413, %swap3A_414, %swap3A_415], %swap3A_418 {strides = array<i32>} : memref<2x27x200x128xf32, #tpu.memory_space<vmem>>, vector<1x1x200x128xf32>,
    %slice3A_419 = vector.extract_strided_slice %dot_general3A_410 {offsets = [0, 128], sizes = [200, 128], strides = [1, 1]} : vector<200x256xf32> to vector<200x128xf32>
    %swap3A_420 = arith.constant 1 : index
    %swap3A_421 = arith.constant 17 : index
    %swap3A_422 = arith.constant 0 : index
    %swap3A_423 = arith.constant 0 : index
    %swap3A_424 = vector.load %arg4[%swap3A_420, %swap3A_421, %swap3A_422, %swap3A_423] : memref<2x27x200x128xf32, #tpu.memory_space<vmem>>, vector<1x1x200x128xf32>
    %swap3A_425 = vector.shape_cast %swap3A_424 : vector<1x1x200x128xf32> to vector<200x128xf32>
    %swap3A_426 = vector.shape_cast %slice3A_419 : vector<200x128xf32> to vector<1x1x200x128xf32>
    tpu.vector_store %arg4[%swap3A_420, %swap3A_421, %swap3A_422, %swap3A_423], %swap3A_426 {strides = array<i32>} : memref<2x27x200x128xf32, #tpu.memory_space<vmem>>, vector<1x1x200x128xf32>,
    %get3A_427 = arith.constant 18 : index
    %get3A_428 = arith.constant 0 : index
    %get3A_429 = arith.constant 0 : index
    %get3A_430 = vector.load %arg3[%get3A_427, %get3A_428, %get3A_429] : memref<27x256x256xbf16, #tpu.memory_space<vmem>>, vector<1x256x256xbf16>
    %get3A_431 = vector.shape_cast %get3A_430 : vector<1x256x256xbf16> to vector<256x256xbf16>
    %dot_general3A_432 = arith.constant dense<0.000000e+00> : vector<200x256xf32>
    %dot_general3A_433 = tpu.matmul %convert_element_type3A, %get3A_431, %dot_general3A_432 {dimension_numbers = #tpu.dot_dimension_numbers<[1], [0], [0], [1], [0, 0, 1, 1], [], []>, transpose_lhs_hint = false} : vector<200x256xbf16>, vector<256x256xbf16>, vector<200x256xf32> -> vector<200x256xf32>
    %slice3A_434 = vector.extract_strided_slice %dot_general3A_433 {offsets = [0, 0], sizes = [200, 128], strides = [1, 1]} : vector<200x256xf32> to vector<200x128xf32>
    %swap3A_435 = arith.constant 0 : index
    %swap3A_436 = arith.constant 18 : index
    %swap3A_437 = arith.constant 0 : index
    %swap3A_438 = arith.constant 0 : index
    %swap3A_439 = vector.load %arg4[%swap3A_435, %swap3A_436, %swap3A_437, %swap3A_438] : memref<2x27x200x128xf32, #tpu.memory_space<vmem>>, vector<1x1x200x128xf32>
    %swap3A_440 = vector.shape_cast %swap3A_439 : vector<1x1x200x128xf32> to vector<200x128xf32>
    %swap3A_441 = vector.shape_cast %slice3A_434 : vector<200x128xf32> to vector<1x1x200x128xf32>
    tpu.vector_store %arg4[%swap3A_435, %swap3A_436, %swap3A_437, %swap3A_438], %swap3A_441 {strides = array<i32>} : memref<2x27x200x128xf32, #tpu.memory_space<vmem>>, vector<1x1x200x128xf32>,
    %slice3A_442 = vector.extract_strided_slice %dot_general3A_433 {offsets = [0, 128], sizes = [200, 128], strides = [1, 1]} : vector<200x256xf32> to vector<200x128xf32>
    %swap3A_443 = arith.constant 1 : index
    %swap3A_444 = arith.constant 18 : index
    %swap3A_445 = arith.constant 0 : index
    %swap3A_446 = arith.constant 0 : index
    %swap3A_447 = vector.load %arg4[%swap3A_443, %swap3A_444, %swap3A_445, %swap3A_446] : memref<2x27x200x128xf32, #tpu.memory_space<vmem>>, vector<1x1x200x128xf32>
    %swap3A_448 = vector.shape_cast %swap3A_447 : vector<1x1x200x128xf32> to vector<200x128xf32>
    %swap3A_449 = vector.shape_cast %slice3A_442 : vector<200x128xf32> to vector<1x1x200x128xf32>
    tpu.vector_store %arg4[%swap3A_443, %swap3A_444, %swap3A_445, %swap3A_446], %swap3A_449 {strides = array<i32>} : memref<2x27x200x128xf32, #tpu.memory_space<vmem>>, vector<1x1x200x128xf32>,
    %get3A_450 = arith.constant 19 : index
    %get3A_451 = arith.constant 0 : index
    %get3A_452 = arith.constant 0 : index
    %get3A_453 = vector.load %arg3[%get3A_450, %get3A_451, %get3A_452] : memref<27x256x256xbf16, #tpu.memory_space<vmem>>, vector<1x256x256xbf16>
    %get3A_454 = vector.shape_cast %get3A_453 : vector<1x256x256xbf16> to vector<256x256xbf16>
    %dot_general3A_455 = arith.constant dense<0.000000e+00> : vector<200x256xf32>
    %dot_general3A_456 = tpu.matmul %convert_element_type3A, %get3A_454, %dot_general3A_455 {dimension_numbers = #tpu.dot_dimension_numbers<[1], [0], [0], [1], [0, 0, 1, 1], [], []>, transpose_lhs_hint = false} : vector<200x256xbf16>, vector<256x256xbf16>, vector<200x256xf32> -> vector<200x256xf32>
    %slice3A_457 = vector.extract_strided_slice %dot_general3A_456 {offsets = [0, 0], sizes = [200, 128], strides = [1, 1]} : vector<200x256xf32> to vector<200x128xf32>
    %swap3A_458 = arith.constant 0 : index
    %swap3A_459 = arith.constant 19 : index
    %swap3A_460 = arith.constant 0 : index
    %swap3A_461 = arith.constant 0 : index
    %swap3A_462 = vector.load %arg4[%swap3A_458, %swap3A_459, %swap3A_460, %swap3A_461] : memref<2x27x200x128xf32, #tpu.memory_space<vmem>>, vector<1x1x200x128xf32>
    %swap3A_463 = vector.shape_cast %swap3A_462 : vector<1x1x200x128xf32> to vector<200x128xf32>
    %swap3A_464 = vector.shape_cast %slice3A_457 : vector<200x128xf32> to vector<1x1x200x128xf32>
    tpu.vector_store %arg4[%swap3A_458, %swap3A_459, %swap3A_460, %swap3A_461], %swap3A_464 {strides = array<i32>} : memref<2x27x200x128xf32, #tpu.memory_space<vmem>>, vector<1x1x200x128xf32>,
    %slice3A_465 = vector.extract_strided_slice %dot_general3A_456 {offsets = [0, 128], sizes = [200, 128], strides = [1, 1]} : vector<200x256xf32> to vector<200x128xf32>
    %swap3A_466 = arith.constant 1 : index
    %swap3A_467 = arith.constant 19 : index
    %swap3A_468 = arith.constant 0 : index
    %swap3A_469 = arith.constant 0 : index
    %swap3A_470 = vector.load %arg4[%swap3A_466, %swap3A_467, %swap3A_468, %swap3A_469] : memref<2x27x200x128xf32, #tpu.memory_space<vmem>>, vector<1x1x200x128xf32>
    %swap3A_471 = vector.shape_cast %swap3A_470 : vector<1x1x200x128xf32> to vector<200x128xf32>
    %swap3A_472 = vector.shape_cast %slice3A_465 : vector<200x128xf32> to vector<1x1x200x128xf32>
    tpu.vector_store %arg4[%swap3A_466, %swap3A_467, %swap3A_468, %swap3A_469], %swap3A_472 {strides = array<i32>} : memref<2x27x200x128xf32, #tpu.memory_space<vmem>>, vector<1x1x200x128xf32>,
    %get3A_473 = arith.constant 20 : index
    %get3A_474 = arith.constant 0 : index
    %get3A_475 = arith.constant 0 : index
    %get3A_476 = vector.load %arg3[%get3A_473, %get3A_474, %get3A_475] : memref<27x256x256xbf16, #tpu.memory_space<vmem>>, vector<1x256x256xbf16>
    %get3A_477 = vector.shape_cast %get3A_476 : vector<1x256x256xbf16> to vector<256x256xbf16>
    %dot_general3A_478 = arith.constant dense<0.000000e+00> : vector<200x256xf32>
    %dot_general3A_479 = tpu.matmul %convert_element_type3A, %get3A_477, %dot_general3A_478 {dimension_numbers = #tpu.dot_dimension_numbers<[1], [0], [0], [1], [0, 0, 1, 1], [], []>, transpose_lhs_hint = false} : vector<200x256xbf16>, vector<256x256xbf16>, vector<200x256xf32> -> vector<200x256xf32>
    %slice3A_480 = vector.extract_strided_slice %dot_general3A_479 {offsets = [0, 0], sizes = [200, 128], strides = [1, 1]} : vector<200x256xf32> to vector<200x128xf32>
    %swap3A_481 = arith.constant 0 : index
    %swap3A_482 = arith.constant 20 : index
    %swap3A_483 = arith.constant 0 : index
    %swap3A_484 = arith.constant 0 : index
    %swap3A_485 = vector.load %arg4[%swap3A_481, %swap3A_482, %swap3A_483, %swap3A_484] : memref<2x27x200x128xf32, #tpu.memory_space<vmem>>, vector<1x1x200x128xf32>
    %swap3A_486 = vector.shape_cast %swap3A_485 : vector<1x1x200x128xf32> to vector<200x128xf32>
    %swap3A_487 = vector.shape_cast %slice3A_480 : vector<200x128xf32> to vector<1x1x200x128xf32>
    tpu.vector_store %arg4[%swap3A_481, %swap3A_482, %swap3A_483, %swap3A_484], %swap3A_487 {strides = array<i32>} : memref<2x27x200x128xf32, #tpu.memory_space<vmem>>, vector<1x1x200x128xf32>,
    %slice3A_488 = vector.extract_strided_slice %dot_general3A_479 {offsets = [0, 128], sizes = [200, 128], strides = [1, 1]} : vector<200x256xf32> to vector<200x128xf32>
    %swap3A_489 = arith.constant 1 : index
    %swap3A_490 = arith.constant 20 : index
    %swap3A_491 = arith.constant 0 : index
    %swap3A_492 = arith.constant 0 : index
    %swap3A_493 = vector.load %arg4[%swap3A_489, %swap3A_490, %swap3A_491, %swap3A_492] : memref<2x27x200x128xf32, #tpu.memory_space<vmem>>, vector<1x1x200x128xf32>
    %swap3A_494 = vector.shape_cast %swap3A_493 : vector<1x1x200x128xf32> to vector<200x128xf32>
    %swap3A_495 = vector.shape_cast %slice3A_488 : vector<200x128xf32> to vector<1x1x200x128xf32>
    tpu.vector_store %arg4[%swap3A_489, %swap3A_490, %swap3A_491, %swap3A_492], %swap3A_495 {strides = array<i32>} : memref<2x27x200x128xf32, #tpu.memory_space<vmem>>, vector<1x1x200x128xf32>,
    %get3A_496 = arith.constant 21 : index
    %get3A_497 = arith.constant 0 : index
    %get3A_498 = arith.constant 0 : index
    %get3A_499 = vector.load %arg3[%get3A_496, %get3A_497, %get3A_498] : memref<27x256x256xbf16, #tpu.memory_space<vmem>>, vector<1x256x256xbf16>
    %get3A_500 = vector.shape_cast %get3A_499 : vector<1x256x256xbf16> to vector<256x256xbf16>
    %dot_general3A_501 = arith.constant dense<0.000000e+00> : vector<200x256xf32>
    %dot_general3A_502 = tpu.matmul %convert_element_type3A, %get3A_500, %dot_general3A_501 {dimension_numbers = #tpu.dot_dimension_numbers<[1], [0], [0], [1], [0, 0, 1, 1], [], []>, transpose_lhs_hint = false} : vector<200x256xbf16>, vector<256x256xbf16>, vector<200x256xf32> -> vector<200x256xf32>
    %slice3A_503 = vector.extract_strided_slice %dot_general3A_502 {offsets = [0, 0], sizes = [200, 128], strides = [1, 1]} : vector<200x256xf32> to vector<200x128xf32>
    %swap3A_504 = arith.constant 0 : index
    %swap3A_505 = arith.constant 21 : index
    %swap3A_506 = arith.constant 0 : index
    %swap3A_507 = arith.constant 0 : index
    %swap3A_508 = vector.load %arg4[%swap3A_504, %swap3A_505, %swap3A_506, %swap3A_507] : memref<2x27x200x128xf32, #tpu.memory_space<vmem>>, vector<1x1x200x128xf32>
    %swap3A_509 = vector.shape_cast %swap3A_508 : vector<1x1x200x128xf32> to vector<200x128xf32>
    %swap3A_510 = vector.shape_cast %slice3A_503 : vector<200x128xf32> to vector<1x1x200x128xf32>
    tpu.vector_store %arg4[%swap3A_504, %swap3A_505, %swap3A_506, %swap3A_507], %swap3A_510 {strides = array<i32>} : memref<2x27x200x128xf32, #tpu.memory_space<vmem>>, vector<1x1x200x128xf32>,
    %slice3A_511 = vector.extract_strided_slice %dot_general3A_502 {offsets = [0, 128], sizes = [200, 128], strides = [1, 1]} : vector<200x256xf32> to vector<200x128xf32>
    %swap3A_512 = arith.constant 1 : index
    %swap3A_513 = arith.constant 21 : index
    %swap3A_514 = arith.constant 0 : index
    %swap3A_515 = arith.constant 0 : index
    %swap3A_516 = vector.load %arg4[%swap3A_512, %swap3A_513, %swap3A_514, %swap3A_515] : memref<2x27x200x128xf32, #tpu.memory_space<vmem>>, vector<1x1x200x128xf32>
    %swap3A_517 = vector.shape_cast %swap3A_516 : vector<1x1x200x128xf32> to vector<200x128xf32>
    %swap3A_518 = vector.shape_cast %slice3A_511 : vector<200x128xf32> to vector<1x1x200x128xf32>
    tpu.vector_store %arg4[%swap3A_512, %swap3A_513, %swap3A_514, %swap3A_515], %swap3A_518 {strides = array<i32>} : memref<2x27x200x128xf32, #tpu.memory_space<vmem>>, vector<1x1x200x128xf32>,
    %get3A_519 = arith.constant 22 : index
    %get3A_520 = arith.constant 0 : index
    %get3A_521 = arith.constant 0 : index
    %get3A_522 = vector.load %arg3[%get3A_519, %get3A_520, %get3A_521] : memref<27x256x256xbf16, #tpu.memory_space<vmem>>, vector<1x256x256xbf16>
    %get3A_523 = vector.shape_cast %get3A_522 : vector<1x256x256xbf16> to vector<256x256xbf16>
    %dot_general3A_524 = arith.constant dense<0.000000e+00> : vector<200x256xf32>
    %dot_general3A_525 = tpu.matmul %convert_element_type3A, %get3A_523, %dot_general3A_524 {dimension_numbers = #tpu.dot_dimension_numbers<[1], [0], [0], [1], [0, 0, 1, 1], [], []>, transpose_lhs_hint = false} : vector<200x256xbf16>, vector<256x256xbf16>, vector<200x256xf32> -> vector<200x256xf32>
    %slice3A_526 = vector.extract_strided_slice %dot_general3A_525 {offsets = [0, 0], sizes = [200, 128], strides = [1, 1]} : vector<200x256xf32> to vector<200x128xf32>
    %swap3A_527 = arith.constant 0 : index
    %swap3A_528 = arith.constant 22 : index
    %swap3A_529 = arith.constant 0 : index
    %swap3A_530 = arith.constant 0 : index
    %swap3A_531 = vector.load %arg4[%swap3A_527, %swap3A_528, %swap3A_529, %swap3A_530] : memref<2x27x200x128xf32, #tpu.memory_space<vmem>>, vector<1x1x200x128xf32>
    %swap3A_532 = vector.shape_cast %swap3A_531 : vector<1x1x200x128xf32> to vector<200x128xf32>
    %swap3A_533 = vector.shape_cast %slice3A_526 : vector<200x128xf32> to vector<1x1x200x128xf32>
    tpu.vector_store %arg4[%swap3A_527, %swap3A_528, %swap3A_529, %swap3A_530], %swap3A_533 {strides = array<i32>} : memref<2x27x200x128xf32, #tpu.memory_space<vmem>>, vector<1x1x200x128xf32>,
    %slice3A_534 = vector.extract_strided_slice %dot_general3A_525 {offsets = [0, 128], sizes = [200, 128], strides = [1, 1]} : vector<200x256xf32> to vector<200x128xf32>
    %swap3A_535 = arith.constant 1 : index
    %swap3A_536 = arith.constant 22 : index
    %swap3A_537 = arith.constant 0 : index
    %swap3A_538 = arith.constant 0 : index
    %swap3A_539 = vector.load %arg4[%swap3A_535, %swap3A_536, %swap3A_537, %swap3A_538] : memref<2x27x200x128xf32, #tpu.memory_space<vmem>>, vector<1x1x200x128xf32>
    %swap3A_540 = vector.shape_cast %swap3A_539 : vector<1x1x200x128xf32> to vector<200x128xf32>
    %swap3A_541 = vector.shape_cast %slice3A_534 : vector<200x128xf32> to vector<1x1x200x128xf32>
    tpu.vector_store %arg4[%swap3A_535, %swap3A_536, %swap3A_537, %swap3A_538], %swap3A_541 {strides = array<i32>} : memref<2x27x200x128xf32, #tpu.memory_space<vmem>>, vector<1x1x200x128xf32>,
    %get3A_542 = arith.constant 23 : index
    %get3A_543 = arith.constant 0 : index
    %get3A_544 = arith.constant 0 : index
    %get3A_545 = vector.load %arg3[%get3A_542, %get3A_543, %get3A_544] : memref<27x256x256xbf16, #tpu.memory_space<vmem>>, vector<1x256x256xbf16>
    %get3A_546 = vector.shape_cast %get3A_545 : vector<1x256x256xbf16> to vector<256x256xbf16>
    %dot_general3A_547 = arith.constant dense<0.000000e+00> : vector<200x256xf32>
    %dot_general3A_548 = tpu.matmul %convert_element_type3A, %get3A_546, %dot_general3A_547 {dimension_numbers = #tpu.dot_dimension_numbers<[1], [0], [0], [1], [0, 0, 1, 1], [], []>, transpose_lhs_hint = false} : vector<200x256xbf16>, vector<256x256xbf16>, vector<200x256xf32> -> vector<200x256xf32>
    %slice3A_549 = vector.extract_strided_slice %dot_general3A_548 {offsets = [0, 0], sizes = [200, 128], strides = [1, 1]} : vector<200x256xf32> to vector<200x128xf32>
    %swap3A_550 = arith.constant 0 : index
    %swap3A_551 = arith.constant 23 : index
    %swap3A_552 = arith.constant 0 : index
    %swap3A_553 = arith.constant 0 : index
    %swap3A_554 = vector.load %arg4[%swap3A_550, %swap3A_551, %swap3A_552, %swap3A_553] : memref<2x27x200x128xf32, #tpu.memory_space<vmem>>, vector<1x1x200x128xf32>
    %swap3A_555 = vector.shape_cast %swap3A_554 : vector<1x1x200x128xf32> to vector<200x128xf32>
    %swap3A_556 = vector.shape_cast %slice3A_549 : vector<200x128xf32> to vector<1x1x200x128xf32>
    tpu.vector_store %arg4[%swap3A_550, %swap3A_551, %swap3A_552, %swap3A_553], %swap3A_556 {strides = array<i32>} : memref<2x27x200x128xf32, #tpu.memory_space<vmem>>, vector<1x1x200x128xf32>,
    %slice3A_557 = vector.extract_strided_slice %dot_general3A_548 {offsets = [0, 128], sizes = [200, 128], strides = [1, 1]} : vector<200x256xf32> to vector<200x128xf32>
    %swap3A_558 = arith.constant 1 : index
    %swap3A_559 = arith.constant 23 : index
    %swap3A_560 = arith.constant 0 : index
    %swap3A_561 = arith.constant 0 : index
    %swap3A_562 = vector.load %arg4[%swap3A_558, %swap3A_559, %swap3A_560, %swap3A_561] : memref<2x27x200x128xf32, #tpu.memory_space<vmem>>, vector<1x1x200x128xf32>
    %swap3A_563 = vector.shape_cast %swap3A_562 : vector<1x1x200x128xf32> to vector<200x128xf32>
    %swap3A_564 = vector.shape_cast %slice3A_557 : vector<200x128xf32> to vector<1x1x200x128xf32>
    tpu.vector_store %arg4[%swap3A_558, %swap3A_559, %swap3A_560, %swap3A_561], %swap3A_564 {strides = array<i32>} : memref<2x27x200x128xf32, #tpu.memory_space<vmem>>, vector<1x1x200x128xf32>,
    %get3A_565 = arith.constant 24 : index
    %get3A_566 = arith.constant 0 : index
    %get3A_567 = arith.constant 0 : index
    %get3A_568 = vector.load %arg3[%get3A_565, %get3A_566, %get3A_567] : memref<27x256x256xbf16, #tpu.memory_space<vmem>>, vector<1x256x256xbf16>
    %get3A_569 = vector.shape_cast %get3A_568 : vector<1x256x256xbf16> to vector<256x256xbf16>
    %dot_general3A_570 = arith.constant dense<0.000000e+00> : vector<200x256xf32>
    %dot_general3A_571 = tpu.matmul %convert_element_type3A, %get3A_569, %dot_general3A_570 {dimension_numbers = #tpu.dot_dimension_numbers<[1], [0], [0], [1], [0, 0, 1, 1], [], []>, transpose_lhs_hint = false} : vector<200x256xbf16>, vector<256x256xbf16>, vector<200x256xf32> -> vector<200x256xf32>
    %slice3A_572 = vector.extract_strided_slice %dot_general3A_571 {offsets = [0, 0], sizes = [200, 128], strides = [1, 1]} : vector<200x256xf32> to vector<200x128xf32>
    %swap3A_573 = arith.constant 0 : index
    %swap3A_574 = arith.constant 24 : index
    %swap3A_575 = arith.constant 0 : index
    %swap3A_576 = arith.constant 0 : index
    %swap3A_577 = vector.load %arg4[%swap3A_573, %swap3A_574, %swap3A_575, %swap3A_576] : memref<2x27x200x128xf32, #tpu.memory_space<vmem>>, vector<1x1x200x128xf32>
    %swap3A_578 = vector.shape_cast %swap3A_577 : vector<1x1x200x128xf32> to vector<200x128xf32>
    %swap3A_579 = vector.shape_cast %slice3A_572 : vector<200x128xf32> to vector<1x1x200x128xf32>
    tpu.vector_store %arg4[%swap3A_573, %swap3A_574, %swap3A_575, %swap3A_576], %swap3A_579 {strides = array<i32>} : memref<2x27x200x128xf32, #tpu.memory_space<vmem>>, vector<1x1x200x128xf32>,
    %slice3A_580 = vector.extract_strided_slice %dot_general3A_571 {offsets = [0, 128], sizes = [200, 128], strides = [1, 1]} : vector<200x256xf32> to vector<200x128xf32>
    %swap3A_581 = arith.constant 1 : index
    %swap3A_582 = arith.constant 24 : index
    %swap3A_583 = arith.constant 0 : index
    %swap3A_584 = arith.constant 0 : index
    %swap3A_585 = vector.load %arg4[%swap3A_581, %swap3A_582, %swap3A_583, %swap3A_584] : memref<2x27x200x128xf32, #tpu.memory_space<vmem>>, vector<1x1x200x128xf32>
    %swap3A_586 = vector.shape_cast %swap3A_585 : vector<1x1x200x128xf32> to vector<200x128xf32>
    %swap3A_587 = vector.shape_cast %slice3A_580 : vector<200x128xf32> to vector<1x1x200x128xf32>
    tpu.vector_store %arg4[%swap3A_581, %swap3A_582, %swap3A_583, %swap3A_584], %swap3A_587 {strides = array<i32>} : memref<2x27x200x128xf32, #tpu.memory_space<vmem>>, vector<1x1x200x128xf32>,
    %get3A_588 = arith.constant 25 : index
    %get3A_589 = arith.constant 0 : index
    %get3A_590 = arith.constant 0 : index
    %get3A_591 = vector.load %arg3[%get3A_588, %get3A_589, %get3A_590] : memref<27x256x256xbf16, #tpu.memory_space<vmem>>, vector<1x256x256xbf16>
    %get3A_592 = vector.shape_cast %get3A_591 : vector<1x256x256xbf16> to vector<256x256xbf16>
    %dot_general3A_593 = arith.constant dense<0.000000e+00> : vector<200x256xf32>
    %dot_general3A_594 = tpu.matmul %convert_element_type3A, %get3A_592, %dot_general3A_593 {dimension_numbers = #tpu.dot_dimension_numbers<[1], [0], [0], [1], [0, 0, 1, 1], [], []>, transpose_lhs_hint = false} : vector<200x256xbf16>, vector<256x256xbf16>, vector<200x256xf32> -> vector<200x256xf32>
    %slice3A_595 = vector.extract_strided_slice %dot_general3A_594 {offsets = [0, 0], sizes = [200, 128], strides = [1, 1]} : vector<200x256xf32> to vector<200x128xf32>
    %swap3A_596 = arith.constant 0 : index
    %swap3A_597 = arith.constant 25 : index
    %swap3A_598 = arith.constant 0 : index
    %swap3A_599 = arith.constant 0 : index
    %swap3A_600 = vector.load %arg4[%swap3A_596, %swap3A_597, %swap3A_598, %swap3A_599] : memref<2x27x200x128xf32, #tpu.memory_space<vmem>>, vector<1x1x200x128xf32>
    %swap3A_601 = vector.shape_cast %swap3A_600 : vector<1x1x200x128xf32> to vector<200x128xf32>
    %swap3A_602 = vector.shape_cast %slice3A_595 : vector<200x128xf32> to vector<1x1x200x128xf32>
    tpu.vector_store %arg4[%swap3A_596, %swap3A_597, %swap3A_598, %swap3A_599], %swap3A_602 {strides = array<i32>} : memref<2x27x200x128xf32, #tpu.memory_space<vmem>>, vector<1x1x200x128xf32>,
    %slice3A_603 = vector.extract_strided_slice %dot_general3A_594 {offsets = [0, 128], sizes = [200, 128], strides = [1, 1]} : vector<200x256xf32> to vector<200x128xf32>
    %swap3A_604 = arith.constant 1 : index
    %swap3A_605 = arith.constant 25 : index
    %swap3A_606 = arith.constant 0 : index
    %swap3A_607 = arith.constant 0 : index
    %swap3A_608 = vector.load %arg4[%swap3A_604, %swap3A_605, %swap3A_606, %swap3A_607] : memref<2x27x200x128xf32, #tpu.memory_space<vmem>>, vector<1x1x200x128xf32>
    %swap3A_609 = vector.shape_cast %swap3A_608 : vector<1x1x200x128xf32> to vector<200x128xf32>
    %swap3A_610 = vector.shape_cast %slice3A_603 : vector<200x128xf32> to vector<1x1x200x128xf32>
    tpu.vector_store %arg4[%swap3A_604, %swap3A_605, %swap3A_606, %swap3A_607], %swap3A_610 {strides = array<i32>} : memref<2x27x200x128xf32, #tpu.memory_space<vmem>>, vector<1x1x200x128xf32>,
    %get3A_611 = arith.constant 26 : index
    %get3A_612 = arith.constant 0 : index
    %get3A_613 = arith.constant 0 : index
    %get3A_614 = vector.load %arg3[%get3A_611, %get3A_612, %get3A_613] : memref<27x256x256xbf16, #tpu.memory_space<vmem>>, vector<1x256x256xbf16>
    %get3A_615 = vector.shape_cast %get3A_614 : vector<1x256x256xbf16> to vector<256x256xbf16>
    %dot_general3A_616 = arith.constant dense<0.000000e+00> : vector<200x256xf32>
    %dot_general3A_617 = tpu.matmul %convert_element_type3A, %get3A_615, %dot_general3A_616 {dimension_numbers = #tpu.dot_dimension_numbers<[1], [0], [0], [1], [0, 0, 1, 1], [], []>, transpose_lhs_hint = false} : vector<200x256xbf16>, vector<256x256xbf16>, vector<200x256xf32> -> vector<200x256xf32>
    %slice3A_618 = vector.extract_strided_slice %dot_general3A_617 {offsets = [0, 0], sizes = [200, 128], strides = [1, 1]} : vector<200x256xf32> to vector<200x128xf32>
    %swap3A_619 = arith.constant 0 : index
    %swap3A_620 = arith.constant 26 : index
    %swap3A_621 = arith.constant 0 : index
    %swap3A_622 = arith.constant 0 : index
    %swap3A_623 = vector.load %arg4[%swap3A_619, %swap3A_620, %swap3A_621, %swap3A_622] : memref<2x27x200x128xf32, #tpu.memory_space<vmem>>, vector<1x1x200x128xf32>
    %swap3A_624 = vector.shape_cast %swap3A_623 : vector<1x1x200x128xf32> to vector<200x128xf32>
    %swap3A_625 = vector.shape_cast %slice3A_618 : vector<200x128xf32> to vector<1x1x200x128xf32>
    tpu.vector_store %arg4[%swap3A_619, %swap3A_620, %swap3A_621, %swap3A_622], %swap3A_625 {strides = array<i32>} : memref<2x27x200x128xf32, #tpu.memory_space<vmem>>, vector<1x1x200x128xf32>,
    %slice3A_626 = vector.extract_strided_slice %dot_general3A_617 {offsets = [0, 128], sizes = [200, 128], strides = [1, 1]} : vector<200x256xf32> to vector<200x128xf32>
    %swap3A_627 = arith.constant 1 : index
    %swap3A_628 = arith.constant 26 : index
    %swap3A_629 = arith.constant 0 : index
    %swap3A_630 = arith.constant 0 : index
    %swap3A_631 = vector.load %arg4[%swap3A_627, %swap3A_628, %swap3A_629, %swap3A_630] : memref<2x27x200x128xf32, #tpu.memory_space<vmem>>, vector<1x1x200x128xf32>
    %swap3A_632 = vector.shape_cast %swap3A_631 : vector<1x1x200x128xf32> to vector<200x128xf32>
    %swap3A_633 = vector.shape_cast %slice3A_626 : vector<200x128xf32> to vector<1x1x200x128xf32>
    tpu.vector_store %arg4[%swap3A_627, %swap3A_628, %swap3A_629, %swap3A_630], %swap3A_633 {strides = array<i32>} : memref<2x27x200x128xf32, #tpu.memory_space<vmem>>, vector<1x1x200x128xf32>,
    return
  }
  func.func @transform_0(%arg0: i32) -> (i32, i32) {
    %c0_i32 = arith.constant 0 : i32
    %c0_i32_0 = arith.constant 0 : i32
    return %arg0, %c0_i32 : i32, i32
  }
  func.func @transform_1(%arg0: i32) -> (i32, i32) {
    %c0_i32 = arith.constant 0 : i32
    %c0_i32_0 = arith.constant 0 : i32
    %c0_i32_1 = arith.constant 0 : i32
    return %c0_i32, %c0_i32_0 : i32, i32
  }
  func.func @transform_2(%arg0: i32) -> (i32, i32, i32) {
    %c0_i32 = arith.constant 0 : i32
    %c0_i32_0 = arith.constant 0 : i32
    %c0_i32_1 = arith.constant 0 : i32
    %c0_i32_2 = arith.constant 0 : i32
    return %c0_i32, %c0_i32_0, %c0_i32_1 : i32, i32, i32
  }
  func.func @transform_3(%arg0: i32) -> (i32, i32, i32, i32) {
    %c0_i32 = arith.constant 0 : i32
    %c0_i32_0 = arith.constant 0 : i32
    %c0_i32_1 = arith.constant 0 : i32
    %c0_i32_2 = arith.constant 0 : i32
    return %c0_i32, %c0_i32_0, %arg0, %c0_i32_1 : i32, i32, i32, i32
  }
}

module attributes {stable_mosaic.version = 14 : i64} {
  func.func @_epi1_body(%arg0: i32, %arg1: memref<200x128xf32, #tpu.memory_space<vmem>>, %arg2: memref<200x128xf32, #tpu.memory_space<vmem>>, %arg3: memref<1x256xf32, #tpu.memory_space<vmem>>, %arg4: memref<8x512xf32, #tpu.memory_space<vmem>>, %arg5: memref<512x256xf32, #tpu.memory_space<vmem>>, %arg6: memref<1x256xf32, #tpu.memory_space<vmem>>, %arg7: memref<1x1x200xi32, #tpu.memory_space<vmem>>, %arg8: memref<200x256xf32, #tpu.memory_space<vmem>>, %arg9: memref<2x256xf32, #tpu.memory_space<vmem>>, %arg10: memref<2x256xf32, #tpu.memory_space<vmem>>, %arg11: memref<8x256xf32, #tpu.memory_space<vmem>>) attributes {dimension_semantics = [#tpu.dimension_semantics<arbitrary>], iteration_bounds = array<i64: 50>, scalar_prefetch = 0 : i64, scratch_operands = 2 : i64, tpu.core_type = #tpu.core_type<tc>, window_params = [{transform_indices = @transform_0, window_bounds = array<i64: 200, 128>}, {transform_indices = @transform_1, window_bounds = array<i64: 200, 128>}, {pipeline_mode = #tpu.pipeline_mode<synchronous>, transform_indices = @transform_2, window_bounds = array<i64: 1, 256>}, {pipeline_mode = #tpu.pipeline_mode<synchronous>, transform_indices = @transform_3, window_bounds = array<i64: 8, 512>}, {pipeline_mode = #tpu.pipeline_mode<synchronous>, transform_indices = @transform_4, window_bounds = array<i64: 512, 256>}, {pipeline_mode = #tpu.pipeline_mode<synchronous>, transform_indices = @transform_5, window_bounds = array<i64: 1, 256>}, {transform_indices = @transform_6, window_bounds = array<i64: 1, 1, 200>}, {transform_indices = @transform_7, window_bounds = array<i64: 200, 256>}, {pipeline_mode = #tpu.pipeline_mode<synchronous>, transform_indices = @transform_8, window_bounds = array<i64: 2, 256>}]} {
    %eq3A = arith.constant 0 : i32
    %eq3A_0 = arith.cmpi eq, %arg0, %eq3A : i32
    %convert_element_type3A = arith.extui %eq3A_0 : i1 to i32
    %cond3A = arith.constant 0 : i32
    %cond3A_1 = arith.cmpi ne, %convert_element_type3A, %cond3A : i32
    scf.if %cond3A_1 {
      %get3A_51 = arith.constant 0 : index
      %get3A_52 = arith.constant 0 : index
      %get3A_53 = vector.load %arg4[%get3A_51, %get3A_52] : memref<8x512xf32, #tpu.memory_space<vmem>>, vector<8x512xf32>
      %logistic3A = arith.negf %get3A_53 : vector<8x512xf32>
      %logistic3A_54 = math.exp %logistic3A : vector<8x512xf32>
      %logistic3A_55 = arith.constant 1.000000e+00 : f32
      %logistic3A_56 = vector.broadcast %logistic3A_55 : f32 to vector<8x512xf32>
      %logistic3A_57 = arith.addf %logistic3A_56, %logistic3A_54 : vector<8x512xf32>
      %logistic3A_58 = arith.divf %logistic3A_56, %logistic3A_57 : vector<8x512xf32>
      %mul3A_59 = arith.mulf %get3A_53, %logistic3A_58 : vector<8x512xf32>
      %get3A_60 = arith.constant 0 : index
      %get3A_61 = arith.constant 0 : index
      %get3A_62 = vector.load %arg5[%get3A_60, %get3A_61] : memref<512x256xf32, #tpu.memory_space<vmem>>, vector<512x256xf32>
      %dot_general3A_63 = arith.constant dense<0.000000e+00> : vector<8x256xf32>
      %dot_general3A_64 = tpu.matmul %mul3A_59, %get3A_62, %dot_general3A_63 {dimension_numbers = #tpu.dot_dimension_numbers<[1], [0], [0], [1], [0, 0, 1, 1], [], []>, transpose_lhs_hint = false} : vector<8x512xf32>, vector<512x256xf32>, vector<8x256xf32> -> vector<8x256xf32>
      %get3A_65 = arith.constant 0 : index
      %get3A_66 = arith.constant 0 : index
      %get3A_67 = vector.load %arg6[%get3A_65, %get3A_66] : memref<1x256xf32, #tpu.memory_space<vmem>>, vector<1x256xf32>
      %add3A_68 = vector.broadcast %get3A_67 : vector<1x256xf32> to vector<8x256xf32>
      %add3A_69 = arith.addf %dot_general3A_64, %add3A_68 : vector<8x256xf32>
      %swap3A_70 = arith.constant 0 : index
      %swap3A_71 = arith.constant 0 : index
      %swap3A_72 = vector.load %arg11[%swap3A_70, %swap3A_71] : memref<8x256xf32, #tpu.memory_space<vmem>>, vector<8x256xf32>
      tpu.vector_store %arg11[%swap3A_70, %swap3A_71], %add3A_69 {strides = array<i32>} : memref<8x256xf32, #tpu.memory_space<vmem>>, vector<8x256xf32>,
      %broadcast_in_dim3A_73 = arith.constant 0.000000e+00 : f32
      %broadcast_in_dim3A_74 = vector.broadcast %broadcast_in_dim3A_73 : f32 to vector<2x256xf32>
      %swap3A_75 = arith.constant 0 : index
      %swap3A_76 = arith.constant 0 : index
      %swap3A_77 = vector.load %arg10[%swap3A_75, %swap3A_76] : memref<2x256xf32, #tpu.memory_space<vmem>>, vector<2x256xf32>
      tpu.vector_store %arg10[%swap3A_75, %swap3A_76], %broadcast_in_dim3A_74 {strides = array<i32>} : memref<2x256xf32, #tpu.memory_space<vmem>>, vector<2x256xf32>,
    } else {
    }
    %get3A = arith.constant 0 : index
    %get3A_2 = arith.constant 0 : index
    %get3A_3 = arith.constant 0 : index
    %get3A_4 = vector.load %arg7[%get3A, %get3A_2, %get3A_3] : memref<1x1x200xi32, #tpu.memory_space<vmem>>, vector<1x1x200xi32>
    %get3A_5 = vector.shape_cast %get3A_4 : vector<1x1x200xi32> to vector<200xi32>
    %broadcast_in_dim3A = vector.shape_cast %get3A_5 : vector<200xi32> to vector<200x1xi32>
    %iota3A = tpu.iota {dimensions = array<i32: 1>} : vector<200x4xi32>
    %eq3A_6 = vector.broadcast %broadcast_in_dim3A : vector<200x1xi32> to vector<200x4xi32>
    %eq3A_7 = arith.cmpi eq, %eq3A_6, %iota3A : vector<200x4xi32>
    %convert_element_type3A_8 = arith.extui %eq3A_7 : vector<200x4xi1> to vector<200x4xi32>
    %convert_element_type3A_9 = arith.sitofp %convert_element_type3A_8 : vector<200x4xi32> to vector<200x4xf32>
    %get3A_10 = arith.constant 0 : index
    %get3A_11 = arith.constant 0 : index
    %get3A_12 = vector.load %arg11[%get3A_10, %get3A_11] : memref<8x256xf32, #tpu.memory_space<vmem>>, vector<4x256xf32>
    %dot_general3A = arith.constant dense<0.000000e+00> : vector<200x256xf32>
    %dot_general3A_13 = tpu.matmul %convert_element_type3A_9, %get3A_12, %dot_general3A {dimension_numbers = #tpu.dot_dimension_numbers<[1], [0], [0], [1], [0, 0, 1, 1], [], []>, transpose_lhs_hint = false} : vector<200x4xf32>, vector<4x256xf32>, vector<200x256xf32> -> vector<200x256xf32>
    %get3A_14 = arith.constant 0 : index
    %get3A_15 = arith.constant 0 : index
    %get3A_16 = vector.load %arg1[%get3A_14, %get3A_15] : memref<200x128xf32, #tpu.memory_space<vmem>>, vector<200x128xf32>
    %get3A_17 = arith.constant 0 : index
    %get3A_18 = arith.constant 0 : index
    %get3A_19 = vector.load %arg2[%get3A_17, %get3A_18] : memref<200x128xf32, #tpu.memory_space<vmem>>, vector<200x128xf32>
    %concatenate3A = tpu.concatenate %get3A_16, %get3A_19 in 1 : vector<200x128xf32>, vector<200x128xf32> -> vector<200x256xf32>
    %get3A_20 = arith.constant 0 : index
    %get3A_21 = arith.constant 0 : index
    %get3A_22 = vector.load %arg3[%get3A_20, %get3A_21] : memref<1x256xf32, #tpu.memory_space<vmem>>, vector<1x256xf32>
    %add3A = vector.broadcast %get3A_22 : vector<1x256xf32> to vector<200x256xf32>
    %add3A_23 = arith.addf %concatenate3A, %add3A : vector<200x256xf32>
    %add3A_24 = arith.addf %add3A_23, %dot_general3A_13 : vector<200x256xf32>
    %swap3A = arith.constant 0 : index
    %swap3A_25 = arith.constant 0 : index
    %swap3A_26 = vector.load %arg8[%swap3A, %swap3A_25] : memref<200x256xf32, #tpu.memory_space<vmem>>, vector<200x256xf32>
    tpu.vector_store %arg8[%swap3A, %swap3A_25], %add3A_24 {strides = array<i32>} : memref<200x256xf32, #tpu.memory_space<vmem>>, vector<200x256xf32>,
    %get3A_27 = arith.constant 0 : index
    %get3A_28 = arith.constant 0 : index
    %get3A_29 = vector.load %arg10[%get3A_27, %get3A_28] : memref<2x256xf32, #tpu.memory_space<vmem>>, vector<1x256xf32>
    %reduce_sum3A = arith.constant dense<0.000000e+00> : vector<256xf32>
    %reduce_sum3A_30 = vector.multi_reduction <add>, %add3A_24, %reduce_sum3A [0] : vector<200x256xf32> to vector<256xf32>
    %broadcast_in_dim3A_31 = vector.shape_cast %reduce_sum3A_30 : vector<256xf32> to vector<1x256xf32>
    %add3A_32 = arith.addf %get3A_29, %broadcast_in_dim3A_31 : vector<1x256xf32>
    %swap3A_33 = arith.constant 0 : index
    %swap3A_34 = arith.constant 0 : index
    %swap3A_35 = vector.load %arg10[%swap3A_33, %swap3A_34] : memref<2x256xf32, #tpu.memory_space<vmem>>, vector<1x256xf32>
    tpu.vector_store %arg10[%swap3A_33, %swap3A_34], %add3A_32 {strides = array<i32>} : memref<2x256xf32, #tpu.memory_space<vmem>>, vector<1x256xf32>,
    %get3A_36 = arith.constant 1 : index
    %get3A_37 = arith.constant 0 : index
    %get3A_38 = vector.load %arg10[%get3A_36, %get3A_37] : memref<2x256xf32, #tpu.memory_space<vmem>>, vector<1x256xf32>
    %mul3A = arith.mulf %add3A_24, %add3A_24 : vector<200x256xf32>
    %reduce_sum3A_39 = arith.constant dense<0.000000e+00> : vector<256xf32>
    %reduce_sum3A_40 = vector.multi_reduction <add>, %mul3A, %reduce_sum3A_39 [0] : vector<200x256xf32> to vector<256xf32>
    %broadcast_in_dim3A_41 = vector.shape_cast %reduce_sum3A_40 : vector<256xf32> to vector<1x256xf32>
    %add3A_42 = arith.addf %get3A_38, %broadcast_in_dim3A_41 : vector<1x256xf32>
    %swap3A_43 = arith.constant 1 : index
    %swap3A_44 = arith.constant 0 : index
    %swap3A_45 = vector.load %arg10[%swap3A_43, %swap3A_44] : memref<2x256xf32, #tpu.memory_space<vmem>>, vector<1x256xf32>
    tpu.vector_store %arg10[%swap3A_43, %swap3A_44], %add3A_42 {strides = array<i32>} : memref<2x256xf32, #tpu.memory_space<vmem>>, vector<1x256xf32>,
    %eq3A_46 = arith.constant 49 : i32
    %eq3A_47 = arith.cmpi eq, %arg0, %eq3A_46 : i32
    %convert_element_type3A_48 = arith.extui %eq3A_47 : i1 to i32
    %cond3A_49 = arith.constant 0 : i32
    %cond3A_50 = arith.cmpi ne, %convert_element_type3A_48, %cond3A_49 : i32
    scf.if %cond3A_50 {
      %get3A_51 = arith.constant 0 : index
      %get3A_52 = arith.constant 0 : index
      %get3A_53 = vector.load %arg10[%get3A_51, %get3A_52] : memref<2x256xf32, #tpu.memory_space<vmem>>, vector<1x256xf32>
      %div3A = arith.constant 1.000000e+04 : f32
      %div3A_54 = vector.broadcast %div3A : f32 to vector<1x256xf32>
      %div3A_55 = arith.divf %get3A_53, %div3A_54 : vector<1x256xf32>
      %get3A_56 = arith.constant 1 : index
      %get3A_57 = arith.constant 0 : index
      %get3A_58 = vector.load %arg10[%get3A_56, %get3A_57] : memref<2x256xf32, #tpu.memory_space<vmem>>, vector<1x256xf32>
      %div3A_59 = arith.constant 1.000000e+04 : f32
      %div3A_60 = vector.broadcast %div3A_59 : f32 to vector<1x256xf32>
      %div3A_61 = arith.divf %get3A_58, %div3A_60 : vector<1x256xf32>
      %mul3A_62 = arith.mulf %div3A_55, %div3A_55 : vector<1x256xf32>
      %sub3A = arith.subf %div3A_61, %mul3A_62 : vector<1x256xf32>
      %add3A_63 = arith.constant 9.99999974E-6 : f32
      %add3A_64 = vector.broadcast %add3A_63 : f32 to vector<1x256xf32>
      %add3A_65 = arith.addf %sub3A, %add3A_64 : vector<1x256xf32>
      %rsqrt3A = math.rsqrt %add3A_65 : vector<1x256xf32>
      %swap3A_66 = arith.constant 0 : index
      %swap3A_67 = arith.constant 0 : index
      %swap3A_68 = vector.load %arg9[%swap3A_66, %swap3A_67] : memref<2x256xf32, #tpu.memory_space<vmem>>, vector<1x256xf32>
      tpu.vector_store %arg9[%swap3A_66, %swap3A_67], %rsqrt3A {strides = array<i32>} : memref<2x256xf32, #tpu.memory_space<vmem>>, vector<1x256xf32>,
      %neg3A = arith.constant 0.000000e+00 : f32
      %neg3A_69 = vector.broadcast %neg3A : f32 to vector<1x256xf32>
      %neg3A_70 = arith.subf %neg3A_69, %div3A_55 : vector<1x256xf32>
      %mul3A_71 = arith.mulf %neg3A_70, %rsqrt3A : vector<1x256xf32>
      %swap3A_72 = arith.constant 1 : index
      %swap3A_73 = arith.constant 0 : index
      %swap3A_74 = vector.load %arg9[%swap3A_72, %swap3A_73] : memref<2x256xf32, #tpu.memory_space<vmem>>, vector<1x256xf32>
      tpu.vector_store %arg9[%swap3A_72, %swap3A_73], %mul3A_71 {strides = array<i32>} : memref<2x256xf32, #tpu.memory_space<vmem>>, vector<1x256xf32>,
    } else {
    }
    return
  }
  func.func @transform_0(%arg0: i32) -> (i32, i32) {
    %c0_i32 = arith.constant 0 : i32
    %c0_i32_0 = arith.constant 0 : i32
    return %arg0, %c0_i32 : i32, i32
  }
  func.func @transform_1(%arg0: i32) -> (i32, i32) {
    %c0_i32 = arith.constant 0 : i32
    %c0_i32_0 = arith.constant 0 : i32
    return %arg0, %c0_i32 : i32, i32
  }
  func.func @transform_2(%arg0: i32) -> (i32, i32) {
    %c0_i32 = arith.constant 0 : i32
    %c0_i32_0 = arith.constant 0 : i32
    %c0_i32_1 = arith.constant 0 : i32
    return %c0_i32, %c0_i32_0 : i32, i32
  }
  func.func @transform_3(%arg0: i32) -> (i32, i32) {
    %c0_i32 = arith.constant 0 : i32
    %c0_i32_0 = arith.constant 0 : i32
    %c0_i32_1 = arith.constant 0 : i32
    return %c0_i32, %c0_i32_0 : i32, i32
  }
  func.func @transform_4(%arg0: i32) -> (i32, i32) {
    %c0_i32 = arith.constant 0 : i32
    %c0_i32_0 = arith.constant 0 : i32
    %c0_i32_1 = arith.constant 0 : i32
    return %c0_i32, %c0_i32_0 : i32, i32
  }
  func.func @transform_5(%arg0: i32) -> (i32, i32) {
    %c0_i32 = arith.constant 0 : i32
    %c0_i32_0 = arith.constant 0 : i32
    %c0_i32_1 = arith.constant 0 : i32
    return %c0_i32, %c0_i32_0 : i32, i32
  }
  func.func @transform_6(%arg0: i32) -> (i32, i32, i32) {
    %c0_i32 = arith.constant 0 : i32
    %c0_i32_0 = arith.constant 0 : i32
    %c0_i32_1 = arith.constant 0 : i32
    return %arg0, %c0_i32, %c0_i32_0 : i32, i32, i32
  }
  func.func @transform_7(%arg0: i32) -> (i32, i32) {
    %c0_i32 = arith.constant 0 : i32
    %c0_i32_0 = arith.constant 0 : i32
    return %arg0, %c0_i32 : i32, i32
  }
  func.func @transform_8(%arg0: i32) -> (i32, i32) {
    %c0_i32 = arith.constant 0 : i32
    %c0_i32_0 = arith.constant 0 : i32
    %c0_i32_1 = arith.constant 0 : i32
    return %c0_i32, %c0_i32_0 : i32, i32
  }
}

module attributes {stable_mosaic.version = 14 : i64} {
  func.func @_final_body(%arg0: i32, %arg1: memref<200x128xf32, #tpu.memory_space<vmem>>, %arg2: memref<200x128xf32, #tpu.memory_space<vmem>>, %arg3: memref<1x256xf32, #tpu.memory_space<vmem>>, %arg4: memref<200x256xf32, #tpu.memory_space<vmem>>, %arg5: memref<200x256xf32, #tpu.memory_space<vmem>>) attributes {dimension_semantics = [#tpu.dimension_semantics<arbitrary>], iteration_bounds = array<i64: 50>, scalar_prefetch = 0 : i64, scratch_operands = 0 : i64, tpu.core_type = #tpu.core_type<tc>, window_params = [{transform_indices = @transform_0, window_bounds = array<i64: 200, 128>}, {transform_indices = @transform_1, window_bounds = array<i64: 200, 128>}, {pipeline_mode = #tpu.pipeline_mode<synchronous>, transform_indices = @transform_2, window_bounds = array<i64: 1, 256>}, {transform_indices = @transform_3, window_bounds = array<i64: 200, 256>}, {transform_indices = @transform_4, window_bounds = array<i64: 200, 256>}]} {
    %get3A = arith.constant 0 : index
    %get3A_0 = arith.constant 0 : index
    %get3A_1 = vector.load %arg1[%get3A, %get3A_0] : memref<200x128xf32, #tpu.memory_space<vmem>>, vector<200x128xf32>
    %get3A_2 = arith.constant 0 : index
    %get3A_3 = arith.constant 0 : index
    %get3A_4 = vector.load %arg2[%get3A_2, %get3A_3] : memref<200x128xf32, #tpu.memory_space<vmem>>, vector<200x128xf32>
    %concatenate3A = tpu.concatenate %get3A_1, %get3A_4 in 1 : vector<200x128xf32>, vector<200x128xf32> -> vector<200x256xf32>
    %get3A_5 = arith.constant 0 : index
    %get3A_6 = arith.constant 0 : index
    %get3A_7 = vector.load %arg3[%get3A_5, %get3A_6] : memref<1x256xf32, #tpu.memory_space<vmem>>, vector<1x256xf32>
    %add3A = vector.broadcast %get3A_7 : vector<1x256xf32> to vector<200x256xf32>
    %add3A_8 = arith.addf %concatenate3A, %add3A : vector<200x256xf32>
    %get3A_9 = arith.constant 0 : index
    %get3A_10 = arith.constant 0 : index
    %get3A_11 = vector.load %arg4[%get3A_9, %get3A_10] : memref<200x256xf32, #tpu.memory_space<vmem>>, vector<200x256xf32>
    %add3A_12 = arith.addf %add3A_8, %get3A_11 : vector<200x256xf32>
    %swap3A = arith.constant 0 : index
    %swap3A_13 = arith.constant 0 : index
    %swap3A_14 = vector.load %arg5[%swap3A, %swap3A_13] : memref<200x256xf32, #tpu.memory_space<vmem>>, vector<200x256xf32>
    tpu.vector_store %arg5[%swap3A, %swap3A_13], %add3A_12 {strides = array<i32>} : memref<200x256xf32, #tpu.memory_space<vmem>>, vector<200x256xf32>,
    return
  }
  func.func @transform_0(%arg0: i32) -> (i32, i32) {
    %c0_i32 = arith.constant 0 : i32
    %c0_i32_0 = arith.constant 0 : i32
    return %arg0, %c0_i32 : i32, i32
  }
  func.func @transform_1(%arg0: i32) -> (i32, i32) {
    %c0_i32 = arith.constant 0 : i32
    %c0_i32_0 = arith.constant 0 : i32
    return %arg0, %c0_i32 : i32, i32
  }
  func.func @transform_2(%arg0: i32) -> (i32, i32) {
    %c0_i32 = arith.constant 0 : i32
    %c0_i32_0 = arith.constant 0 : i32
    %c0_i32_1 = arith.constant 0 : i32
    return %c0_i32, %c0_i32_0 : i32, i32
  }
  func.func @transform_3(%arg0: i32) -> (i32, i32) {
    %c0_i32 = arith.constant 0 : i32
    %c0_i32_0 = arith.constant 0 : i32
    return %arg0, %c0_i32 : i32, i32
  }
  func.func @transform_4(%arg0: i32) -> (i32, i32) {
    %c0_i32 = arith.constant 0 : i32
    %c0_i32_0 = arith.constant 0 : i32
    return %arg0, %c0_i32 : i32, i32
  }
}

</mosaic_0001>

<sc_bundles>
// kernel: kernel.12.cloned.1.call-start
scs
__scs_entry_jumppad:
0x0: {  	(pc) =	sbr.rel $0x88, $3  }
0x1: {  	(tag) =	ssettag $0x0;
	lr =	simm.s32 $0x1  }
0x2: {  	[smem:$0x3F92] =	sst lr;
	_ =	strace $0xD0000000  }
0x3: {  	_ = 	snop  }
0x4: {  	_ = 	snop  }
0x5: {  	_ = 	snop  }
0x6: {  	_ = 	snop  }
0x7: {  	_ = 	snop  }
__scs_overlays_trampoline_lowered:
0x8: {  	[smem:$0x3FA1] =	sst s0  }
0x9: {  	[smem:$0x3FA2] =	sst s1  }
0xa: {  	[smem:$0x3FA3] =	sst s2  }
0xb: {  	[smem:$0x3FA4] =	sst s3  }
0xc: {  	[smem:$0x3FA5] =	sst s4  }
0xd: {  	[smem:$0x3FA6] =	sst s5  }
0xe: {  	[smem:$0x3FA7] =	sst s6  }
0xf: {  	[smem:$0x3FA8] =	sst s7  }
0x10: {  	[smem:$0x3FA9] =	sst s8  }
0x11: {  	[smem:$0x3FAA] =	sst s9;
	s0 =	simm.s32 @!p0 $0x0  }
0x12: {  	s1 =	sld [smem:$0x3F90];
	s0 =	simm.s32 @p0 $0x1  }
0x13: {  	[smem:$0x3FAB] =	sst s0;
	s0 =	simm.s32 @!p1 $0x0  }
0x14: {  	s2 =	sld [smem:$0x3F8F];
	s0 =	simm.s32 @p1 $0x1  }
0x15: {  	[smem:$0x3FAC] =	sst s0;
	s0 =	simm.s32 @!p2 $0x0  }
0x16: {  	s3 =	sld [smem:$0x3FDB];
	s0 =	simm.s32 @p2 $0x1  }
0x17: {  	s4 =	simm.s32 $0x1BF5;
	[smem:$0x3FAE] =	sst s0  }
0x18: {  	s0 =	sld [smem:$0x3F91];
	_ =	swait.ge [sflag:s4], $0x0  }
0x19: {  	s7 =	sld [smem:$0x3F92]  }
0x1a: {  	s8 =	sadd.s32 $0xFFFFE003, lr  }
0x1b: {  	s9 =	sadd.s32 $0xFFFFFEF7, lr;
	s5 =	simm.s32 $0xFFFFFFFF;
	p2 =	slt.u32 s8, $0xFFFFF086  }
0x1c: {  	p1 =	slt.u32 s9, $0xF7A;
	s5 =	simm.s32 @!p2 $0x0  }
0x1d: {  	s5 =	simm.s32 @p1 $0x1;
	p0 =	seq.s32 s7, s2  }
0x1e: {  	s7 =	smul.u32 @!p0 $0xF7A, s2;
	p2 =	seq.s32 @!p0 s5, $0x0  }
0x1f: {  	s9 =	smul.u32 $0xF7A, s1;
	s8 =	simm.s32 @!p0 $0x1BF5;
	p2 =	por !p2, p0  }
0x20: {  	[sflag:s8] =	ssyncset.s32 @!p0 $0xFFFFF086;
	s6 =	sadd.s32 @!p0 s3, s7;
	s7 =	simm.s32 @!p0 $0x108  }
0x21: {  	s3 =	sadd.s32 s3, s9;
	s6 =	sadd.s32 @!p0 $0x88, s6;
	s7 =	simm.s32 @p2 $0x1082  }
0x22: {  	[simem:s7], [sflag:s8] =	dma.local @!p0 [hbm:s6], $0xF7A  }
0x23: {  	s9 =	sor.u32 $0xD0000000, s2;
	s6 =	simm.s32 $0x108;
	_ =	swait.ge @!p0 [sflag:s8], $0x0  }
0x24: {  	s3 =	sadd.s32 $0x88, s3;
	s6 =	simm.s32 @!p1 $0x1082;
	[sflag:s4] =	ssyncset.s32 $0xFFFFF086  }
0x25: {  	[simem:s6], [sflag:s4] =	dma.local [hbm:s3], $0xF7A  }
0x26: {  	[smem:$0x3F92] =	sst s1;
	(tag) =	ssettag s2;
	_ =	strace s9  }
0x27: {  	s1 =	sld [smem:$0x3FA2]  }
0x28: {  	s2 =	sld [smem:$0x3FA3]  }
0x29: {  	s4 =	sld [smem:$0x3FA5]  }
0x2a: {  	p0 =	seq.s32 s5, $0x0;
	s5 =	sld [smem:$0x3FA6]  }
0x2b: {  	s6 =	sld [smem:$0x3FA7]  }
0x2c: {  	s7 =	sld [smem:$0x3FA8]  }
0x2d: {  	s3 =	simm.s32 $0x108;
	s8 =	sld [smem:$0x3FA9]  }
0x2e: {  	s3 =	simm.s32 @!p0 $0x1082;
	s9 =	sld [smem:$0x3FAA]  }
0x2f: {  	lr =	sadd.s32 s0, s3;
	s0 =	sld [smem:$0x3FA1]  }
0x30: {  	s3 =	sld [smem:$0x3FA4]  }
0x31: {  	[smem:$0x3FAD] =	sst s10  }
0x32: {  	s10 =	sld [smem:$0x3FAB];
	_ =	sdelay $0x3  }
0x33: {  	p0 =	seq.s32 s10, $0x1;
	s10 =	sld [smem:$0x3FAD];
	_ =	sdelay $0x3  }
0x34: {  	[smem:$0x3FAD] =	sst s10  }
0x35: {  	s10 =	sld [smem:$0x3FAC];
	_ =	sdelay $0x3  }
0x36: {  	p1 =	seq.s32 s10, $0x1;
	s10 =	sld [smem:$0x3FAD];
	_ =	sdelay $0x3  }
0x37: {  	[smem:$0x3FAD] =	sst s10  }
0x38: {  	s10 =	sld [smem:$0x3FAE]  }
0x39: {  	_ = 	snop;
	(pc) =	sbr.ind lr, $3  }
0x3a: {  	_ = 	snop  }
0x3b: {  	_ = 	snop  }
0x3c: {  	p2 =	seq.s32 s10, $0x1;
	s10 =	sld [smem:$0x3FAD]  }
0x3d: {  	_ =	shalt  }
0x3e: {  	_ =	shalt  }
0x3f: {  	_ =	shalt  }
0x40: {  	_ =	shalt  }
0x41: {  	_ =	shalt  }
0x42: {  	_ =	shalt  }
0x43: {  	_ =	shalt  }
0x44: {  	_ =	shalt  }
0x45: {  	_ =	shalt  }
0x46: {  	_ =	shalt  }
0x47: {  	_ =	shalt  }
0x48: {  	_ =	shalt  }
0x49: {  	_ =	shalt  }
0x4a: {  	_ =	shalt  }
0x4b: {  	_ =	shalt  }
0x4c: {  	_ =	shalt  }
0x4d: {  	_ =	shalt  }
0x4e: {  	_ =	shalt  }
0x4f: {  	_ =	shalt  }
0x50: {  	_ =	shalt  }
0x51: {  	_ =	shalt  }
0x52: {  	_ =	shalt  }
0x53: {  	_ =	shalt  }
0x54: {  	_ =	shalt  }
0x55: {  	_ =	shalt  }
0x56: {  	_ =	shalt  }
0x57: {  	_ =	shalt  }
0x58: {  	_ =	shalt  }
0x59: {  	_ =	shalt  }
0x5a: {  	_ =	shalt  }
0x5b: {  	_ =	shalt  }
0x5c: {  	_ =	shalt  }
0x5d: {  	_ =	shalt  }
0x5e: {  	_ =	shalt  }
0x5f: {  	_ =	shalt  }
0x60: {  	_ =	shalt  }
0x61: {  	_ =	shalt  }
0x62: {  	_ =	shalt  }
0x63: {  	_ =	shalt  }
0x64: {  	_ =	shalt  }
0x65: {  	_ =	shalt  }
0x66: {  	_ =	shalt  }
0x67: {  	_ =	shalt  }
0x68: {  	_ =	shalt  }
0x69: {  	_ =	shalt  }
0x6a: {  	_ =	shalt  }
0x6b: {  	_ =	shalt  }
0x6c: {  	_ =	shalt  }
0x6d: {  	_ =	shalt  }
0x6e: {  	_ =	shalt  }
0x6f: {  	_ =	shalt  }
0x70: {  	_ =	shalt  }
0x71: {  	_ =	shalt  }
0x72: {  	_ =	shalt  }
0x73: {  	_ =	shalt  }
0x74: {  	_ =	shalt  }
0x75: {  	_ =	shalt  }
0x76: {  	_ =	shalt  }
0x77: {  	_ =	shalt  }
0x78: {  	_ =	shalt  }
0x79: {  	_ =	shalt  }
0x7a: {  	_ =	shalt  }
0x7b: {  	_ =	shalt  }
0x7c: {  	_ =	shalt  }
0x7d: {  	_ =	shalt  }
0x7e: {  	_ =	shalt  }
0x7f: {  	_ =	shalt  }
0x80: {  	_ =	shalt  }
0x81: {  	_ =	shalt  }
0x82: {  	_ =	shalt  }
0x83: {  	_ =	shalt  }
0x84: {  	_ =	shalt  }
0x85: {  	_ =	shalt  }
0x86: {  	_ =	shalt  }
0x87: {  	_ =	shalt  }
.Lfunc_end0:
.L_simem_size_0:
called_computation.1_lowered:
.L_overlay_start_0:
0x88: {  	s2 =	sld [smem:$0x3FD9]  }
0x89: {  	s3 =	sld [smem:$0x3FFE];
	_ =	sdelay $0x1  }
0x8a: {  	s1 =	srdreg.scid  }
0x8b: {  	s0 =	sand.u32 $0x1, s1  }
0x8c: {  	s17 =	sshll.u32 s0, $0xA;
	s2 =	sadd.s32 s3, s2  }
0x8d: {  	s2 =	sadd.s32 s2, s17  }
0x8e: {  	[smem:$0x3FB9] =	sst s2  }
0x8f: {  	_ = 	snop  }
0x90: {  	s2 =	sld [smem:$0x3FD0];
	(tm) =	ssettm $0x1  }
0x91: {  	s18 =	sld [smem:$0x3FFB];
	_ =	sdelay $0x3  }
0x92: {  	_ =	strace s18  }
0x93: {  	s3 =	sld [smem:$0x3FFC];
	_ =	sdelay $0x3  }
0x94: {  	_ =	strace s3  }
0x95: {  	s3 =	sld [smem:$0x3FFD];
	_ =	sdelay $0x3  }
0x96: {  	_ =	strace s3  }
0x97: {  	_ =	strace $0x8FFFFFFF  }
0x98: {  	s19 =	sld [smem:$0x3FDB];
	_ =	sdelay $0x1  }
0x99: {  	s4 =	simm.s32 $_scs_section_size  }
0x9a: {  	s5 =	simm.s32 $_size__tile_overlayer_lowered;
	s6 =	simm.s32 $_tile_overlayer_lowered  }
0x9b: {  	s22 =	simm.s32 $0x1BFF;
	s21 =	sshll.u32 s6, $0x1;
	s3 =	sadd.s32 s4, s19  }
0x9c: {  	s7 =	simm.s32 $0x0;
	s20 =	sshll.u32 s5, $0x1;
	s5 =	sadd.s32 s21, s3  }
0x9d: {  	[timem:s7], [sflag:s22] =	dma.local [hbm:s5], s20  }
0x9e: {  	_ =	swait.ge [sflag:s22], s20  }
0x9f: {  	s4 =	ssub.s32 $0x0, s20;
	[sflag:s22] =	ssyncset.done $0x0  }
0xa0: {  	[sflag:s22] =	ssyncadd.s32 s4;
	_ =	sdelay $0x1  }
0xa1: {  	s23 =	simm.s32 $0x1B8B  }
0xa2: {  	_ =	swait.ge [sflag:s23], $0x1  }
0xa3: {  	[sflag:s23] =	ssyncset.done $0x0  }
0xa4: {  	s25 =	simm.s32 $0x1B8E;
	s24 =	sld [smem:$0x3FFE];
	[sflag:s23] =	ssyncadd.s32 $0xFFFFFFFF  }
0xa5: {  	s26 =	simm.s32 $execute0_lowered;
	[smem:$0x3FD2] =	sst s25  }
0xa6: {  	s5 =	sshll.u32 s26, $0x1;
	_ =	strace $0x80000049;
	[dreg:$0x1] =	wrdreg $0xFFFFFFFF  }
0xa7: {  	s28 =	simm.s32 $_size_execute0_lowered;
	s3 =	sadd.s32 s3, s5;
	[dreg:$0x0] =	wrdreg $0x0  }
0xa8: {  	s5 =	sshll.u32 s28, $0x1;
	[dreg:$0x2] =	wrdreg s3  }
0xa9: {  	[dreg:$0x3] =	wrdreg s5  }
0xaa: {  	[dreg:$0x4] =	wrdreg $0xC0  }
0xab: {  	_ =	task [dreg:s7], $0x5FFFF  }
0xac: {  	[dreg:$0x1] =	wrdreg $0xFFFFFFFF  }
0xad: {  	[dreg:$0x0] =	wrdreg $0x60  }
0xae: {  	[dreg:$0x2] =	wrdreg s24  }
0xaf: {  	[dreg:$0x3] =	wrdreg s2  }
0xb0: {  	[dreg:$0x4] =	wrdreg $0x90000  }
0xb1: {  	[dreg:$0x5] =	wrdreg $0x9  }
0xb2: {  	_ =	task.clear_ibuf [dreg:s7], $0x6FFFF;
	_ =	strace $0x90000049  }
0xb3: {  	s29 =	simm.s32 $0x9;
	_ =	strace $0x8000004B  }
0xb4: {  	_ =	swait.ge [sflag:s29], $0x1  }
0xb5: {  	[sflag:s29] =	ssyncadd.s32 $0xFFFFFFFF  }
0xb6: {  	_ =	strace $0x9000004B  }
0xb7: {  	_ =	sfence  }
0xb8: {  	s30 =	sld [smem:$0x0];
	_ =	sdelay $0x2  }
0xb9: {  	s31 =	sshll.u32 s1, $0xD;
	s1 =	sshrl.u32 s1, $0x2  }
0xba: {  	s3 =	sand.u32 $0x4000, s31;
	s1 =	sadd.s32 s1, s30  }
0xbb: {  	s0 =	sor.u32 s3, s0;
	s1 =	sshll.u32 s1, $0x11  }
0xbc: {  	s0 =	sor.u32 s1, s0  }
0xbd: {  	s0 =	sadd.s32 $0x8F2B, s0  }
0xbe: {  	[sflag:s0] =	ssyncadd.remote.s32 $0x1  }
0xbf: {  	_ =	sfence.sel $0xFFFF  }
0xc0: {  	[dreg:$0x0] =	wrdreg $0xFFFFFFFF;
	(pc) =	sbr.abs _section_cstart, $3  }
0xc1: {  	[dreg:$0x1] =	wrdreg $0xFFFFFFFF  }
0xc2: {  	_ =	task.clear_ibuf [dreg:s7], $0x2FFFF;
	_ =	strace $0x9FFFFFFF  }
0xc3: {  	(tm) =	ssettm $0x7FFFFFFF  }
tec
execute0_lowered:
.L_overlay_start_1:
0x0: {  	(tag) =	ssettag $0x1  }
0x1: {  	s0 =	rddreg [dreg:$0x0]  }
0x2: {  	s1 =	srdreg.scid;
	s5 =	rddreg [dreg:$0x1]  }
0x3: {  	s11 =	stileid.u32;
	s2 =	rddreg [dreg:$0x2];
	s3 =	simm.s32 $0x0  }
0x4: {  	s14 =	simm.s32 $0x100;
	s15 =	simm.s32 $0x880;
	s17 =	simm.s32 $0x180  }
0x5: {  	s18 =	simm.s32 $0x900;
	s19 =	simm.s32 $0x200;
	[smem:$0x7FF] =	sst s3  }
0x6: {  	s20 =	simm.s32 $0x980;
	_ =	strace $0x8000004A;
	[dreg:$0x6] =	wrdreg s14  }
0x7: {  	s21 =	simm.s32 $0x280;
	s22 =	simm.s32 $0xA00;
	[dreg:$0x7] =	wrdreg s15  }
0x8: {  	s23 =	simm.s32 $0x300;
	s24 =	simm.s32 $0xA80;
	[dreg:$0x8] =	wrdreg s17  }
0x9: {  	s25 =	simm.s32 $0x380;
	s28 =	simm.s32 $0x680;
	[dreg:$0x9] =	wrdreg s18  }
0xa: {  	s29 =	simm.s32 $0xE00;
	s6 =	smul.u32 $0x2800, s11;
	[dreg:$0xa] =	wrdreg s19  }
0xb: {  	s30 =	simm.s32 $0x700;
	s7 =	smul.u32 $0x13C00, s11;
	[dreg:$0xb] =	wrdreg s20  }
0xc: {  	s31 =	simm.s32 $0xE80;
	s9 =	smul.u32 $0x500, s11;
	[dreg:$0xc] =	wrdreg s21  }
0xd: {  	s1 =	sand.u32 $0x1, s1;
	s10 =	smul.u32 $0x4F000, s11;
	[dreg:$0xd] =	wrdreg s22  }
0xe: {  	s16 =	sshll.u32 s11, $0x6;
	s4 =	smul.u32 $0x28000, s1;
	[dreg:$0xe] =	wrdreg s23  }
0xf: {  	s11 =	simm.s32 $0x800;
	s8 =	smul.u32 $0x13C000, s1;
	[dreg:$0xf] =	wrdreg s24  }
0x10: {  	s1 =	ssub.s32 $0x2, s1;
	s14 =	simm.s32 $0x1;
	[dreg:$0x10] =	wrdreg s25  }
0x11: {  	s15 =	simm.s32 $0x5000;
	s17 =	simm.s32 $0x400;
	s18 =	simm.s32 $0xB80  }
0x12: {  	s19 =	simm.s32 $0x480;
	s20 =	simm.s32 $0xC00;
	s21 =	simm.s32 $0x500  }
0x13: {  	s22 =	simm.s32 $0xC80;
	s23 =	simm.s32 $0x580;
	s24 =	simm.s32 $0xD00  }
0x14: {  	s25 =	simm.s32 $0x600;
	s9 =	sadd.s32 s9, s0;
	s26 =	sshrl.u32 s1, $0x1  }
0x15: {  	s12 =	sshrl.u32 s10, $0x2;
	s10 =	simm.s32 $0x3;
	s6 =	sadd.s32 s4, s6  }
0x16: {  	s4 =	sadd.s32 $0x12000, s0;
	s8 =	sadd.s32 s7, s8;
	s1 =	ssub.s32 s1, s26  }
0x17: {  	s13 =	sadd.s32 $0xD000, s9;
	s7 =	sshrl.u32 s7, $0x3;
	s26 =	simm.s32 $0xB00  }
0x18: {  	s9 =	simm.s32 $0x0;
	s6 =	sshrl.u32 s6, $0x3;
	s8 =	sshrl.u32 s8, $0x3  }
0x19: {  	[dreg:$0x5] =	wrdreg s13;
	s5 =	sadd.s32 s5, s7;
	s7 =	sor.u32 $0x1C03, s16  }
0x1a: {  	s1 =	smax.u32 s1, $0x1;
	s13 =	simm.s32 $0x1000;
	[dreg:$0x11] =	wrdreg s26  }
0x1b: {  	s16 =	simm.s32 $0x2;
	s26 =	simm.s32 $0xD80;
	[dreg:$0x12] =	wrdreg s5  }
0x1c: {  	s6 =	sadd.s32 s6, s0;
	s0 =	sadd.s32 s8, s0;
	[dreg:$0x15] =	wrdreg s1  }
0x1d: {  	s8 =	sadd.s32 s12, s2;
	[dreg:$0x13] =	wrdreg s7;
	s6 =	sadd.s32 $0x3000, s6  }
0x1e: {  	s12 =	simm.s32 $0x80;
	s0 =	sadd.s32 $0x84F600, s0;
	[dreg:$0x4] =	wrdreg s6  }
0x1f: {  	s1 =	simm.s32 $0x780;
	s8 =	sshrl.u32 s8, $0x3;
	[dreg:$0x14] =	wrdreg s0  }
0x20: {  	s5 =	simm.s32 $0xF80;
	s0 =	simm.s32 $0xF00;
	[dreg:$0x16] =	wrdreg s8  }
.LBB2_1:
0x21: {  	[dreg:$0x17] =	wrdreg s9  }
0x22: {  	s6 =	rddreg [dreg:$0x12]  }
0x23: {  	[spmem:s8], [sflag:s7] =	dma.local [hbm:s6], $0x2780  }
0x24: {  	_ =	swait.ge [sflag:s10], $0x2780  }
0x25: {  	[sflag:s10] =	ssyncset.done $0x0  }
0x26: {  	[sflag:s10] =	ssyncadd.s32 $0xFFFFD880  }
0x27: {  	[bflag:$0x0] =	sbarrier.arrive $0xFFFF  }
0x28: {  	s7 =	rddreg [dreg:$0x4]  }
0x29: {  	s6 =	sadd.s32 $0x0, s7  }
0x2a: {  	[tilespmem:s3], [sflag:$0x3] =	stream.linear.gather [hbm4b:s6+s3], $0x800, $0x38;
	[tilespmem:$0x1CC00] =	vst v63  }
0x2b: {  	_ =	swait.ge [sflag:s10], $0x800  }
0x2c: {  	s8 =	rddreg [dreg:$0x5];
	[sflag:s10] =	ssyncset.done $0x0  }
0x2d: {  	[sflag:s10] =	ssyncadd.s32 $0xFFFFF800;
	s6 =	sadd.s32 $0x0, s8  }
0x2e: {  	[tilespmem:s11], [sflag:$0x3] =	stream.linear.gather [hbm4b:s6+s3], $0x800, $0x38;
	[tilespmem:$0x1CC00] =	vst v63  }
0x2f: {  	_ =	swait.ge [sflag:s10], $0x800  }
0x30: {  	[sflag:s10] =	ssyncset.done $0x0  }
0x31: {  	[sflag:s10] =	ssyncadd.s32 $0xFFFFF800  }
0x32: {  	[tilespmem:s13], [sflag:$0x1] =	stream.indirect.gather [hbm4b:s4+s12], $0x80, s3, s12, $0xb8;
	[tilespmem:$0x1CC00] =	vst v63  }
0x33: {  	_ =	swait.ge [sflag:s14], $0x4000  }
0x34: {  	[sflag:s14] =	ssyncset.done $0x0  }
0x35: {  	[sflag:s14] =	ssyncadd.s32 $0xFFFFC000  }
0x36: {  	[tilespmem:s15], [sflag:$0x2] =	stream.indirect.gather [hbm4b:s4+s12], $0x80, s12, s12, $0xb8;
	[tilespmem:$0x1CC00] =	vst v63  }
0x37: {  	_ = 	snop  }
0x38: {  	[spmem:s2] =	stream.indirect.scatter.add.f32 [tilespmem:s13], [sflag:$0x3], $0x80, s11, s12, $0xb8;
	[tilespmem:$0x1CC00] =	vst v63  }
0x39: {  	_ =	swait.ge [sflag:s10], $0x4000  }
0x3a: {  	[sflag:s10] =	ssyncset.done $0x0  }
0x3b: {  	[sflag:s10] =	ssyncadd.s32 $0xFFFFC000  }
0x3c: {  	_ =	swait.ge [sflag:s16], $0x4000  }
0x3d: {  	[sflag:s16] =	ssyncset.done $0x0  }
0x3e: {  	s9 =	rddreg [dreg:$0x6];
	[sflag:s16] =	ssyncadd.s32 $0xFFFFC000  }
0x3f: {  	[tilespmem:s13], [sflag:$0x1] =	stream.indirect.gather [hbm4b:s4+s12], $0x80, s9, s12, $0xb8;
	[tilespmem:$0x1CC00] =	vst v63  }
0x40: {  	s7 =	rddreg [dreg:$0x7]  }
0x41: {  	[spmem:s2] =	stream.indirect.scatter.add.f32 [tilespmem:s15], [sflag:$0x3], $0x80, s7, s12, $0xb8;
	[tilespmem:$0x1CC00] =	vst v63  }
0x42: {  	_ =	swait.ge [sflag:s10], $0x4000  }
0x43: {  	[sflag:s10] =	ssyncset.done $0x0  }
0x44: {  	[sflag:s10] =	ssyncadd.s32 $0xFFFFC000  }
0x45: {  	_ =	swait.ge [sflag:s14], $0x4000  }
0x46: {  	[sflag:s14] =	ssyncset.done $0x0  }
0x47: {  	s9 =	rddreg [dreg:$0x8];
	[sflag:s14] =	ssyncadd.s32 $0xFFFFC000  }
0x48: {  	[tilespmem:s15], [sflag:$0x2] =	stream.indirect.gather [hbm4b:s4+s12], $0x80, s9, s12, $0xb8;
	[tilespmem:$0x1CC00] =	vst v63  }
0x49: {  	s7 =	rddreg [dreg:$0x9]  }
0x4a: {  	[spmem:s2] =	stream.indirect.scatter.add.f32 [tilespmem:s13], [sflag:$0x3], $0x80, s7, s12, $0xb8;
	[tilespmem:$0x1CC00] =	vst v63  }
0x4b: {  	_ =	swait.ge [sflag:s10], $0x4000  }
0x4c: {  	[sflag:s10] =	ssyncset.done $0x0  }
0x4d: {  	[sflag:s10] =	ssyncadd.s32 $0xFFFFC000  }
0x4e: {  	_ =	swait.ge [sflag:s16], $0x4000  }
0x4f: {  	[sflag:s16] =	ssyncset.done $0x0  }
0x50: {  	s9 =	rddreg [dreg:$0xa];
	[sflag:s16] =	ssyncadd.s32 $0xFFFFC000  }
0x51: {  	[tilespmem:s13], [sflag:$0x1] =	stream.indirect.gather [hbm4b:s4+s12], $0x80, s9, s12, $0xb8;
	[tilespmem:$0x1CC00] =	vst v63  }
0x52: {  	s7 =	rddreg [dreg:$0xb]  }
0x53: {  	[spmem:s2] =	stream.indirect.scatter.add.f32 [tilespmem:s15], [sflag:$0x3], $0x80, s7, s12, $0xb8;
	[tilespmem:$0x1CC00] =	vst v63  }
0x54: {  	_ =	swait.ge [sflag:s10], $0x4000  }
0x55: {  	[sflag:s10] =	ssyncset.done $0x0  }
0x56: {  	[sflag:s10] =	ssyncadd.s32 $0xFFFFC000  }
0x57: {  	_ =	swait.ge [sflag:s14], $0x4000  }
0x58: {  	[sflag:s14] =	ssyncset.done $0x0  }
0x59: {  	s9 =	rddreg [dreg:$0xc];
	[sflag:s14] =	ssyncadd.s32 $0xFFFFC000  }
0x5a: {  	[tilespmem:s15], [sflag:$0x2] =	stream.indirect.gather [hbm4b:s4+s12], $0x80, s9, s12, $0xb8;
	[tilespmem:$0x1CC00] =	vst v63  }
0x5b: {  	s7 =	rddreg [dreg:$0xd]  }
0x5c: {  	[spmem:s2] =	stream.indirect.scatter.add.f32 [tilespmem:s13], [sflag:$0x3], $0x80, s7, s12, $0xb8;
	[tilespmem:$0x1CC00] =	vst v63  }
0x5d: {  	_ =	swait.ge [sflag:s10], $0x4000  }
0x5e: {  	[sflag:s10] =	ssyncset.done $0x0  }
0x5f: {  	[sflag:s10] =	ssyncadd.s32 $0xFFFFC000  }
0x60: {  	_ =	swait.ge [sflag:s16], $0x4000  }
0x61: {  	[sflag:s16] =	ssyncset.done $0x0  }
0x62: {  	s9 =	rddreg [dreg:$0xe];
	[sflag:s16] =	ssyncadd.s32 $0xFFFFC000  }
0x63: {  	[tilespmem:s13], [sflag:$0x1] =	stream.indirect.gather [hbm4b:s4+s12], $0x80, s9, s12, $0xb8;
	[tilespmem:$0x1CC00] =	vst v63  }
0x64: {  	s7 =	rddreg [dreg:$0xf]  }
0x65: {  	[spmem:s2] =	stream.indirect.scatter.add.f32 [tilespmem:s15], [sflag:$0x3], $0x80, s7, s12, $0xb8;
	[tilespmem:$0x1CC00] =	vst v63  }
0x66: {  	_ =	swait.ge [sflag:s10], $0x4000  }
0x67: {  	[sflag:s10] =	ssyncset.done $0x0  }
0x68: {  	[sflag:s10] =	ssyncadd.s32 $0xFFFFC000  }
0x69: {  	_ =	swait.ge [sflag:s14], $0x4000  }
0x6a: {  	[sflag:s14] =	ssyncset.done $0x0  }
0x6b: {  	s8 =	rddreg [dreg:$0x10];
	[sflag:s14] =	ssyncadd.s32 $0xFFFFC000  }
0x6c: {  	[tilespmem:s15], [sflag:$0x2] =	stream.indirect.gather [hbm4b:s4+s12], $0x80, s8, s12, $0xb8;
	[tilespmem:$0x1CC00] =	vst v63  }
0x6d: {  	s9 =	rddreg [dreg:$0x11]  }
0x6e: {  	[spmem:s2] =	stream.indirect.scatter.add.f32 [tilespmem:s13], [sflag:$0x3], $0x80, s9, s12, $0xb8;
	[tilespmem:$0x1CC00] =	vst v63  }
0x6f: {  	_ =	swait.ge [sflag:s10], $0x4000  }
0x70: {  	[sflag:s10] =	ssyncset.done $0x0  }
0x71: {  	[sflag:s10] =	ssyncadd.s32 $0xFFFFC000  }
0x72: {  	_ =	swait.ge [sflag:s16], $0x4000  }
0x73: {  	[sflag:s16] =	ssyncset.done $0x0  }
0x74: {  	[sflag:s16] =	ssyncadd.s32 $0xFFFFC000  }
0x75: {  	[tilespmem:s13], [sflag:$0x1] =	stream.indirect.gather [hbm4b:s4+s12], $0x80, s17, s12, $0xb8;
	[tilespmem:$0x1CC00] =	vst v63  }
0x76: {  	_ = 	snop  }
0x77: {  	[spmem:s2] =	stream.indirect.scatter.add.f32 [tilespmem:s15], [sflag:$0x3], $0x80, s18, s12, $0xb8;
	[tilespmem:$0x1CC00] =	vst v63  }
0x78: {  	_ =	swait.ge [sflag:s10], $0x4000  }
0x79: {  	[sflag:s10] =	ssyncset.done $0x0  }
0x7a: {  	[sflag:s10] =	ssyncadd.s32 $0xFFFFC000  }
0x7b: {  	_ =	swait.ge [sflag:s14], $0x4000  }
0x7c: {  	[sflag:s14] =	ssyncset.done $0x0  }
0x7d: {  	[sflag:s14] =	ssyncadd.s32 $0xFFFFC000  }
0x7e: {  	[tilespmem:s15], [sflag:$0x2] =	stream.indirect.gather [hbm4b:s4+s12], $0x80, s19, s12, $0xb8;
	[tilespmem:$0x1CC00] =	vst v63  }
0x7f: {  	_ = 	snop  }
0x80: {  	[spmem:s2] =	stream.indirect.scatter.add.f32 [tilespmem:s13], [sflag:$0x3], $0x80, s20, s12, $0xb8;
	[tilespmem:$0x1CC00] =	vst v63  }
0x81: {  	_ =	swait.ge [sflag:s10], $0x4000  }
0x82: {  	[sflag:s10] =	ssyncset.done $0x0  }
0x83: {  	[sflag:s10] =	ssyncadd.s32 $0xFFFFC000  }
0x84: {  	_ =	swait.ge [sflag:s16], $0x4000  }
0x85: {  	[sflag:s16] =	ssyncset.done $0x0  }
0x86: {  	[sflag:s16] =	ssyncadd.s32 $0xFFFFC000  }
0x87: {  	[tilespmem:s13], [sflag:$0x1] =	stream.indirect.gather [hbm4b:s4+s12], $0x80, s21, s12, $0xb8;
	[tilespmem:$0x1CC00] =	vst v63  }
0x88: {  	_ = 	snop  }
0x89: {  	[spmem:s2] =	stream.indirect.scatter.add.f32 [tilespmem:s15], [sflag:$0x3], $0x80, s22, s12, $0xb8;
	[tilespmem:$0x1CC00] =	vst v63  }
0x8a: {  	_ =	swait.ge [sflag:s10], $0x4000  }
0x8b: {  	[sflag:s10] =	ssyncset.done $0x0  }
0x8c: {  	[sflag:s10] =	ssyncadd.s32 $0xFFFFC000  }
0x8d: {  	_ =	swait.ge [sflag:s14], $0x4000  }
0x8e: {  	[sflag:s14] =	ssyncset.done $0x0  }
0x8f: {  	[sflag:s14] =	ssyncadd.s32 $0xFFFFC000  }
0x90: {  	[tilespmem:s15], [sflag:$0x2] =	stream.indirect.gather [hbm4b:s4+s12], $0x80, s23, s12, $0xb8;
	[tilespmem:$0x1CC00] =	vst v63  }
0x91: {  	_ = 	snop  }
0x92: {  	[spmem:s2] =	stream.indirect.scatter.add.f32 [tilespmem:s13], [sflag:$0x3], $0x80, s24, s12, $0xb8;
	[tilespmem:$0x1CC00] =	vst v63  }
0x93: {  	_ =	swait.ge [sflag:s10], $0x4000  }
0x94: {  	[sflag:s10] =	ssyncset.done $0x0  }
0x95: {  	[sflag:s10] =	ssyncadd.s32 $0xFFFFC000  }
0x96: {  	_ =	swait.ge [sflag:s16], $0x4000  }
0x97: {  	[sflag:s16] =	ssyncset.done $0x0  }
0x98: {  	[sflag:s16] =	ssyncadd.s32 $0xFFFFC000  }
0x99: {  	[tilespmem:s13], [sflag:$0x1] =	stream.indirect.gather [hbm4b:s4+s12], $0x80, s25, s12, $0xb8;
	[tilespmem:$0x1CC00] =	vst v63  }
0x9a: {  	_ = 	snop  }
0x9b: {  	[spmem:s2] =	stream.indirect.scatter.add.f32 [tilespmem:s15], [sflag:$0x3], $0x80, s26, s12, $0xb8;
	[tilespmem:$0x1CC00] =	vst v63  }
0x9c: {  	_ =	swait.ge [sflag:s10], $0x4000  }
0x9d: {  	[sflag:s10] =	ssyncset.done $0x0  }
0x9e: {  	[sflag:s10] =	ssyncadd.s32 $0xFFFFC000  }
0x9f: {  	_ =	swait.ge [sflag:s14], $0x4000  }
0xa0: {  	[sflag:s14] =	ssyncset.done $0x0  }
0xa1: {  	[sflag:s14] =	ssyncadd.s32 $0xFFFFC000  }
0xa2: {  	[tilespmem:s15], [sflag:$0x2] =	stream.indirect.gather [hbm4b:s4+s12], $0x80, s28, s12, $0xb8;
	[tilespmem:$0x1CC00] =	vst v63  }
0xa3: {  	_ = 	snop  }
0xa4: {  	[spmem:s2] =	stream.indirect.scatter.add.f32 [tilespmem:s13], [sflag:$0x3], $0x80, s29, s12, $0xb8;
	[tilespmem:$0x1CC00] =	vst v63  }
0xa5: {  	_ =	swait.ge [sflag:s10], $0x4000  }
0xa6: {  	[sflag:s10] =	ssyncset.done $0x0  }
0xa7: {  	[sflag:s10] =	ssyncadd.s32 $0xFFFFC000  }
0xa8: {  	_ =	swait.ge [sflag:s16], $0x4000  }
0xa9: {  	[sflag:s16] =	ssyncset.done $0x0  }
0xaa: {  	[sflag:s16] =	ssyncadd.s32 $0xFFFFC000  }
0xab: {  	[tilespmem:s13], [sflag:$0x1] =	stream.indirect.gather [hbm4b:s4+s12], $0x80, s30, s12, $0xb8;
	[tilespmem:$0x1CC00] =	vst v63  }
0xac: {  	_ = 	snop  }
0xad: {  	[spmem:s2] =	stream.indirect.scatter.add.f32 [tilespmem:s15], [sflag:$0x3], $0x80, s31, s12, $0xb8;
	[tilespmem:$0x1CC00] =	vst v63  }
0xae: {  	_ =	swait.ge [sflag:s10], $0x4000  }
0xaf: {  	[sflag:s10] =	ssyncset.done $0x0  }
0xb0: {  	[sflag:s10] =	ssyncadd.s32 $0xFFFFC000  }
0xb1: {  	_ =	swait.ge [sflag:s14], $0x4000  }
0xb2: {  	[sflag:s14] =	ssyncset.done $0x0  }
0xb3: {  	[sflag:s14] =	ssyncadd.s32 $0xFFFFC000  }
0xb4: {  	[tilespmem:s15], [sflag:$0x2] =	stream.indirect.gather [hbm4b:s4+s12], $0x80, s1, s12, $0xb8;
	[tilespmem:$0x1CC00] =	vst v63  }
0xb5: {  	_ = 	snop  }
0xb6: {  	[spmem:s2] =	stream.indirect.scatter.add.f32 [tilespmem:s13], [sflag:$0x3], $0x80, s0, s12, $0xb8;
	[tilespmem:$0x1CC00] =	vst v63  }
0xb7: {  	_ =	swait.ge [sflag:s10], $0x4000  }
0xb8: {  	[sflag:s10] =	ssyncset.done $0x0  }
0xb9: {  	[sflag:s10] =	ssyncadd.s32 $0xFFFFC000  }
0xba: {  	_ =	swait.ge [sflag:s16], $0x4000  }
0xbb: {  	[sflag:s16] =	ssyncset.done $0x0  }
0xbc: {  	[sflag:s16] =	ssyncadd.s32 $0xFFFFC000  }
0xbd: {  	[spmem:s2] =	stream.indirect.scatter.add.f32 [tilespmem:s15], [sflag:$0x3], $0x80, s5, s12, $0xb8;
	[tilespmem:$0x1CC00] =	vst v63  }
0xbe: {  	s6 =	simm.s32 $0x200;
	_ =	swait.ge [sflag:s10], $0x4000  }
0xbf: {  	s8 =	simm.s32 $0x100;
	s9 =	rddreg [dreg:$0x4];
	[sflag:s10] =	ssyncset.done $0x0  }
.LBB2_2:
0xc0: {  	[sflag:s10] =	ssyncadd.s32 $0xFFFFC000;
	s9 =	sadd.s32 s8, s9  }
0xc1: {  	[tilespmem:s3], [sflag:$0x3] =	stream.linear.gather [hbm4b:s9+s3], $0x800, $0x38;
	[tilespmem:$0x1CC00] =	vst v63  }
0xc2: {  	_ =	swait.ge [sflag:s10], $0x800  }
0xc3: {  	s9 =	rddreg [dreg:$0x5];
	[sflag:s10] =	ssyncset.done $0x0  }
0xc4: {  	[sflag:s10] =	ssyncadd.s32 $0xFFFFF800;
	s9 =	sadd.s32 s8, s9  }
0xc5: {  	[tilespmem:s11], [sflag:$0x3] =	stream.linear.gather [hbm4b:s9+s3], $0x800, $0x38;
	[tilespmem:$0x1CC00] =	vst v63  }
0xc6: {  	_ =	swait.ge [sflag:s10], $0x800  }
0xc7: {  	[sflag:s10] =	ssyncset.done $0x0  }
0xc8: {  	[sflag:s10] =	ssyncadd.s32 $0xFFFFF800  }
0xc9: {  	[tilespmem:s13], [sflag:$0x1] =	stream.indirect.gather [hbm4b:s4+s12], $0x80, s3, s12, $0xb8;
	[tilespmem:$0x1CC00] =	vst v63  }
0xca: {  	_ =	swait.ge [sflag:s14], $0x4000  }
0xcb: {  	[sflag:s14] =	ssyncset.done $0x0  }
0xcc: {  	[sflag:s14] =	ssyncadd.s32 $0xFFFFC000  }
0xcd: {  	[tilespmem:s15], [sflag:$0x2] =	stream.indirect.gather [hbm4b:s4+s12], $0x80, s12, s12, $0xb8;
	[tilespmem:$0x1CC00] =	vst v63  }
0xce: {  	_ = 	snop  }
0xcf: {  	[spmem:s2] =	stream.indirect.scatter.add.f32 [tilespmem:s13], [sflag:$0x3], $0x80, s11, s12, $0xb8;
	[tilespmem:$0x1CC00] =	vst v63  }
0xd0: {  	_ =	swait.ge [sflag:s10], $0x4000  }
0xd1: {  	[sflag:s10] =	ssyncset.done $0x0  }
0xd2: {  	[sflag:s10] =	ssyncadd.s32 $0xFFFFC000  }
0xd3: {  	_ =	swait.ge [sflag:s16], $0x4000  }
0xd4: {  	s7 =	smov.u32 s6;
	[sflag:s16] =	ssyncset.done $0x0  }
0xd5: {  	s8 =	smov.u32 s7;
	s7 =	rddreg [dreg:$0x6];
	[sflag:s16] =	ssyncadd.s32 $0xFFFFC000  }
0xd6: {  	[tilespmem:s13], [sflag:$0x1] =	stream.indirect.gather [hbm4b:s4+s12], $0x80, s7, s12, $0xb8;
	[tilespmem:$0x1CC00] =	vst v63  }
0xd7: {  	s9 =	rddreg [dreg:$0x7]  }
0xd8: {  	[spmem:s2] =	stream.indirect.scatter.add.f32 [tilespmem:s15], [sflag:$0x3], $0x80, s9, s12, $0xb8;
	[tilespmem:$0x1CC00] =	vst v63  }
0xd9: {  	_ =	swait.ge [sflag:s10], $0x4000  }
0xda: {  	[sflag:s10] =	ssyncset.done $0x0  }
0xdb: {  	[sflag:s10] =	ssyncadd.s32 $0xFFFFC000  }
0xdc: {  	_ =	swait.ge [sflag:s14], $0x4000  }
0xdd: {  	[sflag:s14] =	ssyncset.done $0x0  }
0xde: {  	s7 =	rddreg [dreg:$0x8];
	[sflag:s14] =	ssyncadd.s32 $0xFFFFC000  }
0xdf: {  	[tilespmem:s15], [sflag:$0x2] =	stream.indirect.gather [hbm4b:s4+s12], $0x80, s7, s12, $0xb8;
	[tilespmem:$0x1CC00] =	vst v63  }
0xe0: {  	s9 =	rddreg [dreg:$0x9]  }
0xe1: {  	[spmem:s2] =	stream.indirect.scatter.add.f32 [tilespmem:s13], [sflag:$0x3], $0x80, s9, s12, $0xb8;
	[tilespmem:$0x1CC00] =	vst v63  }
0xe2: {  	_ =	swait.ge [sflag:s10], $0x4000  }
0xe3: {  	[sflag:s10] =	ssyncset.done $0x0  }
0xe4: {  	[sflag:s10] =	ssyncadd.s32 $0xFFFFC000  }
0xe5: {  	_ =	swait.ge [sflag:s16], $0x4000  }
0xe6: {  	[sflag:s16] =	ssyncset.done $0x0  }
0xe7: {  	s7 =	rddreg [dreg:$0xa];
	[sflag:s16] =	ssyncadd.s32 $0xFFFFC000  }
0xe8: {  	[tilespmem:s13], [sflag:$0x1] =	stream.indirect.gather [hbm4b:s4+s12], $0x80, s7, s12, $0xb8;
	[tilespmem:$0x1CC00] =	vst v63  }
0xe9: {  	s9 =	rddreg [dreg:$0xb]  }
0xea: {  	[spmem:s2] =	stream.indirect.scatter.add.f32 [tilespmem:s15], [sflag:$0x3], $0x80, s9, s12, $0xb8;
	[tilespmem:$0x1CC00] =	vst v63  }
0xeb: {  	_ =	swait.ge [sflag:s10], $0x4000  }
0xec: {  	[sflag:s10] =	ssyncset.done $0x0  }
0xed: {  	[sflag:s10] =	ssyncadd.s32 $0xFFFFC000  }
0xee: {  	_ =	swait.ge [sflag:s14], $0x4000  }
0xef: {  	[sflag:s14] =	ssyncset.done $0x0  }
0xf0: {  	s7 =	rddreg [dreg:$0xc];
	[sflag:s14] =	ssyncadd.s32 $0xFFFFC000  }
0xf1: {  	[tilespmem:s15], [sflag:$0x2] =	stream.indirect.gather [hbm4b:s4+s12], $0x80, s7, s12, $0xb8;
	[tilespmem:$0x1CC00] =	vst v63  }
0xf2: {  	s9 =	rddreg [dreg:$0xd]  }
0xf3: {  	[spmem:s2] =	stream.indirect.scatter.add.f32 [tilespmem:s13], [sflag:$0x3], $0x80, s9, s12, $0xb8;
	[tilespmem:$0x1CC00] =	vst v63  }
0xf4: {  	_ =	swait.ge [sflag:s10], $0x4000  }
0xf5: {  	[sflag:s10] =	ssyncset.done $0x0  }
0xf6: {  	[sflag:s10] =	ssyncadd.s32 $0xFFFFC000  }
0xf7: {  	_ =	swait.ge [sflag:s16], $0x4000  }
0xf8: {  	[sflag:s16] =	ssyncset.done $0x0  }
0xf9: {  	s7 =	rddreg [dreg:$0xe];
	[sflag:s16] =	ssyncadd.s32 $0xFFFFC000  }
0xfa: {  	[tilespmem:s13], [sflag:$0x1] =	stream.indirect.gather [hbm4b:s4+s12], $0x80, s7, s12, $0xb8;
	[tilespmem:$0x1CC00] =	vst v63  }
0xfb: {  	s9 =	rddreg [dreg:$0xf]  }
0xfc: {  	[spmem:s2] =	stream.indirect.scatter.add.f32 [tilespmem:s15], [sflag:$0x3], $0x80, s9, s12, $0xb8;
	[tilespmem:$0x1CC00] =	vst v63  }
0xfd: {  	_ =	swait.ge [sflag:s10], $0x4000  }
0xfe: {  	[sflag:s10] =	ssyncset.done $0x0  }
0xff: {  	[sflag:s10] =	ssyncadd.s32 $0xFFFFC000  }
0x100: {  	_ =	swait.ge [sflag:s14], $0x4000  }
0x101: {  	[sflag:s14] =	ssyncset.done $0x0  }
0x102: {  	s7 =	rddreg [dreg:$0x10];
	[sflag:s14] =	ssyncadd.s32 $0xFFFFC000  }
0x103: {  	[tilespmem:s15], [sflag:$0x2] =	stream.indirect.gather [hbm4b:s4+s12], $0x80, s7, s12, $0xb8;
	[tilespmem:$0x1CC00] =	vst v63  }
0x104: {  	s9 =	rddreg [dreg:$0x11]  }
0x105: {  	[spmem:s2] =	stream.indirect.scatter.add.f32 [tilespmem:s13], [sflag:$0x3], $0x80, s9, s12, $0xb8;
	[tilespmem:$0x1CC00] =	vst v63  }
0x106: {  	_ =	swait.ge [sflag:s10], $0x4000  }
0x107: {  	[sflag:s10] =	ssyncset.done $0x0  }
0x108: {  	[sflag:s10] =	ssyncadd.s32 $0xFFFFC000  }
0x109: {  	_ =	swait.ge [sflag:s16], $0x4000  }
0x10a: {  	[sflag:s16] =	ssyncset.done $0x0  }
0x10b: {  	[sflag:s16] =	ssyncadd.s32 $0xFFFFC000  }
0x10c: {  	[tilespmem:s13], [sflag:$0x1] =	stream.indirect.gather [hbm4b:s4+s12], $0x80, s17, s12, $0xb8;
	[tilespmem:$0x1CC00] =	vst v63  }
0x10d: {  	_ = 	snop  }
0x10e: {  	[spmem:s2] =	stream.indirect.scatter.add.f32 [tilespmem:s15], [sflag:$0x3], $0x80, s18, s12, $0xb8;
	[tilespmem:$0x1CC00] =	vst v63  }
0x10f: {  	_ =	swait.ge [sflag:s10], $0x4000  }
0x110: {  	[sflag:s10] =	ssyncset.done $0x0  }
0x111: {  	[sflag:s10] =	ssyncadd.s32 $0xFFFFC000  }
0x112: {  	_ =	swait.ge [sflag:s14], $0x4000  }
0x113: {  	[sflag:s14] =	ssyncset.done $0x0  }
0x114: {  	[sflag:s14] =	ssyncadd.s32 $0xFFFFC000  }
0x115: {  	[tilespmem:s15], [sflag:$0x2] =	stream.indirect.gather [hbm4b:s4+s12], $0x80, s19, s12, $0xb8;
	[tilespmem:$0x1CC00] =	vst v63  }
0x116: {  	_ = 	snop  }
0x117: {  	[spmem:s2] =	stream.indirect.scatter.add.f32 [tilespmem:s13], [sflag:$0x3], $0x80, s20, s12, $0xb8;
	[tilespmem:$0x1CC00] =	vst v63  }
0x118: {  	_ =	swait.ge [sflag:s10], $0x4000  }
0x119: {  	[sflag:s10] =	ssyncset.done $0x0  }
0x11a: {  	[sflag:s10] =	ssyncadd.s32 $0xFFFFC000  }
0x11b: {  	_ =	swait.ge [sflag:s16], $0x4000  }
0x11c: {  	[sflag:s16] =	ssyncset.done $0x0  }
0x11d: {  	[sflag:s16] =	ssyncadd.s32 $0xFFFFC000  }
0x11e: {  	[tilespmem:s13], [sflag:$0x1] =	stream.indirect.gather [hbm4b:s4+s12], $0x80, s21, s12, $0xb8;
	[tilespmem:$0x1CC00] =	vst v63  }
0x11f: {  	_ = 	snop  }
0x120: {  	[spmem:s2] =	stream.indirect.scatter.add.f32 [tilespmem:s15], [sflag:$0x3], $0x80, s22, s12, $0xb8;
	[tilespmem:$0x1CC00] =	vst v63  }
0x121: {  	_ =	swait.ge [sflag:s10], $0x4000  }
0x122: {  	[sflag:s10] =	ssyncset.done $0x0  }
0x123: {  	[sflag:s10] =	ssyncadd.s32 $0xFFFFC000  }
0x124: {  	_ =	swait.ge [sflag:s14], $0x4000  }
0x125: {  	[sflag:s14] =	ssyncset.done $0x0  }
0x126: {  	[sflag:s14] =	ssyncadd.s32 $0xFFFFC000  }
0x127: {  	[tilespmem:s15], [sflag:$0x2] =	stream.indirect.gather [hbm4b:s4+s12], $0x80, s23, s12, $0xb8;
	[tilespmem:$0x1CC00] =	vst v63  }
0x128: {  	_ = 	snop  }
0x129: {  	[spmem:s2] =	stream.indirect.scatter.add.f32 [tilespmem:s13], [sflag:$0x3], $0x80, s24, s12, $0xb8;
	[tilespmem:$0x1CC00] =	vst v63  }
0x12a: {  	_ =	swait.ge [sflag:s10], $0x4000  }
0x12b: {  	[sflag:s10] =	ssyncset.done $0x0  }
0x12c: {  	[sflag:s10] =	ssyncadd.s32 $0xFFFFC000  }
0x12d: {  	_ =	swait.ge [sflag:s16], $0x4000  }
0x12e: {  	[sflag:s16] =	ssyncset.done $0x0  }
0x12f: {  	[sflag:s16] =	ssyncadd.s32 $0xFFFFC000  }
0x130: {  	[tilespmem:s13], [sflag:$0x1] =	stream.indirect.gather [hbm4b:s4+s12], $0x80, s25, s12, $0xb8;
	[tilespmem:$0x1CC00] =	vst v63  }
0x131: {  	_ = 	snop  }
0x132: {  	[spmem:s2] =	stream.indirect.scatter.add.f32 [tilespmem:s15], [sflag:$0x3], $0x80, s26, s12, $0xb8;
	[tilespmem:$0x1CC00] =	vst v63  }
0x133: {  	_ =	swait.ge [sflag:s10], $0x4000  }
0x134: {  	[sflag:s10] =	ssyncset.done $0x0  }
0x135: {  	[sflag:s10] =	ssyncadd.s32 $0xFFFFC000  }
0x136: {  	_ =	swait.ge [sflag:s14], $0x4000  }
0x137: {  	[sflag:s14] =	ssyncset.done $0x0  }
0x138: {  	[sflag:s14] =	ssyncadd.s32 $0xFFFFC000  }
0x139: {  	[tilespmem:s15], [sflag:$0x2] =	stream.indirect.gather [hbm4b:s4+s12], $0x80, s28, s12, $0xb8;
	[tilespmem:$0x1CC00] =	vst v63  }
0x13a: {  	_ = 	snop  }
0x13b: {  	[spmem:s2] =	stream.indirect.scatter.add.f32 [tilespmem:s13], [sflag:$0x3], $0x80, s29, s12, $0xb8;
	[tilespmem:$0x1CC00] =	vst v63  }
0x13c: {  	_ =	swait.ge [sflag:s10], $0x4000  }
0x13d: {  	[sflag:s10] =	ssyncset.done $0x0  }
0x13e: {  	[sflag:s10] =	ssyncadd.s32 $0xFFFFC000  }
0x13f: {  	_ =	swait.ge [sflag:s16], $0x4000  }
0x140: {  	[sflag:s16] =	ssyncset.done $0x0  }
0x141: {  	[sflag:s16] =	ssyncadd.s32 $0xFFFFC000  }
0x142: {  	[tilespmem:s13], [sflag:$0x1] =	stream.indirect.gather [hbm4b:s4+s12], $0x80, s30, s12, $0xb8;
	[tilespmem:$0x1CC00] =	vst v63  }
0x143: {  	_ = 	snop  }
0x144: {  	[spmem:s2] =	stream.indirect.scatter.add.f32 [tilespmem:s15], [sflag:$0x3], $0x80, s31, s12, $0xb8;
	[tilespmem:$0x1CC00] =	vst v63  }
0x145: {  	_ =	swait.ge [sflag:s10], $0x4000  }
0x146: {  	[sflag:s10] =	ssyncset.done $0x0  }
0x147: {  	[sflag:s10] =	ssyncadd.s32 $0xFFFFC000  }
0x148: {  	_ =	swait.ge [sflag:s14], $0x4000  }
0x149: {  	[sflag:s14] =	ssyncset.done $0x0  }
0x14a: {  	[sflag:s14] =	ssyncadd.s32 $0xFFFFC000  }
0x14b: {  	[tilespmem:s15], [sflag:$0x2] =	stream.indirect.gather [hbm4b:s4+s12], $0x80, s1, s12, $0xb8;
	[tilespmem:$0x1CC00] =	vst v63  }
0x14c: {  	_ = 	snop  }
0x14d: {  	[spmem:s2] =	stream.indirect.scatter.add.f32 [tilespmem:s13], [sflag:$0x3], $0x80, s0, s12, $0xb8;
	[tilespmem:$0x1CC00] =	vst v63  }
0x14e: {  	_ =	swait.ge [sflag:s10], $0x4000  }
0x14f: {  	[sflag:s10] =	ssyncset.done $0x0  }
0x150: {  	[sflag:s10] =	ssyncadd.s32 $0xFFFFC000  }
0x151: {  	p0 =	sne.s32 s6, $0x400;
	_ =	swait.ge [sflag:s16], $0x4000  }
.Ltmp0:
0x152: {  	[sflag:s16] =	ssyncset.done $0x0;
	(pc) =	sbr.rel @p0 .LBB2_2-.Ltmp0, $4  }
0x153: {  	[sflag:s16] =	ssyncadd.s32 $0xFFFFC000  }
0x154: {  	[spmem:s2] =	stream.indirect.scatter.add.f32 [tilespmem:s15], [sflag:$0x3], $0x80, s5, s12, $0xb8;
	[tilespmem:$0x1CC00] =	vst v63  }
0x155: {  	_ =	swait.ge [sflag:s10], $0x4000  }
0x156: {  	s6 =	sadd.s32 $0x100, s6;
	s9 =	rddreg [dreg:$0x4];
	[sflag:s10] =	ssyncset.done $0x0  }
0x157: {  	[sflag:s10] =	ssyncadd.s32 $0xFFFFC000;
	s6 =	sadd.s32 s8, s9  }
0x158: {  	[tilespmem:s3], [sflag:$0x3] =	stream.linear.gather [hbm4b:s6+s3], $0x800, $0x38;
	[tilespmem:$0x1CC00] =	vst v63  }
0x159: {  	_ =	swait.ge [sflag:s10], $0x800  }
0x15a: {  	s7 =	rddreg [dreg:$0x5];
	[sflag:s10] =	ssyncset.done $0x0  }
0x15b: {  	[sflag:s10] =	ssyncadd.s32 $0xFFFFF800;
	s6 =	sadd.s32 s8, s7  }
0x15c: {  	[tilespmem:s11], [sflag:$0x3] =	stream.linear.gather [hbm4b:s6+s3], $0x800, $0x38;
	[tilespmem:$0x1CC00] =	vst v63  }
0x15d: {  	_ =	swait.ge [sflag:s10], $0x800  }
0x15e: {  	[sflag:s10] =	ssyncset.done $0x0  }
0x15f: {  	[sflag:s10] =	ssyncadd.s32 $0xFFFFF800  }
0x160: {  	[tilespmem:s13], [sflag:$0x1] =	stream.indirect.gather [hbm4b:s4+s12], $0x80, s3, s12, $0xb8;
	[tilespmem:$0x1CC00] =	vst v63  }
0x161: {  	_ =	swait.ge [sflag:s14], $0x4000  }
0x162: {  	[sflag:s14] =	ssyncset.done $0x0  }
0x163: {  	[sflag:s14] =	ssyncadd.s32 $0xFFFFC000  }
0x164: {  	[tilespmem:s15], [sflag:$0x2] =	stream.indirect.gather [hbm4b:s4+s12], $0x80, s12, s12, $0xb8;
	[tilespmem:$0x1CC00] =	vst v63  }
0x165: {  	_ = 	snop  }
0x166: {  	[spmem:s2] =	stream.indirect.scatter.add.f32 [tilespmem:s13], [sflag:$0x3], $0x80, s11, s12, $0xb8;
	[tilespmem:$0x1CC00] =	vst v63  }
0x167: {  	_ =	swait.ge [sflag:s10], $0x4000  }
0x168: {  	[sflag:s10] =	ssyncset.done $0x0  }
0x169: {  	[sflag:s10] =	ssyncadd.s32 $0xFFFFC000  }
0x16a: {  	_ =	swait.ge [sflag:s16], $0x4000  }
0x16b: {  	[sflag:s16] =	ssyncset.done $0x0  }
0x16c: {  	s9 =	rddreg [dreg:$0x6];
	[sflag:s16] =	ssyncadd.s32 $0xFFFFC000  }
0x16d: {  	[tilespmem:s13], [sflag:$0x1] =	stream.indirect.gather [hbm4b:s4+s12], $0x80, s9, s12, $0xb8;
	[tilespmem:$0x1CC00] =	vst v63  }
0x16e: {  	s7 =	rddreg [dreg:$0x7]  }
0x16f: {  	[spmem:s2] =	stream.indirect.scatter.add.f32 [tilespmem:s15], [sflag:$0x3], $0x80, s7, s12, $0xb8;
	[tilespmem:$0x1CC00] =	vst v63  }
0x170: {  	_ =	swait.ge [sflag:s10], $0x4000  }
0x171: {  	[sflag:s10] =	ssyncset.done $0x0  }
0x172: {  	[sflag:s10] =	ssyncadd.s32 $0xFFFFC000  }
0x173: {  	_ =	swait.ge [sflag:s14], $0x4000  }
0x174: {  	[sflag:s14] =	ssyncset.done $0x0  }
0x175: {  	s8 =	rddreg [dreg:$0x8];
	[sflag:s14] =	ssyncadd.s32 $0xFFFFC000  }
0x176: {  	[tilespmem:s15], [sflag:$0x2] =	stream.indirect.gather [hbm4b:s4+s12], $0x80, s8, s12, $0xb8;
	[tilespmem:$0x1CC00] =	vst v63  }
0x177: {  	s9 =	rddreg [dreg:$0x9]  }
0x178: {  	[spmem:s2] =	stream.indirect.scatter.add.f32 [tilespmem:s13], [sflag:$0x3], $0x80, s9, s12, $0xb8;
	[tilespmem:$0x1CC00] =	vst v63  }
0x179: {  	_ =	swait.ge [sflag:s10], $0x4000  }
0x17a: {  	[sflag:s10] =	ssyncset.done $0x0  }
0x17b: {  	[sflag:s10] =	ssyncadd.s32 $0xFFFFC000  }
0x17c: {  	_ =	swait.ge [sflag:s16], $0x4000  }
0x17d: {  	[sflag:s16] =	ssyncset.done $0x0  }
0x17e: {  	s8 =	rddreg [dreg:$0xa];
	[sflag:s16] =	ssyncadd.s32 $0xFFFFC000  }
0x17f: {  	[tilespmem:s13], [sflag:$0x1] =	stream.indirect.gather [hbm4b:s4+s12], $0x80, s8, s12, $0xb8;
	[tilespmem:$0x1CC00] =	vst v63  }
0x180: {  	s9 =	rddreg [dreg:$0xb]  }
0x181: {  	[spmem:s2] =	stream.indirect.scatter.add.f32 [tilespmem:s15], [sflag:$0x3], $0x80, s9, s12, $0xb8;
	[tilespmem:$0x1CC00] =	vst v63  }
0x182: {  	_ =	swait.ge [sflag:s10], $0x4000  }
0x183: {  	[sflag:s10] =	ssyncset.done $0x0  }
0x184: {  	[sflag:s10] =	ssyncadd.s32 $0xFFFFC000  }
0x185: {  	_ =	swait.ge [sflag:s14], $0x4000  }
0x186: {  	[sflag:s14] =	ssyncset.done $0x0  }
0x187: {  	s8 =	rddreg [dreg:$0xc];
	[sflag:s14] =	ssyncadd.s32 $0xFFFFC000  }
0x188: {  	[tilespmem:s15], [sflag:$0x2] =	stream.indirect.gather [hbm4b:s4+s12], $0x80, s8, s12, $0xb8;
	[tilespmem:$0x1CC00] =	vst v63  }
0x189: {  	s9 =	rddreg [dreg:$0xd]  }
0x18a: {  	[spmem:s2] =	stream.indirect.scatter.add.f32 [tilespmem:s13], [sflag:$0x3], $0x80, s9, s12, $0xb8;
	[tilespmem:$0x1CC00] =	vst v63  }
0x18b: {  	_ =	swait.ge [sflag:s10], $0x4000  }
0x18c: {  	[sflag:s10] =	ssyncset.done $0x0  }
0x18d: {  	[sflag:s10] =	ssyncadd.s32 $0xFFFFC000  }
0x18e: {  	_ =	swait.ge [sflag:s16], $0x4000  }
0x18f: {  	[sflag:s16] =	ssyncset.done $0x0  }
0x190: {  	s8 =	rddreg [dreg:$0xe];
	[sflag:s16] =	ssyncadd.s32 $0xFFFFC000  }
0x191: {  	[tilespmem:s13], [sflag:$0x1] =	stream.indirect.gather [hbm4b:s4+s12], $0x80, s8, s12, $0xb8;
	[tilespmem:$0x1CC00] =	vst v63  }
0x192: {  	s9 =	rddreg [dreg:$0xf]  }
0x193: {  	[spmem:s2] =	stream.indirect.scatter.add.f32 [tilespmem:s15], [sflag:$0x3], $0x80, s9, s12, $0xb8;
	[tilespmem:$0x1CC00] =	vst v63  }
0x194: {  	_ =	swait.ge [sflag:s10], $0x4000  }
0x195: {  	[sflag:s10] =	ssyncset.done $0x0  }
0x196: {  	[sflag:s10] =	ssyncadd.s32 $0xFFFFC000  }
0x197: {  	_ =	swait.ge [sflag:s14], $0x4000  }
0x198: {  	[sflag:s14] =	ssyncset.done $0x0  }
0x199: {  	s7 =	rddreg [dreg:$0x10];
	[sflag:s14] =	ssyncadd.s32 $0xFFFFC000  }
0x19a: {  	[tilespmem:s15], [sflag:$0x2] =	stream.indirect.gather [hbm4b:s4+s12], $0x80, s7, s12, $0xb8;
	[tilespmem:$0x1CC00] =	vst v63  }
0x19b: {  	s8 =	rddreg [dreg:$0x11]  }
0x19c: {  	[spmem:s2] =	stream.indirect.scatter.add.f32 [tilespmem:s13], [sflag:$0x3], $0x80, s8, s12, $0xb8;
	[tilespmem:$0x1CC00] =	vst v63  }
0x19d: {  	_ =	swait.ge [sflag:s10], $0x4000  }
0x19e: {  	[sflag:s10] =	ssyncset.done $0x0  }
0x19f: {  	[sflag:s10] =	ssyncadd.s32 $0xFFFFC000  }
0x1a0: {  	_ =	swait.ge [sflag:s16], $0x4000  }
0x1a1: {  	[sflag:s16] =	ssyncset.done $0x0  }
0x1a2: {  	[sflag:s16] =	ssyncadd.s32 $0xFFFFC000  }
0x1a3: {  	[tilespmem:s13], [sflag:$0x1] =	stream.indirect.gather [hbm4b:s4+s12], $0x80, s17, s12, $0xb8;
	[tilespmem:$0x1CC00] =	vst v63  }
0x1a4: {  	_ = 	snop  }
0x1a5: {  	[spmem:s2] =	stream.indirect.scatter.add.f32 [tilespmem:s15], [sflag:$0x3], $0x80, s18, s12, $0xb8;
	[tilespmem:$0x1CC00] =	vst v63  }
0x1a6: {  	_ =	swait.ge [sflag:s10], $0x4000  }
0x1a7: {  	[sflag:s10] =	ssyncset.done $0x0  }
0x1a8: {  	[sflag:s10] =	ssyncadd.s32 $0xFFFFC000  }
0x1a9: {  	_ =	swait.ge [sflag:s14], $0x4000  }
0x1aa: {  	[sflag:s14] =	ssyncset.done $0x0  }
0x1ab: {  	[sflag:s14] =	ssyncadd.s32 $0xFFFFC000  }
0x1ac: {  	[tilespmem:s15], [sflag:$0x2] =	stream.indirect.gather [hbm4b:s4+s12], $0x80, s19, s12, $0xb8;
	[tilespmem:$0x1CC00] =	vst v63  }
0x1ad: {  	_ = 	snop  }
0x1ae: {  	[spmem:s2] =	stream.indirect.scatter.add.f32 [tilespmem:s13], [sflag:$0x3], $0x80, s20, s12, $0xb8;
	[tilespmem:$0x1CC00] =	vst v63  }
0x1af: {  	_ =	swait.ge [sflag:s10], $0x4000  }
0x1b0: {  	[sflag:s10] =	ssyncset.done $0x0  }
0x1b1: {  	[sflag:s10] =	ssyncadd.s32 $0xFFFFC000  }
0x1b2: {  	_ =	swait.ge [sflag:s16], $0x4000  }
0x1b3: {  	[sflag:s16] =	ssyncset.done $0x0  }
0x1b4: {  	[sflag:s16] =	ssyncadd.s32 $0xFFFFC000  }
0x1b5: {  	[tilespmem:s13], [sflag:$0x1] =	stream.indirect.gather [hbm4b:s4+s12], $0x80, s21, s12, $0xb8;
	[tilespmem:$0x1CC00] =	vst v63  }
0x1b6: {  	_ = 	snop  }
0x1b7: {  	[spmem:s2] =	stream.indirect.scatter.add.f32 [tilespmem:s15], [sflag:$0x3], $0x80, s22, s12, $0xb8;
	[tilespmem:$0x1CC00] =	vst v63  }
0x1b8: {  	_ =	swait.ge [sflag:s10], $0x4000  }
0x1b9: {  	[sflag:s10] =	ssyncset.done $0x0  }
0x1ba: {  	[sflag:s10] =	ssyncadd.s32 $0xFFFFC000  }
0x1bb: {  	_ =	swait.ge [sflag:s14], $0x4000  }
0x1bc: {  	[sflag:s14] =	ssyncset.done $0x0  }
0x1bd: {  	[sflag:s14] =	ssyncadd.s32 $0xFFFFC000  }
0x1be: {  	[tilespmem:s15], [sflag:$0x2] =	stream.indirect.gather [hbm4b:s4+s12], $0x80, s23, s12, $0xb8;
	[tilespmem:$0x1CC00] =	vst v63  }
0x1bf: {  	_ = 	snop  }
0x1c0: {  	[spmem:s2] =	stream.indirect.scatter.add.f32 [tilespmem:s13], [sflag:$0x3], $0x80, s24, s12, $0xb8;
	[tilespmem:$0x1CC00] =	vst v63  }
0x1c1: {  	_ =	swait.ge [sflag:s10], $0x4000  }
0x1c2: {  	[sflag:s10] =	ssyncset.done $0x0  }
0x1c3: {  	[sflag:s10] =	ssyncadd.s32 $0xFFFFC000  }
0x1c4: {  	_ =	swait.ge [sflag:s16], $0x4000  }
0x1c5: {  	[sflag:s16] =	ssyncset.done $0x0  }
0x1c6: {  	[sflag:s16] =	ssyncadd.s32 $0xFFFFC000  }
0x1c7: {  	[tilespmem:s13], [sflag:$0x1] =	stream.indirect.gather [hbm4b:s4+s12], $0x80, s25, s12, $0xb8;
	[tilespmem:$0x1CC00] =	vst v63  }
0x1c8: {  	_ = 	snop  }
0x1c9: {  	[spmem:s2] =	stream.indirect.scatter.add.f32 [tilespmem:s15], [sflag:$0x3], $0x80, s26, s12, $0xb8;
	[tilespmem:$0x1CC00] =	vst v63  }
0x1ca: {  	_ =	swait.ge [sflag:s10], $0x4000  }
0x1cb: {  	[sflag:s10] =	ssyncset.done $0x0  }
0x1cc: {  	[sflag:s10] =	ssyncadd.s32 $0xFFFFC000  }
0x1cd: {  	_ =	swait.ge [sflag:s14], $0x4000  }
0x1ce: {  	[sflag:s14] =	ssyncset.done $0x0  }
0x1cf: {  	[sflag:s14] =	ssyncadd.s32 $0xFFFFC000  }
0x1d0: {  	[tilespmem:s15], [sflag:$0x2] =	stream.indirect.gather [hbm4b:s4+s12], $0x80, s28, s12, $0xb8;
	[tilespmem:$0x1CC00] =	vst v63  }
0x1d1: {  	_ = 	snop  }
0x1d2: {  	[spmem:s2] =	stream.indirect.scatter.add.f32 [tilespmem:s13], [sflag:$0x3], $0x80, s29, s12, $0xb8;
	[tilespmem:$0x1CC00] =	vst v63  }
0x1d3: {  	_ =	swait.ge [sflag:s10], $0x4000  }
0x1d4: {  	[sflag:s10] =	ssyncset.done $0x0  }
0x1d5: {  	[sflag:s10] =	ssyncadd.s32 $0xFFFFC000  }
0x1d6: {  	_ =	swait.ge [sflag:s16], $0x4000  }
0x1d7: {  	[sflag:s16] =	ssyncset.done $0x0  }
0x1d8: {  	[sflag:s16] =	ssyncadd.s32 $0xFFFFC000  }
0x1d9: {  	[tilespmem:s13], [sflag:$0x1] =	stream.indirect.gather [hbm4b:s4+s12], $0x80, s30, s12, $0xb8;
	[tilespmem:$0x1CC00] =	vst v63  }
0x1da: {  	_ = 	snop  }
0x1db: {  	[spmem:s2] =	stream.indirect.scatter.add.f32 [tilespmem:s15], [sflag:$0x3], $0x80, s31, s12, $0xb8;
	[tilespmem:$0x1CC00] =	vst v63  }
0x1dc: {  	_ =	swait.ge [sflag:s10], $0x4000  }
0x1dd: {  	[sflag:s10] =	ssyncset.done $0x0  }
0x1de: {  	[sflag:s10] =	ssyncadd.s32 $0xFFFFC000  }
0x1df: {  	_ =	swait.ge [sflag:s14], $0x4000  }
0x1e0: {  	[sflag:s14] =	ssyncset.done $0x0  }
0x1e1: {  	[sflag:s14] =	ssyncadd.s32 $0xFFFFC000  }
0x1e2: {  	[tilespmem:s15], [sflag:$0x2] =	stream.indirect.gather [hbm4b:s4+s12], $0x80, s1, s12, $0xb8;
	[tilespmem:$0x1CC00] =	vst v63  }
0x1e3: {  	_ = 	snop  }
0x1e4: {  	[spmem:s2] =	stream.indirect.scatter.add.f32 [tilespmem:s13], [sflag:$0x3], $0x80, s0, s12, $0xb8;
	[tilespmem:$0x1CC00] =	vst v63  }
0x1e5: {  	_ =	swait.ge [sflag:s10], $0x4000  }
0x1e6: {  	[sflag:s10] =	ssyncset.done $0x0  }
0x1e7: {  	[sflag:s10] =	ssyncadd.s32 $0xFFFFC000  }
0x1e8: {  	_ =	swait.ge [sflag:s16], $0x4000  }
0x1e9: {  	[sflag:s16] =	ssyncset.done $0x0  }
0x1ea: {  	[sflag:s16] =	ssyncadd.s32 $0xFFFFC000  }
0x1eb: {  	[spmem:s2] =	stream.indirect.scatter.add.f32 [tilespmem:s15], [sflag:$0x3], $0x80, s5, s12, $0xb8;
	[tilespmem:$0x1CC00] =	vst v63  }
0x1ec: {  	_ =	swait.ge [sflag:s10], $0x4000  }
0x1ed: {  	[sflag:s10] =	ssyncset.done $0x0  }
0x1ee: {  	[sflag:s10] =	ssyncadd.s32 $0xFFFFC000  }
0x1ef: {  	[bflag:$0x0] =	sbarrier.arrive $0xFFFF  }
0x1f0: {  	s7 =	rddreg [dreg:$0x13]  }
0x1f1: {  	s9 =	rddreg [dreg:$0x14]  }
0x1f2: {  	s8 =	rddreg [dreg:$0x16]  }
0x1f3: {  	[hbm:s9], [sflag:s7] =	dma.local [spmem:s8], $0x2780  }
0x1f4: {  	_ =	swait.ge [sflag:s10], $0x2780  }
0x1f5: {  	s6 =	rddreg [dreg:$0x17]  }
0x1f6: {  	s9 =	sadd.s32 $0x1, s6;
	s6 =	rddreg [dreg:$0x15]  }
0x1f7: {  	p0 =	sne.s32 s9, s6  }
.Ltmp1:
0x1f8: {  	_ = 	snop;
	(pc) =	sbr.rel @p0 .LBB2_1-.Ltmp1, $3  }
0x1f9: {  	_ =	sdelay $0x1  }
0x1fa: {  	[sflag:s10] =	ssyncset.done $0x0  }
0x1fb: {  	[sflag:s10] =	ssyncadd.s32 $0xFFFFD880  }
0x1fc: {  	_ =	sfence.sel $0x180000  }
0x1fd: {  	[bflag:$0x0] =	sbarrier.arrive $0xFFFF  }
0x1fe: {  	_ =	strace $0x9000004A  }
0x1ff: {  	s0 =	stileid.u32;
	[bflag:$0x2] =	sbarrier.arrive $0xFFFF  }
0x200: {  	p0 =	sne.s32 s0, $0x0;
	s0 =	rddreg [dreg:$0x3]  }
0x201: {  	s0 =	sadd.s32 @!p0 $0x100000, s0  }
0x202: {  	[sflag:s0] =	ssyncadd.tile.s32 @!p0 $0x1;
	_ =	shalt  }
.Lfunc_end2:
_tile_overlayer_lowered:
.L_overlay_start_2:
0x203: {  	(tag) =	ssettag $0x2  }
0x204: {  	s0 =	rddreg [dreg:$0x0];
	s2 =	stileid.u32  }
0x205: {  	s1 =	rddreg [dreg:$0x1];
	p0 =	sne.s32 s2, $0x0  }
0x206: {  	s3 =	rddreg [dreg:$0x2];
	[bflag:$0x3] =	sbarrier.arrive $0xFFFF;
	s2 =	simm.s32 @!p0 $0x1C03  }
0x207: {  	[timem:s3], [sflag:s2] =	dma.local @!p0 [hbm:s0], s1  }
0x208: {  	s0 =	simm.s32 @!p0 $0x3  }
0x209: {  	_ =	swait.ge @!p0 [sflag:s0], s1  }
0x20a: {  	s1 =	ssub.s32 @!p0 $0x0, s1;
	[sflag:s0] =	ssyncset.done @!p0 $0x0  }
0x20b: {  	[sflag:s0] =	ssyncadd.s32 @!p0 s1  }
0x20c: {  	[bflag:$0x3] =	sbarrier.arrive $0xFFFF  }
0x20d: {  	_ =	shalt  }

// kernel: kernel.9.cloned.1.call-start
scs
__scs_entry_jumppad:
0x0: {  	(pc) =	sbr.rel $0x88, $3  }
0x1: {  	(tag) =	ssettag $0x0;
	lr =	simm.s32 $0x1  }
0x2: {  	[smem:$0x3F92] =	sst lr;
	_ =	strace $0xD0000000  }
0x3: {  	_ = 	snop  }
0x4: {  	_ = 	snop  }
0x5: {  	_ = 	snop  }
0x6: {  	_ = 	snop  }
0x7: {  	_ = 	snop  }
__scs_overlays_trampoline_lowered:
0x8: {  	[smem:$0x3FA1] =	sst s0  }
0x9: {  	[smem:$0x3FA2] =	sst s1  }
0xa: {  	[smem:$0x3FA3] =	sst s2  }
0xb: {  	[smem:$0x3FA4] =	sst s3  }
0xc: {  	[smem:$0x3FA5] =	sst s4  }
0xd: {  	[smem:$0x3FA6] =	sst s5  }
0xe: {  	[smem:$0x3FA7] =	sst s6  }
0xf: {  	[smem:$0x3FA8] =	sst s7  }
0x10: {  	[smem:$0x3FA9] =	sst s8  }
0x11: {  	[smem:$0x3FAA] =	sst s9;
	s0 =	simm.s32 @!p0 $0x0  }
0x12: {  	s1 =	sld [smem:$0x3F90];
	s0 =	simm.s32 @p0 $0x1  }
0x13: {  	[smem:$0x3FAB] =	sst s0;
	s0 =	simm.s32 @!p1 $0x0  }
0x14: {  	s2 =	sld [smem:$0x3F8F];
	s0 =	simm.s32 @p1 $0x1  }
0x15: {  	[smem:$0x3FAC] =	sst s0;
	s0 =	simm.s32 @!p2 $0x0  }
0x16: {  	s3 =	sld [smem:$0x3FDB];
	s0 =	simm.s32 @p2 $0x1  }
0x17: {  	s4 =	simm.s32 $0x1BF5;
	[smem:$0x3FAE] =	sst s0  }
0x18: {  	s0 =	sld [smem:$0x3F91];
	_ =	swait.ge [sflag:s4], $0x0  }
0x19: {  	s7 =	sld [smem:$0x3F92]  }
0x1a: {  	s8 =	sadd.s32 $0xFFFFE003, lr  }
0x1b: {  	s9 =	sadd.s32 $0xFFFFFEF7, lr;
	s5 =	simm.s32 $0xFFFFFFFF;
	p2 =	slt.u32 s8, $0xFFFFF086  }
0x1c: {  	p1 =	slt.u32 s9, $0xF7A;
	s5 =	simm.s32 @!p2 $0x0  }
0x1d: {  	s5 =	simm.s32 @p1 $0x1;
	p0 =	seq.s32 s7, s2  }
0x1e: {  	s7 =	smul.u32 @!p0 $0xF7A, s2;
	p2 =	seq.s32 @!p0 s5, $0x0  }
0x1f: {  	s9 =	smul.u32 $0xF7A, s1;
	s8 =	simm.s32 @!p0 $0x1BF5;
	p2 =	por !p2, p0  }
0x20: {  	[sflag:s8] =	ssyncset.s32 @!p0 $0xFFFFF086;
	s6 =	sadd.s32 @!p0 s3, s7;
	s7 =	simm.s32 @!p0 $0x108  }
0x21: {  	s3 =	sadd.s32 s3, s9;
	s6 =	sadd.s32 @!p0 $0x88, s6;
	s7 =	simm.s32 @p2 $0x1082  }
0x22: {  	[simem:s7], [sflag:s8] =	dma.local @!p0 [hbm:s6], $0xF7A  }
0x23: {  	s9 =	sor.u32 $0xD0000000, s2;
	s6 =	simm.s32 $0x108;
	_ =	swait.ge @!p0 [sflag:s8], $0x0  }
0x24: {  	s3 =	sadd.s32 $0x88, s3;
	s6 =	simm.s32 @!p1 $0x1082;
	[sflag:s4] =	ssyncset.s32 $0xFFFFF086  }
0x25: {  	[simem:s6], [sflag:s4] =	dma.local [hbm:s3], $0xF7A  }
0x26: {  	[smem:$0x3F92] =	sst s1;
	(tag) =	ssettag s2;
	_ =	strace s9  }
0x27: {  	s1 =	sld [smem:$0x3FA2]  }
0x28: {  	s2 =	sld [smem:$0x3FA3]  }
0x29: {  	s4 =	sld [smem:$0x3FA5]  }
0x2a: {  	p0 =	seq.s32 s5, $0x0;
	s5 =	sld [smem:$0x3FA6]  }
0x2b: {  	s6 =	sld [smem:$0x3FA7]  }
0x2c: {  	s7 =	sld [smem:$0x3FA8]  }
0x2d: {  	s3 =	simm.s32 $0x108;
	s8 =	sld [smem:$0x3FA9]  }
0x2e: {  	s3 =	simm.s32 @!p0 $0x1082;
	s9 =	sld [smem:$0x3FAA]  }
0x2f: {  	lr =	sadd.s32 s0, s3;
	s0 =	sld [smem:$0x3FA1]  }
0x30: {  	s3 =	sld [smem:$0x3FA4]  }
0x31: {  	[smem:$0x3FAD] =	sst s10  }
0x32: {  	s10 =	sld [smem:$0x3FAB];
	_ =	sdelay $0x3  }
0x33: {  	p0 =	seq.s32 s10, $0x1;
	s10 =	sld [smem:$0x3FAD];
	_ =	sdelay $0x3  }
0x34: {  	[smem:$0x3FAD] =	sst s10  }
0x35: {  	s10 =	sld [smem:$0x3FAC];
	_ =	sdelay $0x3  }
0x36: {  	p1 =	seq.s32 s10, $0x1;
	s10 =	sld [smem:$0x3FAD];
	_ =	sdelay $0x3  }
0x37: {  	[smem:$0x3FAD] =	sst s10  }
0x38: {  	s10 =	sld [smem:$0x3FAE]  }
0x39: {  	_ = 	snop;
	(pc) =	sbr.ind lr, $3  }
0x3a: {  	_ = 	snop  }
0x3b: {  	_ = 	snop  }
0x3c: {  	p2 =	seq.s32 s10, $0x1;
	s10 =	sld [smem:$0x3FAD]  }
0x3d: {  	_ =	shalt  }
0x3e: {  	_ =	shalt  }
0x3f: {  	_ =	shalt  }
0x40: {  	_ =	shalt  }
0x41: {  	_ =	shalt  }
0x42: {  	_ =	shalt  }
0x43: {  	_ =	shalt  }
0x44: {  	_ =	shalt  }
0x45: {  	_ =	shalt  }
0x46: {  	_ =	shalt  }
0x47: {  	_ =	shalt  }
0x48: {  	_ =	shalt  }
0x49: {  	_ =	shalt  }
0x4a: {  	_ =	shalt  }
0x4b: {  	_ =	shalt  }
0x4c: {  	_ =	shalt  }
0x4d: {  	_ =	shalt  }
0x4e: {  	_ =	shalt  }
0x4f: {  	_ =	shalt  }
0x50: {  	_ =	shalt  }
0x51: {  	_ =	shalt  }
0x52: {  	_ =	shalt  }
0x53: {  	_ =	shalt  }
0x54: {  	_ =	shalt  }
0x55: {  	_ =	shalt  }
0x56: {  	_ =	shalt  }
0x57: {  	_ =	shalt  }
0x58: {  	_ =	shalt  }
0x59: {  	_ =	shalt  }
0x5a: {  	_ =	shalt  }
0x5b: {  	_ =	shalt  }
0x5c: {  	_ =	shalt  }
0x5d: {  	_ =	shalt  }
0x5e: {  	_ =	shalt  }
0x5f: {  	_ =	shalt  }
0x60: {  	_ =	shalt  }
0x61: {  	_ =	shalt  }
0x62: {  	_ =	shalt  }
0x63: {  	_ =	shalt  }
0x64: {  	_ =	shalt  }
0x65: {  	_ =	shalt  }
0x66: {  	_ =	shalt  }
0x67: {  	_ =	shalt  }
0x68: {  	_ =	shalt  }
0x69: {  	_ =	shalt  }
0x6a: {  	_ =	shalt  }
0x6b: {  	_ =	shalt  }
0x6c: {  	_ =	shalt  }
0x6d: {  	_ =	shalt  }
0x6e: {  	_ =	shalt  }
0x6f: {  	_ =	shalt  }
0x70: {  	_ =	shalt  }
0x71: {  	_ =	shalt  }
0x72: {  	_ =	shalt  }
0x73: {  	_ =	shalt  }
0x74: {  	_ =	shalt  }
0x75: {  	_ =	shalt  }
0x76: {  	_ =	shalt  }
0x77: {  	_ =	shalt  }
0x78: {  	_ =	shalt  }
0x79: {  	_ =	shalt  }
0x7a: {  	_ =	shalt  }
0x7b: {  	_ =	shalt  }
0x7c: {  	_ =	shalt  }
0x7d: {  	_ =	shalt  }
0x7e: {  	_ =	shalt  }
0x7f: {  	_ =	shalt  }
0x80: {  	_ =	shalt  }
0x81: {  	_ =	shalt  }
0x82: {  	_ =	shalt  }
0x83: {  	_ =	shalt  }
0x84: {  	_ =	shalt  }
0x85: {  	_ =	shalt  }
0x86: {  	_ =	shalt  }
0x87: {  	_ =	shalt  }
.Lfunc_end0:
.L_simem_size_0:
called_computation_lowered:
.L_overlay_start_0:
0x88: {  	s2 =	sld [smem:$0x3FD9]  }
0x89: {  	s3 =	sld [smem:$0x3FFE];
	_ =	sdelay $0x1  }
0x8a: {  	s1 =	srdreg.scid  }
0x8b: {  	s0 =	sand.u32 $0x1, s1  }
0x8c: {  	s17 =	sshll.u32 s0, $0xA;
	s2 =	sadd.s32 s3, s2  }
0x8d: {  	s2 =	sadd.s32 s2, s17  }
0x8e: {  	[smem:$0x3FB9] =	sst s2  }
0x8f: {  	_ = 	snop  }
0x90: {  	s2 =	sld [smem:$0x3FD0];
	(tm) =	ssettm $0x1  }
0x91: {  	s18 =	sld [smem:$0x3FFB];
	_ =	sdelay $0x3  }
0x92: {  	_ =	strace s18  }
0x93: {  	s3 =	sld [smem:$0x3FFC];
	_ =	sdelay $0x3  }
0x94: {  	_ =	strace s3  }
0x95: {  	s3 =	sld [smem:$0x3FFD];
	_ =	sdelay $0x3  }
0x96: {  	_ =	strace s3  }
0x97: {  	_ =	strace $0x8FFFFFFF  }
0x98: {  	s19 =	sld [smem:$0x3FDB];
	_ =	sdelay $0x1  }
0x99: {  	s4 =	simm.s32 $_scs_section_size  }
0x9a: {  	s5 =	simm.s32 $_size__tile_overlayer_lowered;
	s6 =	simm.s32 $_tile_overlayer_lowered  }
0x9b: {  	s22 =	simm.s32 $0x1BFF;
	s21 =	sshll.u32 s6, $0x1;
	s3 =	sadd.s32 s4, s19  }
0x9c: {  	s7 =	simm.s32 $0x0;
	s20 =	sshll.u32 s5, $0x1;
	s5 =	sadd.s32 s21, s3  }
0x9d: {  	[timem:s7], [sflag:s22] =	dma.local [hbm:s5], s20  }
0x9e: {  	_ =	swait.ge [sflag:s22], s20  }
0x9f: {  	s4 =	ssub.s32 $0x0, s20;
	[sflag:s22] =	ssyncset.done $0x0  }
0xa0: {  	[sflag:s22] =	ssyncadd.s32 s4;
	_ =	sdelay $0x1  }
0xa1: {  	s23 =	simm.s32 $0x1B8B  }
0xa2: {  	_ =	swait.ge [sflag:s23], $0x1  }
0xa3: {  	[sflag:s23] =	ssyncset.done $0x0  }
0xa4: {  	s25 =	simm.s32 $0x1B8E;
	s24 =	sld [smem:$0x3FFE];
	[sflag:s23] =	ssyncadd.s32 $0xFFFFFFFF  }
0xa5: {  	s26 =	simm.s32 $execute0_lowered;
	[smem:$0x3FD2] =	sst s25  }
0xa6: {  	s5 =	sshll.u32 s26, $0x1;
	_ =	strace $0x80000046;
	[dreg:$0x1] =	wrdreg $0xFFFFFFFF  }
0xa7: {  	s28 =	simm.s32 $_size_execute0_lowered;
	s3 =	sadd.s32 s3, s5;
	[dreg:$0x0] =	wrdreg $0x0  }
0xa8: {  	s5 =	sshll.u32 s28, $0x1;
	[dreg:$0x2] =	wrdreg s3  }
0xa9: {  	[dreg:$0x3] =	wrdreg s5  }
0xaa: {  	[dreg:$0x4] =	wrdreg $0xC0  }
0xab: {  	_ =	task [dreg:s7], $0x5FFFF  }
0xac: {  	[dreg:$0x1] =	wrdreg $0xFFFFFFFF  }
0xad: {  	[dreg:$0x0] =	wrdreg $0x60  }
0xae: {  	[dreg:$0x2] =	wrdreg s24  }
0xaf: {  	[dreg:$0x3] =	wrdreg s2  }
0xb0: {  	[dreg:$0x4] =	wrdreg $0x90000  }
0xb1: {  	[dreg:$0x5] =	wrdreg $0x9  }
0xb2: {  	_ =	task.clear_ibuf [dreg:s7], $0x6FFFF;
	_ =	strace $0x90000046  }
0xb3: {  	s29 =	simm.s32 $0x9;
	_ =	strace $0x80000048  }
0xb4: {  	_ =	swait.ge [sflag:s29], $0x1  }
0xb5: {  	[sflag:s29] =	ssyncadd.s32 $0xFFFFFFFF  }
0xb6: {  	_ =	strace $0x90000048  }
0xb7: {  	_ =	sfence  }
0xb8: {  	s30 =	sld [smem:$0x0];
	_ =	sdelay $0x2  }
0xb9: {  	s31 =	sshll.u32 s1, $0xD;
	s1 =	sshrl.u32 s1, $0x2  }
0xba: {  	s3 =	sand.u32 $0x4000, s31;
	s1 =	sadd.s32 s1, s30  }
0xbb: {  	s0 =	sor.u32 s3, s0;
	s1 =	sshll.u32 s1, $0x11  }
0xbc: {  	s0 =	sor.u32 s1, s0  }
0xbd: {  	s0 =	sadd.s32 $0x8F2B, s0  }
0xbe: {  	[sflag:s0] =	ssyncadd.remote.s32 $0x1  }
0xbf: {  	_ =	sfence.sel $0xFFFF  }
0xc0: {  	[dreg:$0x0] =	wrdreg $0xFFFFFFFF;
	(pc) =	sbr.abs _section_cstart, $3  }
0xc1: {  	[dreg:$0x1] =	wrdreg $0xFFFFFFFF  }
0xc2: {  	_ =	task.clear_ibuf [dreg:s7], $0x2FFFF;
	_ =	strace $0x9FFFFFFF  }
0xc3: {  	(tm) =	ssettm $0x7FFFFFFF  }
tec
execute0_lowered:
.L_overlay_start_1:
0x0: {  	(tag) =	ssettag $0x1  }
0x1: {  	s0 =	rddreg [dreg:$0x0]  }
0x2: {  	s1 =	srdreg.scid;
	s5 =	rddreg [dreg:$0x1]  }
0x3: {  	s11 =	stileid.u32;
	s2 =	rddreg [dreg:$0x2];
	s3 =	simm.s32 $0x0  }
0x4: {  	s14 =	simm.s32 $0x100;
	s15 =	simm.s32 $0x880;
	s17 =	simm.s32 $0x180  }
0x5: {  	s18 =	simm.s32 $0x900;
	s19 =	simm.s32 $0x200;
	[smem:$0x7FF] =	sst s3  }
0x6: {  	s20 =	simm.s32 $0x980;
	_ =	strace $0x80000047;
	[dreg:$0x6] =	wrdreg s14  }
0x7: {  	s21 =	simm.s32 $0x280;
	s22 =	simm.s32 $0xA00;
	[dreg:$0x7] =	wrdreg s15  }
0x8: {  	s23 =	simm.s32 $0x300;
	s24 =	simm.s32 $0xA80;
	[dreg:$0x8] =	wrdreg s17  }
0x9: {  	s25 =	simm.s32 $0x380;
	s28 =	simm.s32 $0x680;
	[dreg:$0x9] =	wrdreg s18  }
0xa: {  	s29 =	simm.s32 $0xE00;
	s6 =	smul.u32 $0x2800, s11;
	[dreg:$0xa] =	wrdreg s19  }
0xb: {  	s30 =	simm.s32 $0x700;
	s7 =	smul.u32 $0x13C00, s11;
	[dreg:$0xb] =	wrdreg s20  }
0xc: {  	s31 =	simm.s32 $0xE80;
	s9 =	smul.u32 $0x500, s11;
	[dreg:$0xc] =	wrdreg s21  }
0xd: {  	s1 =	sand.u32 $0x1, s1;
	s10 =	smul.u32 $0x4F000, s11;
	[dreg:$0xd] =	wrdreg s22  }
0xe: {  	s16 =	sshll.u32 s11, $0x6;
	s4 =	smul.u32 $0x28000, s1;
	[dreg:$0xe] =	wrdreg s23  }
0xf: {  	s11 =	simm.s32 $0x800;
	s8 =	smul.u32 $0x13C000, s1;
	[dreg:$0xf] =	wrdreg s24  }
0x10: {  	s1 =	ssub.s32 $0x2, s1;
	s14 =	simm.s32 $0x1;
	[dreg:$0x10] =	wrdreg s25  }
0x11: {  	s15 =	simm.s32 $0x5000;
	s17 =	simm.s32 $0x400;
	s18 =	simm.s32 $0xB80  }
0x12: {  	s19 =	simm.s32 $0x480;
	s20 =	simm.s32 $0xC00;
	s21 =	simm.s32 $0x500  }
0x13: {  	s22 =	simm.s32 $0xC80;
	s23 =	simm.s32 $0x580;
	s24 =	simm.s32 $0xD00  }
0x14: {  	s25 =	simm.s32 $0x600;
	s9 =	sadd.s32 s9, s0;
	s26 =	sshrl.u32 s1, $0x1  }
0x15: {  	s12 =	sshrl.u32 s10, $0x2;
	s10 =	simm.s32 $0x3;
	s6 =	sadd.s32 s4, s6  }
0x16: {  	s4 =	sadd.s32 $0x12000, s0;
	s8 =	sadd.s32 s7, s8;
	s1 =	ssub.s32 s1, s26  }
0x17: {  	s13 =	sadd.s32 $0xD000, s9;
	s7 =	sshrl.u32 s7, $0x3;
	s26 =	simm.s32 $0xB00  }
0x18: {  	s9 =	simm.s32 $0x0;
	s6 =	sshrl.u32 s6, $0x3;
	s8 =	sshrl.u32 s8, $0x3  }
0x19: {  	[dreg:$0x5] =	wrdreg s13;
	s5 =	sadd.s32 s5, s7;
	s7 =	sor.u32 $0x1C03, s16  }
0x1a: {  	s1 =	smax.u32 s1, $0x1;
	s13 =	simm.s32 $0x1000;
	[dreg:$0x11] =	wrdreg s26  }
0x1b: {  	s16 =	simm.s32 $0x2;
	s26 =	simm.s32 $0xD80;
	[dreg:$0x12] =	wrdreg s5  }
0x1c: {  	s6 =	sadd.s32 s6, s0;
	s0 =	sadd.s32 s8, s0;
	[dreg:$0x15] =	wrdreg s1  }
0x1d: {  	s8 =	sadd.s32 s12, s2;
	[dreg:$0x13] =	wrdreg s7;
	s6 =	sadd.s32 $0x3000, s6  }
0x1e: {  	s12 =	simm.s32 $0x80;
	s0 =	sadd.s32 $0x84F600, s0;
	[dreg:$0x4] =	wrdreg s6  }
0x1f: {  	s1 =	simm.s32 $0x780;
	s8 =	sshrl.u32 s8, $0x3;
	[dreg:$0x14] =	wrdreg s0  }
0x20: {  	s5 =	simm.s32 $0xF80;
	s0 =	simm.s32 $0xF00;
	[dreg:$0x16] =	wrdreg s8  }
.LBB2_1:
0x21: {  	[dreg:$0x17] =	wrdreg s9  }
0x22: {  	s6 =	rddreg [dreg:$0x12]  }
0x23: {  	[spmem:s8], [sflag:s7] =	dma.local [hbm:s6], $0x2780  }
0x24: {  	_ =	swait.ge [sflag:s10], $0x2780  }
0x25: {  	[sflag:s10] =	ssyncset.done $0x0  }
0x26: {  	[sflag:s10] =	ssyncadd.s32 $0xFFFFD880  }
0x27: {  	[bflag:$0x0] =	sbarrier.arrive $0xFFFF  }
0x28: {  	s7 =	rddreg [dreg:$0x4]  }
0x29: {  	s6 =	sadd.s32 $0x0, s7  }
0x2a: {  	[tilespmem:s3], [sflag:$0x3] =	stream.linear.gather [hbm4b:s6+s3], $0x800, $0x38;
	[tilespmem:$0x1CC00] =	vst v63  }
0x2b: {  	_ =	swait.ge [sflag:s10], $0x800  }
0x2c: {  	s8 =	rddreg [dreg:$0x5];
	[sflag:s10] =	ssyncset.done $0x0  }
0x2d: {  	[sflag:s10] =	ssyncadd.s32 $0xFFFFF800;
	s6 =	sadd.s32 $0x0, s8  }
0x2e: {  	[tilespmem:s11], [sflag:$0x3] =	stream.linear.gather [hbm4b:s6+s3], $0x800, $0x38;
	[tilespmem:$0x1CC00] =	vst v63  }
0x2f: {  	_ =	swait.ge [sflag:s10], $0x800  }
0x30: {  	[sflag:s10] =	ssyncset.done $0x0  }
0x31: {  	[sflag:s10] =	ssyncadd.s32 $0xFFFFF800  }
0x32: {  	[tilespmem:s13], [sflag:$0x1] =	stream.indirect.gather [hbm4b:s4+s12], $0x80, s3, s12, $0xb8;
	[tilespmem:$0x1CC00] =	vst v63  }
0x33: {  	_ =	swait.ge [sflag:s14], $0x4000  }
0x34: {  	[sflag:s14] =	ssyncset.done $0x0  }
0x35: {  	[sflag:s14] =	ssyncadd.s32 $0xFFFFC000  }
0x36: {  	[tilespmem:s15], [sflag:$0x2] =	stream.indirect.gather [hbm4b:s4+s12], $0x80, s12, s12, $0xb8;
	[tilespmem:$0x1CC00] =	vst v63  }
0x37: {  	_ = 	snop  }
0x38: {  	[spmem:s2] =	stream.indirect.scatter.add.f32 [tilespmem:s13], [sflag:$0x3], $0x80, s11, s12, $0xb8;
	[tilespmem:$0x1CC00] =	vst v63  }
0x39: {  	_ =	swait.ge [sflag:s10], $0x4000  }
0x3a: {  	[sflag:s10] =	ssyncset.done $0x0  }
0x3b: {  	[sflag:s10] =	ssyncadd.s32 $0xFFFFC000  }
0x3c: {  	_ =	swait.ge [sflag:s16], $0x4000  }
0x3d: {  	[sflag:s16] =	ssyncset.done $0x0  }
0x3e: {  	s9 =	rddreg [dreg:$0x6];
	[sflag:s16] =	ssyncadd.s32 $0xFFFFC000  }
0x3f: {  	[tilespmem:s13], [sflag:$0x1] =	stream.indirect.gather [hbm4b:s4+s12], $0x80, s9, s12, $0xb8;
	[tilespmem:$0x1CC00] =	vst v63  }
0x40: {  	s7 =	rddreg [dreg:$0x7]  }
0x41: {  	[spmem:s2] =	stream.indirect.scatter.add.f32 [tilespmem:s15], [sflag:$0x3], $0x80, s7, s12, $0xb8;
	[tilespmem:$0x1CC00] =	vst v63  }
0x42: {  	_ =	swait.ge [sflag:s10], $0x4000  }
0x43: {  	[sflag:s10] =	ssyncset.done $0x0  }
0x44: {  	[sflag:s10] =	ssyncadd.s32 $0xFFFFC000  }
0x45: {  	_ =	swait.ge [sflag:s14], $0x4000  }
0x46: {  	[sflag:s14] =	ssyncset.done $0x0  }
0x47: {  	s9 =	rddreg [dreg:$0x8];
	[sflag:s14] =	ssyncadd.s32 $0xFFFFC000  }
0x48: {  	[tilespmem:s15], [sflag:$0x2] =	stream.indirect.gather [hbm4b:s4+s12], $0x80, s9, s12, $0xb8;
	[tilespmem:$0x1CC00] =	vst v63  }
0x49: {  	s7 =	rddreg [dreg:$0x9]  }
0x4a: {  	[spmem:s2] =	stream.indirect.scatter.add.f32 [tilespmem:s13], [sflag:$0x3], $0x80, s7, s12, $0xb8;
	[tilespmem:$0x1CC00] =	vst v63  }
0x4b: {  	_ =	swait.ge [sflag:s10], $0x4000  }
0x4c: {  	[sflag:s10] =	ssyncset.done $0x0  }
0x4d: {  	[sflag:s10] =	ssyncadd.s32 $0xFFFFC000  }
0x4e: {  	_ =	swait.ge [sflag:s16], $0x4000  }
0x4f: {  	[sflag:s16] =	ssyncset.done $0x0  }
0x50: {  	s9 =	rddreg [dreg:$0xa];
	[sflag:s16] =	ssyncadd.s32 $0xFFFFC000  }
0x51: {  	[tilespmem:s13], [sflag:$0x1] =	stream.indirect.gather [hbm4b:s4+s12], $0x80, s9, s12, $0xb8;
	[tilespmem:$0x1CC00] =	vst v63  }
0x52: {  	s7 =	rddreg [dreg:$0xb]  }
0x53: {  	[spmem:s2] =	stream.indirect.scatter.add.f32 [tilespmem:s15], [sflag:$0x3], $0x80, s7, s12, $0xb8;
	[tilespmem:$0x1CC00] =	vst v63  }
0x54: {  	_ =	swait.ge [sflag:s10], $0x4000  }
0x55: {  	[sflag:s10] =	ssyncset.done $0x0  }
0x56: {  	[sflag:s10] =	ssyncadd.s32 $0xFFFFC000  }
0x57: {  	_ =	swait.ge [sflag:s14], $0x4000  }
0x58: {  	[sflag:s14] =	ssyncset.done $0x0  }
0x59: {  	s9 =	rddreg [dreg:$0xc];
	[sflag:s14] =	ssyncadd.s32 $0xFFFFC000  }
0x5a: {  	[tilespmem:s15], [sflag:$0x2] =	stream.indirect.gather [hbm4b:s4+s12], $0x80, s9, s12, $0xb8;
	[tilespmem:$0x1CC00] =	vst v63  }
0x5b: {  	s7 =	rddreg [dreg:$0xd]  }
0x5c: {  	[spmem:s2] =	stream.indirect.scatter.add.f32 [tilespmem:s13], [sflag:$0x3], $0x80, s7, s12, $0xb8;
	[tilespmem:$0x1CC00] =	vst v63  }
0x5d: {  	_ =	swait.ge [sflag:s10], $0x4000  }
0x5e: {  	[sflag:s10] =	ssyncset.done $0x0  }
0x5f: {  	[sflag:s10] =	ssyncadd.s32 $0xFFFFC000  }
0x60: {  	_ =	swait.ge [sflag:s16], $0x4000  }
0x61: {  	[sflag:s16] =	ssyncset.done $0x0  }
0x62: {  	s9 =	rddreg [dreg:$0xe];
	[sflag:s16] =	ssyncadd.s32 $0xFFFFC000  }
0x63: {  	[tilespmem:s13], [sflag:$0x1] =	stream.indirect.gather [hbm4b:s4+s12], $0x80, s9, s12, $0xb8;
	[tilespmem:$0x1CC00] =	vst v63  }
0x64: {  	s7 =	rddreg [dreg:$0xf]  }
0x65: {  	[spmem:s2] =	stream.indirect.scatter.add.f32 [tilespmem:s15], [sflag:$0x3], $0x80, s7, s12, $0xb8;
	[tilespmem:$0x1CC00] =	vst v63  }
0x66: {  	_ =	swait.ge [sflag:s10], $0x4000  }
0x67: {  	[sflag:s10] =	ssyncset.done $0x0  }
0x68: {  	[sflag:s10] =	ssyncadd.s32 $0xFFFFC000  }
0x69: {  	_ =	swait.ge [sflag:s14], $0x4000  }
0x6a: {  	[sflag:s14] =	ssyncset.done $0x0  }
0x6b: {  	s8 =	rddreg [dreg:$0x10];
	[sflag:s14] =	ssyncadd.s32 $0xFFFFC000  }
0x6c: {  	[tilespmem:s15], [sflag:$0x2] =	stream.indirect.gather [hbm4b:s4+s12], $0x80, s8, s12, $0xb8;
	[tilespmem:$0x1CC00] =	vst v63  }
0x6d: {  	s9 =	rddreg [dreg:$0x11]  }
0x6e: {  	[spmem:s2] =	stream.indirect.scatter.add.f32 [tilespmem:s13], [sflag:$0x3], $0x80, s9, s12, $0xb8;
	[tilespmem:$0x1CC00] =	vst v63  }
0x6f: {  	_ =	swait.ge [sflag:s10], $0x4000  }
0x70: {  	[sflag:s10] =	ssyncset.done $0x0  }
0x71: {  	[sflag:s10] =	ssyncadd.s32 $0xFFFFC000  }
0x72: {  	_ =	swait.ge [sflag:s16], $0x4000  }
0x73: {  	[sflag:s16] =	ssyncset.done $0x0  }
0x74: {  	[sflag:s16] =	ssyncadd.s32 $0xFFFFC000  }
0x75: {  	[tilespmem:s13], [sflag:$0x1] =	stream.indirect.gather [hbm4b:s4+s12], $0x80, s17, s12, $0xb8;
	[tilespmem:$0x1CC00] =	vst v63  }
0x76: {  	_ = 	snop  }
0x77: {  	[spmem:s2] =	stream.indirect.scatter.add.f32 [tilespmem:s15], [sflag:$0x3], $0x80, s18, s12, $0xb8;
	[tilespmem:$0x1CC00] =	vst v63  }
0x78: {  	_ =	swait.ge [sflag:s10], $0x4000  }
0x79: {  	[sflag:s10] =	ssyncset.done $0x0  }
0x7a: {  	[sflag:s10] =	ssyncadd.s32 $0xFFFFC000  }
0x7b: {  	_ =	swait.ge [sflag:s14], $0x4000  }
0x7c: {  	[sflag:s14] =	ssyncset.done $0x0  }
0x7d: {  	[sflag:s14] =	ssyncadd.s32 $0xFFFFC000  }
0x7e: {  	[tilespmem:s15], [sflag:$0x2] =	stream.indirect.gather [hbm4b:s4+s12], $0x80, s19, s12, $0xb8;
	[tilespmem:$0x1CC00] =	vst v63  }
0x7f: {  	_ = 	snop  }
0x80: {  	[spmem:s2] =	stream.indirect.scatter.add.f32 [tilespmem:s13], [sflag:$0x3], $0x80, s20, s12, $0xb8;
	[tilespmem:$0x1CC00] =	vst v63  }
0x81: {  	_ =	swait.ge [sflag:s10], $0x4000  }
0x82: {  	[sflag:s10] =	ssyncset.done $0x0  }
0x83: {  	[sflag:s10] =	ssyncadd.s32 $0xFFFFC000  }
0x84: {  	_ =	swait.ge [sflag:s16], $0x4000  }
0x85: {  	[sflag:s16] =	ssyncset.done $0x0  }
0x86: {  	[sflag:s16] =	ssyncadd.s32 $0xFFFFC000  }
0x87: {  	[tilespmem:s13], [sflag:$0x1] =	stream.indirect.gather [hbm4b:s4+s12], $0x80, s21, s12, $0xb8;
	[tilespmem:$0x1CC00] =	vst v63  }
0x88: {  	_ = 	snop  }
0x89: {  	[spmem:s2] =	stream.indirect.scatter.add.f32 [tilespmem:s15], [sflag:$0x3], $0x80, s22, s12, $0xb8;
	[tilespmem:$0x1CC00] =	vst v63  }
0x8a: {  	_ =	swait.ge [sflag:s10], $0x4000  }
0x8b: {  	[sflag:s10] =	ssyncset.done $0x0  }
0x8c: {  	[sflag:s10] =	ssyncadd.s32 $0xFFFFC000  }
0x8d: {  	_ =	swait.ge [sflag:s14], $0x4000  }
0x8e: {  	[sflag:s14] =	ssyncset.done $0x0  }
0x8f: {  	[sflag:s14] =	ssyncadd.s32 $0xFFFFC000  }
0x90: {  	[tilespmem:s15], [sflag:$0x2] =	stream.indirect.gather [hbm4b:s4+s12], $0x80, s23, s12, $0xb8;
	[tilespmem:$0x1CC00] =	vst v63  }
0x91: {  	_ = 	snop  }
0x92: {  	[spmem:s2] =	stream.indirect.scatter.add.f32 [tilespmem:s13], [sflag:$0x3], $0x80, s24, s12, $0xb8;
	[tilespmem:$0x1CC00] =	vst v63  }
0x93: {  	_ =	swait.ge [sflag:s10], $0x4000  }
0x94: {  	[sflag:s10] =	ssyncset.done $0x0  }
0x95: {  	[sflag:s10] =	ssyncadd.s32 $0xFFFFC000  }
0x96: {  	_ =	swait.ge [sflag:s16], $0x4000  }
0x97: {  	[sflag:s16] =	ssyncset.done $0x0  }
0x98: {  	[sflag:s16] =	ssyncadd.s32 $0xFFFFC000  }
0x99: {  	[tilespmem:s13], [sflag:$0x1] =	stream.indirect.gather [hbm4b:s4+s12], $0x80, s25, s12, $0xb8;
	[tilespmem:$0x1CC00] =	vst v63  }
0x9a: {  	_ = 	snop  }
0x9b: {  	[spmem:s2] =	stream.indirect.scatter.add.f32 [tilespmem:s15], [sflag:$0x3], $0x80, s26, s12, $0xb8;
	[tilespmem:$0x1CC00] =	vst v63  }
0x9c: {  	_ =	swait.ge [sflag:s10], $0x4000  }
0x9d: {  	[sflag:s10] =	ssyncset.done $0x0  }
0x9e: {  	[sflag:s10] =	ssyncadd.s32 $0xFFFFC000  }
0x9f: {  	_ =	swait.ge [sflag:s14], $0x4000  }
0xa0: {  	[sflag:s14] =	ssyncset.done $0x0  }
0xa1: {  	[sflag:s14] =	ssyncadd.s32 $0xFFFFC000  }
0xa2: {  	[tilespmem:s15], [sflag:$0x2] =	stream.indirect.gather [hbm4b:s4+s12], $0x80, s28, s12, $0xb8;
	[tilespmem:$0x1CC00] =	vst v63  }
0xa3: {  	_ = 	snop  }
0xa4: {  	[spmem:s2] =	stream.indirect.scatter.add.f32 [tilespmem:s13], [sflag:$0x3], $0x80, s29, s12, $0xb8;
	[tilespmem:$0x1CC00] =	vst v63  }
0xa5: {  	_ =	swait.ge [sflag:s10], $0x4000  }
0xa6: {  	[sflag:s10] =	ssyncset.done $0x0  }
0xa7: {  	[sflag:s10] =	ssyncadd.s32 $0xFFFFC000  }
0xa8: {  	_ =	swait.ge [sflag:s16], $0x4000  }
0xa9: {  	[sflag:s16] =	ssyncset.done $0x0  }
0xaa: {  	[sflag:s16] =	ssyncadd.s32 $0xFFFFC000  }
0xab: {  	[tilespmem:s13], [sflag:$0x1] =	stream.indirect.gather [hbm4b:s4+s12], $0x80, s30, s12, $0xb8;
	[tilespmem:$0x1CC00] =	vst v63  }
0xac: {  	_ = 	snop  }
0xad: {  	[spmem:s2] =	stream.indirect.scatter.add.f32 [tilespmem:s15], [sflag:$0x3], $0x80, s31, s12, $0xb8;
	[tilespmem:$0x1CC00] =	vst v63  }
0xae: {  	_ =	swait.ge [sflag:s10], $0x4000  }
0xaf: {  	[sflag:s10] =	ssyncset.done $0x0  }
0xb0: {  	[sflag:s10] =	ssyncadd.s32 $0xFFFFC000  }
0xb1: {  	_ =	swait.ge [sflag:s14], $0x4000  }
0xb2: {  	[sflag:s14] =	ssyncset.done $0x0  }
0xb3: {  	[sflag:s14] =	ssyncadd.s32 $0xFFFFC000  }
0xb4: {  	[tilespmem:s15], [sflag:$0x2] =	stream.indirect.gather [hbm4b:s4+s12], $0x80, s1, s12, $0xb8;
	[tilespmem:$0x1CC00] =	vst v63  }
0xb5: {  	_ = 	snop  }
0xb6: {  	[spmem:s2] =	stream.indirect.scatter.add.f32 [tilespmem:s13], [sflag:$0x3], $0x80, s0, s12, $0xb8;
	[tilespmem:$0x1CC00] =	vst v63  }
0xb7: {  	_ =	swait.ge [sflag:s10], $0x4000  }
0xb8: {  	[sflag:s10] =	ssyncset.done $0x0  }
0xb9: {  	[sflag:s10] =	ssyncadd.s32 $0xFFFFC000  }
0xba: {  	_ =	swait.ge [sflag:s16], $0x4000  }
0xbb: {  	[sflag:s16] =	ssyncset.done $0x0  }
0xbc: {  	[sflag:s16] =	ssyncadd.s32 $0xFFFFC000  }
0xbd: {  	[spmem:s2] =	stream.indirect.scatter.add.f32 [tilespmem:s15], [sflag:$0x3], $0x80, s5, s12, $0xb8;
	[tilespmem:$0x1CC00] =	vst v63  }
0xbe: {  	s6 =	simm.s32 $0x200;
	_ =	swait.ge [sflag:s10], $0x4000  }
0xbf: {  	s8 =	simm.s32 $0x100;
	s9 =	rddreg [dreg:$0x4];
	[sflag:s10] =	ssyncset.done $0x0  }
.LBB2_2:
0xc0: {  	[sflag:s10] =	ssyncadd.s32 $0xFFFFC000;
	s9 =	sadd.s32 s8, s9  }
0xc1: {  	[tilespmem:s3], [sflag:$0x3] =	stream.linear.gather [hbm4b:s9+s3], $0x800, $0x38;
	[tilespmem:$0x1CC00] =	vst v63  }
0xc2: {  	_ =	swait.ge [sflag:s10], $0x800  }
0xc3: {  	s9 =	rddreg [dreg:$0x5];
	[sflag:s10] =	ssyncset.done $0x0  }
0xc4: {  	[sflag:s10] =	ssyncadd.s32 $0xFFFFF800;
	s9 =	sadd.s32 s8, s9  }
0xc5: {  	[tilespmem:s11], [sflag:$0x3] =	stream.linear.gather [hbm4b:s9+s3], $0x800, $0x38;
	[tilespmem:$0x1CC00] =	vst v63  }
0xc6: {  	_ =	swait.ge [sflag:s10], $0x800  }
0xc7: {  	[sflag:s10] =	ssyncset.done $0x0  }
0xc8: {  	[sflag:s10] =	ssyncadd.s32 $0xFFFFF800  }
0xc9: {  	[tilespmem:s13], [sflag:$0x1] =	stream.indirect.gather [hbm4b:s4+s12], $0x80, s3, s12, $0xb8;
	[tilespmem:$0x1CC00] =	vst v63  }
0xca: {  	_ =	swait.ge [sflag:s14], $0x4000  }
0xcb: {  	[sflag:s14] =	ssyncset.done $0x0  }
0xcc: {  	[sflag:s14] =	ssyncadd.s32 $0xFFFFC000  }
0xcd: {  	[tilespmem:s15], [sflag:$0x2] =	stream.indirect.gather [hbm4b:s4+s12], $0x80, s12, s12, $0xb8;
	[tilespmem:$0x1CC00] =	vst v63  }
0xce: {  	_ = 	snop  }
0xcf: {  	[spmem:s2] =	stream.indirect.scatter.add.f32 [tilespmem:s13], [sflag:$0x3], $0x80, s11, s12, $0xb8;
	[tilespmem:$0x1CC00] =	vst v63  }
0xd0: {  	_ =	swait.ge [sflag:s10], $0x4000  }
0xd1: {  	[sflag:s10] =	ssyncset.done $0x0  }
0xd2: {  	[sflag:s10] =	ssyncadd.s32 $0xFFFFC000  }
0xd3: {  	_ =	swait.ge [sflag:s16], $0x4000  }
0xd4: {  	s7 =	smov.u32 s6;
	[sflag:s16] =	ssyncset.done $0x0  }
0xd5: {  	s8 =	smov.u32 s7;
	s7 =	rddreg [dreg:$0x6];
	[sflag:s16] =	ssyncadd.s32 $0xFFFFC000  }
0xd6: {  	[tilespmem:s13], [sflag:$0x1] =	stream.indirect.gather [hbm4b:s4+s12], $0x80, s7, s12, $0xb8;
	[tilespmem:$0x1CC00] =	vst v63  }
0xd7: {  	s9 =	rddreg [dreg:$0x7]  }
0xd8: {  	[spmem:s2] =	stream.indirect.scatter.add.f32 [tilespmem:s15], [sflag:$0x3], $0x80, s9, s12, $0xb8;
	[tilespmem:$0x1CC00] =	vst v63  }
0xd9: {  	_ =	swait.ge [sflag:s10], $0x4000  }
0xda: {  	[sflag:s10] =	ssyncset.done $0x0  }
0xdb: {  	[sflag:s10] =	ssyncadd.s32 $0xFFFFC000  }
0xdc: {  	_ =	swait.ge [sflag:s14], $0x4000  }
0xdd: {  	[sflag:s14] =	ssyncset.done $0x0  }
0xde: {  	s7 =	rddreg [dreg:$0x8];
	[sflag:s14] =	ssyncadd.s32 $0xFFFFC000  }
0xdf: {  	[tilespmem:s15], [sflag:$0x2] =	stream.indirect.gather [hbm4b:s4+s12], $0x80, s7, s12, $0xb8;
	[tilespmem:$0x1CC00] =	vst v63  }
0xe0: {  	s9 =	rddreg [dreg:$0x9]  }
0xe1: {  	[spmem:s2] =	stream.indirect.scatter.add.f32 [tilespmem:s13], [sflag:$0x3], $0x80, s9, s12, $0xb8;
	[tilespmem:$0x1CC00] =	vst v63  }
0xe2: {  	_ =	swait.ge [sflag:s10], $0x4000  }
0xe3: {  	[sflag:s10] =	ssyncset.done $0x0  }
0xe4: {  	[sflag:s10] =	ssyncadd.s32 $0xFFFFC000  }
0xe5: {  	_ =	swait.ge [sflag:s16], $0x4000  }
0xe6: {  	[sflag:s16] =	ssyncset.done $0x0  }
0xe7: {  	s7 =	rddreg [dreg:$0xa];
	[sflag:s16] =	ssyncadd.s32 $0xFFFFC000  }
0xe8: {  	[tilespmem:s13], [sflag:$0x1] =	stream.indirect.gather [hbm4b:s4+s12], $0x80, s7, s12, $0xb8;
	[tilespmem:$0x1CC00] =	vst v63  }
0xe9: {  	s9 =	rddreg [dreg:$0xb]  }
0xea: {  	[spmem:s2] =	stream.indirect.scatter.add.f32 [tilespmem:s15], [sflag:$0x3], $0x80, s9, s12, $0xb8;
	[tilespmem:$0x1CC00] =	vst v63  }
0xeb: {  	_ =	swait.ge [sflag:s10], $0x4000  }
0xec: {  	[sflag:s10] =	ssyncset.done $0x0  }
0xed: {  	[sflag:s10] =	ssyncadd.s32 $0xFFFFC000  }
0xee: {  	_ =	swait.ge [sflag:s14], $0x4000  }
0xef: {  	[sflag:s14] =	ssyncset.done $0x0  }
0xf0: {  	s7 =	rddreg [dreg:$0xc];
	[sflag:s14] =	ssyncadd.s32 $0xFFFFC000  }
0xf1: {  	[tilespmem:s15], [sflag:$0x2] =	stream.indirect.gather [hbm4b:s4+s12], $0x80, s7, s12, $0xb8;
	[tilespmem:$0x1CC00] =	vst v63  }
0xf2: {  	s9 =	rddreg [dreg:$0xd]  }
0xf3: {  	[spmem:s2] =	stream.indirect.scatter.add.f32 [tilespmem:s13], [sflag:$0x3], $0x80, s9, s12, $0xb8;
	[tilespmem:$0x1CC00] =	vst v63  }
0xf4: {  	_ =	swait.ge [sflag:s10], $0x4000  }
0xf5: {  	[sflag:s10] =	ssyncset.done $0x0  }
0xf6: {  	[sflag:s10] =	ssyncadd.s32 $0xFFFFC000  }
0xf7: {  	_ =	swait.ge [sflag:s16], $0x4000  }
0xf8: {  	[sflag:s16] =	ssyncset.done $0x0  }
0xf9: {  	s7 =	rddreg [dreg:$0xe];
	[sflag:s16] =	ssyncadd.s32 $0xFFFFC000  }
0xfa: {  	[tilespmem:s13], [sflag:$0x1] =	stream.indirect.gather [hbm4b:s4+s12], $0x80, s7, s12, $0xb8;
	[tilespmem:$0x1CC00] =	vst v63  }
0xfb: {  	s9 =	rddreg [dreg:$0xf]  }
0xfc: {  	[spmem:s2] =	stream.indirect.scatter.add.f32 [tilespmem:s15], [sflag:$0x3], $0x80, s9, s12, $0xb8;
	[tilespmem:$0x1CC00] =	vst v63  }
0xfd: {  	_ =	swait.ge [sflag:s10], $0x4000  }
0xfe: {  	[sflag:s10] =	ssyncset.done $0x0  }
0xff: {  	[sflag:s10] =	ssyncadd.s32 $0xFFFFC000  }
0x100: {  	_ =	swait.ge [sflag:s14], $0x4000  }
0x101: {  	[sflag:s14] =	ssyncset.done $0x0  }
0x102: {  	s7 =	rddreg [dreg:$0x10];
	[sflag:s14] =	ssyncadd.s32 $0xFFFFC000  }
0x103: {  	[tilespmem:s15], [sflag:$0x2] =	stream.indirect.gather [hbm4b:s4+s12], $0x80, s7, s12, $0xb8;
	[tilespmem:$0x1CC00] =	vst v63  }
0x104: {  	s9 =	rddreg [dreg:$0x11]  }
0x105: {  	[spmem:s2] =	stream.indirect.scatter.add.f32 [tilespmem:s13], [sflag:$0x3], $0x80, s9, s12, $0xb8;
	[tilespmem:$0x1CC00] =	vst v63  }
0x106: {  	_ =	swait.ge [sflag:s10], $0x4000  }
0x107: {  	[sflag:s10] =	ssyncset.done $0x0  }
0x108: {  	[sflag:s10] =	ssyncadd.s32 $0xFFFFC000  }
0x109: {  	_ =	swait.ge [sflag:s16], $0x4000  }
0x10a: {  	[sflag:s16] =	ssyncset.done $0x0  }
0x10b: {  	[sflag:s16] =	ssyncadd.s32 $0xFFFFC000  }
0x10c: {  	[tilespmem:s13], [sflag:$0x1] =	stream.indirect.gather [hbm4b:s4+s12], $0x80, s17, s12, $0xb8;
	[tilespmem:$0x1CC00] =	vst v63  }
0x10d: {  	_ = 	snop  }
0x10e: {  	[spmem:s2] =	stream.indirect.scatter.add.f32 [tilespmem:s15], [sflag:$0x3], $0x80, s18, s12, $0xb8;
	[tilespmem:$0x1CC00] =	vst v63  }
0x10f: {  	_ =	swait.ge [sflag:s10], $0x4000  }
0x110: {  	[sflag:s10] =	ssyncset.done $0x0  }
0x111: {  	[sflag:s10] =	ssyncadd.s32 $0xFFFFC000  }
0x112: {  	_ =	swait.ge [sflag:s14], $0x4000  }
0x113: {  	[sflag:s14] =	ssyncset.done $0x0  }
0x114: {  	[sflag:s14] =	ssyncadd.s32 $0xFFFFC000  }
0x115: {  	[tilespmem:s15], [sflag:$0x2] =	stream.indirect.gather [hbm4b:s4+s12], $0x80, s19, s12, $0xb8;
	[tilespmem:$0x1CC00] =	vst v63  }
0x116: {  	_ = 	snop  }
0x117: {  	[spmem:s2] =	stream.indirect.scatter.add.f32 [tilespmem:s13], [sflag:$0x3], $0x80, s20, s12, $0xb8;
	[tilespmem:$0x1CC00] =	vst v63  }
0x118: {  	_ =	swait.ge [sflag:s10], $0x4000  }
0x119: {  	[sflag:s10] =	ssyncset.done $0x0  }
0x11a: {  	[sflag:s10] =	ssyncadd.s32 $0xFFFFC000  }
0x11b: {  	_ =	swait.ge [sflag:s16], $0x4000  }
0x11c: {  	[sflag:s16] =	ssyncset.done $0x0  }
0x11d: {  	[sflag:s16] =	ssyncadd.s32 $0xFFFFC000  }
0x11e: {  	[tilespmem:s13], [sflag:$0x1] =	stream.indirect.gather [hbm4b:s4+s12], $0x80, s21, s12, $0xb8;
	[tilespmem:$0x1CC00] =	vst v63  }
0x11f: {  	_ = 	snop  }
0x120: {  	[spmem:s2] =	stream.indirect.scatter.add.f32 [tilespmem:s15], [sflag:$0x3], $0x80, s22, s12, $0xb8;
	[tilespmem:$0x1CC00] =	vst v63  }
0x121: {  	_ =	swait.ge [sflag:s10], $0x4000  }
0x122: {  	[sflag:s10] =	ssyncset.done $0x0  }
0x123: {  	[sflag:s10] =	ssyncadd.s32 $0xFFFFC000  }
0x124: {  	_ =	swait.ge [sflag:s14], $0x4000  }
0x125: {  	[sflag:s14] =	ssyncset.done $0x0  }
0x126: {  	[sflag:s14] =	ssyncadd.s32 $0xFFFFC000  }
0x127: {  	[tilespmem:s15], [sflag:$0x2] =	stream.indirect.gather [hbm4b:s4+s12], $0x80, s23, s12, $0xb8;
	[tilespmem:$0x1CC00] =	vst v63  }
0x128: {  	_ = 	snop  }
0x129: {  	[spmem:s2] =	stream.indirect.scatter.add.f32 [tilespmem:s13], [sflag:$0x3], $0x80, s24, s12, $0xb8;
	[tilespmem:$0x1CC00] =	vst v63  }
0x12a: {  	_ =	swait.ge [sflag:s10], $0x4000  }
0x12b: {  	[sflag:s10] =	ssyncset.done $0x0  }
0x12c: {  	[sflag:s10] =	ssyncadd.s32 $0xFFFFC000  }
0x12d: {  	_ =	swait.ge [sflag:s16], $0x4000  }
0x12e: {  	[sflag:s16] =	ssyncset.done $0x0  }
0x12f: {  	[sflag:s16] =	ssyncadd.s32 $0xFFFFC000  }
0x130: {  	[tilespmem:s13], [sflag:$0x1] =	stream.indirect.gather [hbm4b:s4+s12], $0x80, s25, s12, $0xb8;
	[tilespmem:$0x1CC00] =	vst v63  }
0x131: {  	_ = 	snop  }
0x132: {  	[spmem:s2] =	stream.indirect.scatter.add.f32 [tilespmem:s15], [sflag:$0x3], $0x80, s26, s12, $0xb8;
	[tilespmem:$0x1CC00] =	vst v63  }
0x133: {  	_ =	swait.ge [sflag:s10], $0x4000  }
0x134: {  	[sflag:s10] =	ssyncset.done $0x0  }
0x135: {  	[sflag:s10] =	ssyncadd.s32 $0xFFFFC000  }
0x136: {  	_ =	swait.ge [sflag:s14], $0x4000  }
0x137: {  	[sflag:s14] =	ssyncset.done $0x0  }
0x138: {  	[sflag:s14] =	ssyncadd.s32 $0xFFFFC000  }
0x139: {  	[tilespmem:s15], [sflag:$0x2] =	stream.indirect.gather [hbm4b:s4+s12], $0x80, s28, s12, $0xb8;
	[tilespmem:$0x1CC00] =	vst v63  }
0x13a: {  	_ = 	snop  }
0x13b: {  	[spmem:s2] =	stream.indirect.scatter.add.f32 [tilespmem:s13], [sflag:$0x3], $0x80, s29, s12, $0xb8;
	[tilespmem:$0x1CC00] =	vst v63  }
0x13c: {  	_ =	swait.ge [sflag:s10], $0x4000  }
0x13d: {  	[sflag:s10] =	ssyncset.done $0x0  }
0x13e: {  	[sflag:s10] =	ssyncadd.s32 $0xFFFFC000  }
0x13f: {  	_ =	swait.ge [sflag:s16], $0x4000  }
0x140: {  	[sflag:s16] =	ssyncset.done $0x0  }
0x141: {  	[sflag:s16] =	ssyncadd.s32 $0xFFFFC000  }
0x142: {  	[tilespmem:s13], [sflag:$0x1] =	stream.indirect.gather [hbm4b:s4+s12], $0x80, s30, s12, $0xb8;
	[tilespmem:$0x1CC00] =	vst v63  }
0x143: {  	_ = 	snop  }
0x144: {  	[spmem:s2] =	stream.indirect.scatter.add.f32 [tilespmem:s15], [sflag:$0x3], $0x80, s31, s12, $0xb8;
	[tilespmem:$0x1CC00] =	vst v63  }
0x145: {  	_ =	swait.ge [sflag:s10], $0x4000  }
0x146: {  	[sflag:s10] =	ssyncset.done $0x0  }
0x147: {  	[sflag:s10] =	ssyncadd.s32 $0xFFFFC000  }
0x148: {  	_ =	swait.ge [sflag:s14], $0x4000  }
0x149: {  	[sflag:s14] =	ssyncset.done $0x0  }
0x14a: {  	[sflag:s14] =	ssyncadd.s32 $0xFFFFC000  }
0x14b: {  	[tilespmem:s15], [sflag:$0x2] =	stream.indirect.gather [hbm4b:s4+s12], $0x80, s1, s12, $0xb8;
	[tilespmem:$0x1CC00] =	vst v63  }
0x14c: {  	_ = 	snop  }
0x14d: {  	[spmem:s2] =	stream.indirect.scatter.add.f32 [tilespmem:s13], [sflag:$0x3], $0x80, s0, s12, $0xb8;
	[tilespmem:$0x1CC00] =	vst v63  }
0x14e: {  	_ =	swait.ge [sflag:s10], $0x4000  }
0x14f: {  	[sflag:s10] =	ssyncset.done $0x0  }
0x150: {  	[sflag:s10] =	ssyncadd.s32 $0xFFFFC000  }
0x151: {  	p0 =	sne.s32 s6, $0x400;
	_ =	swait.ge [sflag:s16], $0x4000  }
.Ltmp0:
0x152: {  	[sflag:s16] =	ssyncset.done $0x0;
	(pc) =	sbr.rel @p0 .LBB2_2-.Ltmp0, $4  }
0x153: {  	[sflag:s16] =	ssyncadd.s32 $0xFFFFC000  }
0x154: {  	[spmem:s2] =	stream.indirect.scatter.add.f32 [tilespmem:s15], [sflag:$0x3], $0x80, s5, s12, $0xb8;
	[tilespmem:$0x1CC00] =	vst v63  }
0x155: {  	_ =	swait.ge [sflag:s10], $0x4000  }
0x156: {  	s6 =	sadd.s32 $0x100, s6;
	s9 =	rddreg [dreg:$0x4];
	[sflag:s10] =	ssyncset.done $0x0  }
0x157: {  	[sflag:s10] =	ssyncadd.s32 $0xFFFFC000;
	s6 =	sadd.s32 s8, s9  }
0x158: {  	[tilespmem:s3], [sflag:$0x3] =	stream.linear.gather [hbm4b:s6+s3], $0x800, $0x38;
	[tilespmem:$0x1CC00] =	vst v63  }
0x159: {  	_ =	swait.ge [sflag:s10], $0x800  }
0x15a: {  	s7 =	rddreg [dreg:$0x5];
	[sflag:s10] =	ssyncset.done $0x0  }
0x15b: {  	[sflag:s10] =	ssyncadd.s32 $0xFFFFF800;
	s6 =	sadd.s32 s8, s7  }
0x15c: {  	[tilespmem:s11], [sflag:$0x3] =	stream.linear.gather [hbm4b:s6+s3], $0x800, $0x38;
	[tilespmem:$0x1CC00] =	vst v63  }
0x15d: {  	_ =	swait.ge [sflag:s10], $0x800  }
0x15e: {  	[sflag:s10] =	ssyncset.done $0x0  }
0x15f: {  	[sflag:s10] =	ssyncadd.s32 $0xFFFFF800  }
0x160: {  	[tilespmem:s13], [sflag:$0x1] =	stream.indirect.gather [hbm4b:s4+s12], $0x80, s3, s12, $0xb8;
	[tilespmem:$0x1CC00] =	vst v63  }
0x161: {  	_ =	swait.ge [sflag:s14], $0x4000  }
0x162: {  	[sflag:s14] =	ssyncset.done $0x0  }
0x163: {  	[sflag:s14] =	ssyncadd.s32 $0xFFFFC000  }
0x164: {  	[tilespmem:s15], [sflag:$0x2] =	stream.indirect.gather [hbm4b:s4+s12], $0x80, s12, s12, $0xb8;
	[tilespmem:$0x1CC00] =	vst v63  }
0x165: {  	_ = 	snop  }
0x166: {  	[spmem:s2] =	stream.indirect.scatter.add.f32 [tilespmem:s13], [sflag:$0x3], $0x80, s11, s12, $0xb8;
	[tilespmem:$0x1CC00] =	vst v63  }
0x167: {  	_ =	swait.ge [sflag:s10], $0x4000  }
0x168: {  	[sflag:s10] =	ssyncset.done $0x0  }
0x169: {  	[sflag:s10] =	ssyncadd.s32 $0xFFFFC000  }
0x16a: {  	_ =	swait.ge [sflag:s16], $0x4000  }
0x16b: {  	[sflag:s16] =	ssyncset.done $0x0  }
0x16c: {  	s9 =	rddreg [dreg:$0x6];
	[sflag:s16] =	ssyncadd.s32 $0xFFFFC000  }
0x16d: {  	[tilespmem:s13], [sflag:$0x1] =	stream.indirect.gather [hbm4b:s4+s12], $0x80, s9, s12, $0xb8;
	[tilespmem:$0x1CC00] =	vst v63  }
0x16e: {  	s7 =	rddreg [dreg:$0x7]  }
0x16f: {  	[spmem:s2] =	stream.indirect.scatter.add.f32 [tilespmem:s15], [sflag:$0x3], $0x80, s7, s12, $0xb8;
	[tilespmem:$0x1CC00] =	vst v63  }
0x170: {  	_ =	swait.ge [sflag:s10], $0x4000  }
0x171: {  	[sflag:s10] =	ssyncset.done $0x0  }
0x172: {  	[sflag:s10] =	ssyncadd.s32 $0xFFFFC000  }
0x173: {  	_ =	swait.ge [sflag:s14], $0x4000  }
0x174: {  	[sflag:s14] =	ssyncset.done $0x0  }
0x175: {  	s8 =	rddreg [dreg:$0x8];
	[sflag:s14] =	ssyncadd.s32 $0xFFFFC000  }
0x176: {  	[tilespmem:s15], [sflag:$0x2] =	stream.indirect.gather [hbm4b:s4+s12], $0x80, s8, s12, $0xb8;
	[tilespmem:$0x1CC00] =	vst v63  }
0x177: {  	s9 =	rddreg [dreg:$0x9]  }
0x178: {  	[spmem:s2] =	stream.indirect.scatter.add.f32 [tilespmem:s13], [sflag:$0x3], $0x80, s9, s12, $0xb8;
	[tilespmem:$0x1CC00] =	vst v63  }
0x179: {  	_ =	swait.ge [sflag:s10], $0x4000  }
0x17a: {  	[sflag:s10] =	ssyncset.done $0x0  }
0x17b: {  	[sflag:s10] =	ssyncadd.s32 $0xFFFFC000  }
0x17c: {  	_ =	swait.ge [sflag:s16], $0x4000  }
0x17d: {  	[sflag:s16] =	ssyncset.done $0x0  }
0x17e: {  	s8 =	rddreg [dreg:$0xa];
	[sflag:s16] =	ssyncadd.s32 $0xFFFFC000  }
0x17f: {  	[tilespmem:s13], [sflag:$0x1] =	stream.indirect.gather [hbm4b:s4+s12], $0x80, s8, s12, $0xb8;
	[tilespmem:$0x1CC00] =	vst v63  }
0x180: {  	s9 =	rddreg [dreg:$0xb]  }
0x181: {  	[spmem:s2] =	stream.indirect.scatter.add.f32 [tilespmem:s15], [sflag:$0x3], $0x80, s9, s12, $0xb8;
	[tilespmem:$0x1CC00] =	vst v63  }
0x182: {  	_ =	swait.ge [sflag:s10], $0x4000  }
0x183: {  	[sflag:s10] =	ssyncset.done $0x0  }
0x184: {  	[sflag:s10] =	ssyncadd.s32 $0xFFFFC000  }
0x185: {  	_ =	swait.ge [sflag:s14], $0x4000  }
0x186: {  	[sflag:s14] =	ssyncset.done $0x0  }
0x187: {  	s8 =	rddreg [dreg:$0xc];
	[sflag:s14] =	ssyncadd.s32 $0xFFFFC000  }
0x188: {  	[tilespmem:s15], [sflag:$0x2] =	stream.indirect.gather [hbm4b:s4+s12], $0x80, s8, s12, $0xb8;
	[tilespmem:$0x1CC00] =	vst v63  }
0x189: {  	s9 =	rddreg [dreg:$0xd]  }
0x18a: {  	[spmem:s2] =	stream.indirect.scatter.add.f32 [tilespmem:s13], [sflag:$0x3], $0x80, s9, s12, $0xb8;
	[tilespmem:$0x1CC00] =	vst v63  }
0x18b: {  	_ =	swait.ge [sflag:s10], $0x4000  }
0x18c: {  	[sflag:s10] =	ssyncset.done $0x0  }
0x18d: {  	[sflag:s10] =	ssyncadd.s32 $0xFFFFC000  }
0x18e: {  	_ =	swait.ge [sflag:s16], $0x4000  }
0x18f: {  	[sflag:s16] =	ssyncset.done $0x0  }
0x190: {  	s8 =	rddreg [dreg:$0xe];
	[sflag:s16] =	ssyncadd.s32 $0xFFFFC000  }
0x191: {  	[tilespmem:s13], [sflag:$0x1] =	stream.indirect.gather [hbm4b:s4+s12], $0x80, s8, s12, $0xb8;
	[tilespmem:$0x1CC00] =	vst v63  }
0x192: {  	s9 =	rddreg [dreg:$0xf]  }
0x193: {  	[spmem:s2] =	stream.indirect.scatter.add.f32 [tilespmem:s15], [sflag:$0x3], $0x80, s9, s12, $0xb8;
	[tilespmem:$0x1CC00] =	vst v63  }
0x194: {  	_ =	swait.ge [sflag:s10], $0x4000  }
0x195: {  	[sflag:s10] =	ssyncset.done $0x0  }
0x196: {  	[sflag:s10] =	ssyncadd.s32 $0xFFFFC000  }
0x197: {  	_ =	swait.ge [sflag:s14], $0x4000  }
0x198: {  	[sflag:s14] =	ssyncset.done $0x0  }
0x199: {  	s7 =	rddreg [dreg:$0x10];
	[sflag:s14] =	ssyncadd.s32 $0xFFFFC000  }
0x19a: {  	[tilespmem:s15], [sflag:$0x2] =	stream.indirect.gather [hbm4b:s4+s12], $0x80, s7, s12, $0xb8;
	[tilespmem:$0x1CC00] =	vst v63  }
0x19b: {  	s8 =	rddreg [dreg:$0x11]  }
0x19c: {  	[spmem:s2] =	stream.indirect.scatter.add.f32 [tilespmem:s13], [sflag:$0x3], $0x80, s8, s12, $0xb8;
	[tilespmem:$0x1CC00] =	vst v63  }
0x19d: {  	_ =	swait.ge [sflag:s10], $0x4000  }
0x19e: {  	[sflag:s10] =	ssyncset.done $0x0  }
0x19f: {  	[sflag:s10] =	ssyncadd.s32 $0xFFFFC000  }
0x1a0: {  	_ =	swait.ge [sflag:s16], $0x4000  }
0x1a1: {  	[sflag:s16] =	ssyncset.done $0x0  }
0x1a2: {  	[sflag:s16] =	ssyncadd.s32 $0xFFFFC000  }
0x1a3: {  	[tilespmem:s13], [sflag:$0x1] =	stream.indirect.gather [hbm4b:s4+s12], $0x80, s17, s12, $0xb8;
	[tilespmem:$0x1CC00] =	vst v63  }
0x1a4: {  	_ = 	snop  }
0x1a5: {  	[spmem:s2] =	stream.indirect.scatter.add.f32 [tilespmem:s15], [sflag:$0x3], $0x80, s18, s12, $0xb8;
	[tilespmem:$0x1CC00] =	vst v63  }
0x1a6: {  	_ =	swait.ge [sflag:s10], $0x4000  }
0x1a7: {  	[sflag:s10] =	ssyncset.done $0x0  }
0x1a8: {  	[sflag:s10] =	ssyncadd.s32 $0xFFFFC000  }
0x1a9: {  	_ =	swait.ge [sflag:s14], $0x4000  }
0x1aa: {  	[sflag:s14] =	ssyncset.done $0x0  }
0x1ab: {  	[sflag:s14] =	ssyncadd.s32 $0xFFFFC000  }
0x1ac: {  	[tilespmem:s15], [sflag:$0x2] =	stream.indirect.gather [hbm4b:s4+s12], $0x80, s19, s12, $0xb8;
	[tilespmem:$0x1CC00] =	vst v63  }
0x1ad: {  	_ = 	snop  }
0x1ae: {  	[spmem:s2] =	stream.indirect.scatter.add.f32 [tilespmem:s13], [sflag:$0x3], $0x80, s20, s12, $0xb8;
	[tilespmem:$0x1CC00] =	vst v63  }
0x1af: {  	_ =	swait.ge [sflag:s10], $0x4000  }
0x1b0: {  	[sflag:s10] =	ssyncset.done $0x0  }
0x1b1: {  	[sflag:s10] =	ssyncadd.s32 $0xFFFFC000  }
0x1b2: {  	_ =	swait.ge [sflag:s16], $0x4000  }
0x1b3: {  	[sflag:s16] =	ssyncset.done $0x0  }
0x1b4: {  	[sflag:s16] =	ssyncadd.s32 $0xFFFFC000  }
0x1b5: {  	[tilespmem:s13], [sflag:$0x1] =	stream.indirect.gather [hbm4b:s4+s12], $0x80, s21, s12, $0xb8;
	[tilespmem:$0x1CC00] =	vst v63  }
0x1b6: {  	_ = 	snop  }
0x1b7: {  	[spmem:s2] =	stream.indirect.scatter.add.f32 [tilespmem:s15], [sflag:$0x3], $0x80, s22, s12, $0xb8;
	[tilespmem:$0x1CC00] =	vst v63  }
0x1b8: {  	_ =	swait.ge [sflag:s10], $0x4000  }
0x1b9: {  	[sflag:s10] =	ssyncset.done $0x0  }
0x1ba: {  	[sflag:s10] =	ssyncadd.s32 $0xFFFFC000  }
0x1bb: {  	_ =	swait.ge [sflag:s14], $0x4000  }
0x1bc: {  	[sflag:s14] =	ssyncset.done $0x0  }
0x1bd: {  	[sflag:s14] =	ssyncadd.s32 $0xFFFFC000  }
0x1be: {  	[tilespmem:s15], [sflag:$0x2] =	stream.indirect.gather [hbm4b:s4+s12], $0x80, s23, s12, $0xb8;
	[tilespmem:$0x1CC00] =	vst v63  }
0x1bf: {  	_ = 	snop  }
0x1c0: {  	[spmem:s2] =	stream.indirect.scatter.add.f32 [tilespmem:s13], [sflag:$0x3], $0x80, s24, s12, $0xb8;
	[tilespmem:$0x1CC00] =	vst v63  }
0x1c1: {  	_ =	swait.ge [sflag:s10], $0x4000  }
0x1c2: {  	[sflag:s10] =	ssyncset.done $0x0  }
0x1c3: {  	[sflag:s10] =	ssyncadd.s32 $0xFFFFC000  }
0x1c4: {  	_ =	swait.ge [sflag:s16], $0x4000  }
0x1c5: {  	[sflag:s16] =	ssyncset.done $0x0  }
0x1c6: {  	[sflag:s16] =	ssyncadd.s32 $0xFFFFC000  }
0x1c7: {  	[tilespmem:s13], [sflag:$0x1] =	stream.indirect.gather [hbm4b:s4+s12], $0x80, s25, s12, $0xb8;
	[tilespmem:$0x1CC00] =	vst v63  }
0x1c8: {  	_ = 	snop  }
0x1c9: {  	[spmem:s2] =	stream.indirect.scatter.add.f32 [tilespmem:s15], [sflag:$0x3], $0x80, s26, s12, $0xb8;
	[tilespmem:$0x1CC00] =	vst v63  }
0x1ca: {  	_ =	swait.ge [sflag:s10], $0x4000  }
0x1cb: {  	[sflag:s10] =	ssyncset.done $0x0  }
0x1cc: {  	[sflag:s10] =	ssyncadd.s32 $0xFFFFC000  }
0x1cd: {  	_ =	swait.ge [sflag:s14], $0x4000  }
0x1ce: {  	[sflag:s14] =	ssyncset.done $0x0  }
0x1cf: {  	[sflag:s14] =	ssyncadd.s32 $0xFFFFC000  }
0x1d0: {  	[tilespmem:s15], [sflag:$0x2] =	stream.indirect.gather [hbm4b:s4+s12], $0x80, s28, s12, $0xb8;
	[tilespmem:$0x1CC00] =	vst v63  }
0x1d1: {  	_ = 	snop  }
0x1d2: {  	[spmem:s2] =	stream.indirect.scatter.add.f32 [tilespmem:s13], [sflag:$0x3], $0x80, s29, s12, $0xb8;
	[tilespmem:$0x1CC00] =	vst v63  }
0x1d3: {  	_ =	swait.ge [sflag:s10], $0x4000  }
0x1d4: {  	[sflag:s10] =	ssyncset.done $0x0  }
0x1d5: {  	[sflag:s10] =	ssyncadd.s32 $0xFFFFC000  }
0x1d6: {  	_ =	swait.ge [sflag:s16], $0x4000  }
0x1d7: {  	[sflag:s16] =	ssyncset.done $0x0  }
0x1d8: {  	[sflag:s16] =	ssyncadd.s32 $0xFFFFC000  }
0x1d9: {  	[tilespmem:s13], [sflag:$0x1] =	stream.indirect.gather [hbm4b:s4+s12], $0x80, s30, s12, $0xb8;
	[tilespmem:$0x1CC00] =	vst v63  }
0x1da: {  	_ = 	snop  }
0x1db: {  	[spmem:s2] =	stream.indirect.scatter.add.f32 [tilespmem:s15], [sflag:$0x3], $0x80, s31, s12, $0xb8;
	[tilespmem:$0x1CC00] =	vst v63  }
0x1dc: {  	_ =	swait.ge [sflag:s10], $0x4000  }
0x1dd: {  	[sflag:s10] =	ssyncset.done $0x0  }
0x1de: {  	[sflag:s10] =	ssyncadd.s32 $0xFFFFC000  }
0x1df: {  	_ =	swait.ge [sflag:s14], $0x4000  }
0x1e0: {  	[sflag:s14] =	ssyncset.done $0x0  }
0x1e1: {  	[sflag:s14] =	ssyncadd.s32 $0xFFFFC000  }
0x1e2: {  	[tilespmem:s15], [sflag:$0x2] =	stream.indirect.gather [hbm4b:s4+s12], $0x80, s1, s12, $0xb8;
	[tilespmem:$0x1CC00] =	vst v63  }
0x1e3: {  	_ = 	snop  }
0x1e4: {  	[spmem:s2] =	stream.indirect.scatter.add.f32 [tilespmem:s13], [sflag:$0x3], $0x80, s0, s12, $0xb8;
	[tilespmem:$0x1CC00] =	vst v63  }
0x1e5: {  	_ =	swait.ge [sflag:s10], $0x4000  }
0x1e6: {  	[sflag:s10] =	ssyncset.done $0x0  }
0x1e7: {  	[sflag:s10] =	ssyncadd.s32 $0xFFFFC000  }
0x1e8: {  	_ =	swait.ge [sflag:s16], $0x4000  }
0x1e9: {  	[sflag:s16] =	ssyncset.done $0x0  }
0x1ea: {  	[sflag:s16] =	ssyncadd.s32 $0xFFFFC000  }
0x1eb: {  	[spmem:s2] =	stream.indirect.scatter.add.f32 [tilespmem:s15], [sflag:$0x3], $0x80, s5, s12, $0xb8;
	[tilespmem:$0x1CC00] =	vst v63  }
0x1ec: {  	_ =	swait.ge [sflag:s10], $0x4000  }
0x1ed: {  	[sflag:s10] =	ssyncset.done $0x0  }
0x1ee: {  	[sflag:s10] =	ssyncadd.s32 $0xFFFFC000  }
0x1ef: {  	[bflag:$0x0] =	sbarrier.arrive $0xFFFF  }
0x1f0: {  	s7 =	rddreg [dreg:$0x13]  }
0x1f1: {  	s9 =	rddreg [dreg:$0x14]  }
0x1f2: {  	s8 =	rddreg [dreg:$0x16]  }
0x1f3: {  	[hbm:s9], [sflag:s7] =	dma.local [spmem:s8], $0x2780  }
0x1f4: {  	_ =	swait.ge [sflag:s10], $0x2780  }
0x1f5: {  	s6 =	rddreg [dreg:$0x17]  }
0x1f6: {  	s9 =	sadd.s32 $0x1, s6;
	s6 =	rddreg [dreg:$0x15]  }
0x1f7: {  	p0 =	sne.s32 s9, s6  }
.Ltmp1:
0x1f8: {  	_ = 	snop;
	(pc) =	sbr.rel @p0 .LBB2_1-.Ltmp1, $3  }
0x1f9: {  	_ =	sdelay $0x1  }
0x1fa: {  	[sflag:s10] =	ssyncset.done $0x0  }
0x1fb: {  	[sflag:s10] =	ssyncadd.s32 $0xFFFFD880  }
0x1fc: {  	_ =	sfence.sel $0x180000  }
0x1fd: {  	[bflag:$0x0] =	sbarrier.arrive $0xFFFF  }
0x1fe: {  	_ =	strace $0x90000047  }
0x1ff: {  	s0 =	stileid.u32;
	[bflag:$0x2] =	sbarrier.arrive $0xFFFF  }
0x200: {  	p0 =	sne.s32 s0, $0x0;
	s0 =	rddreg [dreg:$0x3]  }
0x201: {  	s0 =	sadd.s32 @!p0 $0x100000, s0  }
0x202: {  	[sflag:s0] =	ssyncadd.tile.s32 @!p0 $0x1;
	_ =	shalt  }
.Lfunc_end2:
_tile_overlayer_lowered:
.L_overlay_start_2:
0x203: {  	(tag) =	ssettag $0x2  }
0x204: {  	s0 =	rddreg [dreg:$0x0];
	s2 =	stileid.u32  }
0x205: {  	s1 =	rddreg [dreg:$0x1];
	p0 =	sne.s32 s2, $0x0  }
0x206: {  	s3 =	rddreg [dreg:$0x2];
	[bflag:$0x3] =	sbarrier.arrive $0xFFFF;
	s2 =	simm.s32 @!p0 $0x1C03  }
0x207: {  	[timem:s3], [sflag:s2] =	dma.local @!p0 [hbm:s0], s1  }
0x208: {  	s0 =	simm.s32 @!p0 $0x3  }
0x209: {  	_ =	swait.ge @!p0 [sflag:s0], s1  }
0x20a: {  	s1 =	ssub.s32 @!p0 $0x0, s1;
	[sflag:s0] =	ssyncset.done @!p0 $0x0  }
0x20b: {  	[sflag:s0] =	ssyncadd.s32 @!p0 s1  }
0x20c: {  	[bflag:$0x3] =	sbarrier.arrive $0xFFFF  }
0x20d: {  	_ =	shalt  }

</sc_bundles>
